<compile_context>
chip_gen: v7x
topology: tpu7x:2x2x1
jax: 0.10.2.dev20260603
libtpu: 0.0.44.dev20260713+nightly
codegen_flags: <defaults>
</compile_context>

<pallas_src>
import jax
import jax.numpy as jnp
from jax import lax
from jax.experimental import pallas as pl
from jax.experimental.pallas import tpu as pltpu
from jax.experimental.pallas import tpu_sc as plsc

B, N, H, W = 2, 2048, 128, 3
EPS = 1e-8
EPS2 = EPS * EPS
C = 16
NW = 32
LANES = 16
NCG = H // LANES
OFFS = (-3, -2, -1, 1, 2, 3)
VROWS = C + 16
UROWS = C + 6
XROWS = C + 16


def _rsqrt_nr(s):
    i = lax.bitcast_convert_type(s, jnp.int32)
    y = lax.bitcast_convert_type(jnp.int32(0x5F3759DF) - (i >> 1), jnp.float32)
    for _ in range(2):
        y = y * (1.5 - 0.5 * s * y * y)
    return y


def _inv_norm(s):
    return _rsqrt_nr(jnp.maximum(s, EPS2))


def _sigmoid(z):
    return 1.0 / (1.0 + jnp.exp(-z))


def _sc_body(vec_hbm, x_hbm, w_hbm, q_hbm, k_hbm, vecl, xl, ul, ql, kl, wl):
    wid = lax.axis_index("s") * 2 + lax.axis_index("c")
    n0 = wid * C
    sv = jnp.clip(n0 - 8, 0, N - VROWS)
    sx = jnp.clip(n0 - 8, 0, N - XROWS)

    pltpu.sync_copy(w_hbm, wl)

    if True:
        bb = 0
        pltpu.sync_copy(
            vec_hbm.at[pl.ds(pl.multiple_of(3 * (bb + sv), 8), 3 * VROWS)],
            vecl)
        pltpu.sync_copy(
            x_hbm.at[pl.ds(pl.multiple_of(bb + sx, 8), XROWS)], xl)

        def phase_a(ii, _):
            n = n0 - 3 + ii
            r = jnp.clip(n - sv, 0, VROWS - 1)
            vi_ok = jnp.where((n >= 0) & (n < N), 1.0, 0.0)

            def ch_a(c, _):
                cs = c * LANES
                sl = pl.ds(cs, LANES)
                vix = vecl[3 * r, sl]
                viy = vecl[3 * r + 1, sl]
                viz = vecl[3 * r + 2, sl]
                ux = jnp.zeros((LANES,), jnp.float32)
                uy = jnp.zeros((LANES,), jnp.float32)
                uz = jnp.zeros((LANES,), jnp.float32)
                for o in OFFS:
                    n2 = n + o
                    r2 = jnp.clip(n2 - sv, 0, VROWS - 1)
                    bx = vecl[3 * r2, sl] - vix
                    by = vecl[3 * r2 + 1, sl] - viy
                    bz = vecl[3 * r2 + 2, sl] - viz
                    s = bx * bx + by * by + bz * bz
                    ok = vi_ok * jnp.where((n2 >= 0) & (n2 < N), 1.0, 0.0)
                    f = _inv_norm(s) * ok
                    ux = ux + bx * f
                    uy = uy + by * f
                    uz = uz + bz * f
                ul[5 * ii, sl] = ux
                ul[5 * ii + 1, sl] = uy
                ul[5 * ii + 2, sl] = uz
                s_u = ux * ux + uy * uy + uz * uz
                ul[5 * ii + 3, sl] = _inv_norm(s_u)
                ul[5 * ii + 4, sl] = s_u
                return 0

            lax.fori_loop(0, NCG, ch_a, 0, unroll=False)
            return 0

        lax.fori_loop(0, UROWS, phase_a, 0, unroll=False)

        def phase_b(c, _):
            cs = c * LANES
            sl = pl.ds(cs, LANES)
            w0q = wl[0, sl]
            w1q = wl[1, sl]
            w2q = wl[2, sl]
            w0k = wl[3, sl]
            w1k = wl[4, sl]
            w2k = wl[5, sl]
            zero = jnp.zeros((LANES,), jnp.float32)

            def node_b(i, carry):
                aq, ak, bq, bk, cq, ck = carry
                n = n0 - 3 + i
                r = jnp.clip(n - sv, 0, VROWS - 1)
                vax = vecl[3 * r, sl]
                vay = vecl[3 * r + 1, sl]
                vaz = vecl[3 * r + 2, sl]
                uax = ul[5 * i, sl]
                uay = ul[5 * i + 1, sl]
                uaz = ul[5 * i + 2, sl]
                inv_ua = ul[5 * i + 3, sl]
                s_ua = ul[5 * i + 4, sl]
                xa = xl[jnp.clip(n - sx, 0, XROWS - 1), sl]
                q_fwd = zero
                k_fwd = zero
                rvq = []
                rvk = []
                for o in (1, 2, 3):
                    nb = n + o
                    ok = jnp.where((n >= 0) & (nb < N), 1.0, 0.0)
                    rb = jnp.clip(nb - sv, 0, VROWS - 1)
                    bx = vecl[3 * rb, sl] - vax
                    by = vecl[3 * rb + 1, sl] - vay
                    bz = vecl[3 * rb + 2, sl] - vaz
                    s_e = bx * bx + by * by + bz * bz
                    inv_e = _inv_norm(s_e)
                    ib = i + o
                    ubx = ul[5 * ib, sl]
                    uby = ul[5 * ib + 1, sl]
                    ubz = ul[5 * ib + 2, sl]
                    inv_ub = ul[5 * ib + 3, sl]
                    s_ub = ul[5 * ib + 4, sl]
                    p_a = uax * bx + uay * by + uaz * bz
                    p_b = ubx * bx + uby * by + ubz * bz
                    d_a = p_a * inv_e
                    d_b = p_b * inv_e
                    ang_ab = jnp.maximum(jnp.minimum(d_a * inv_ua, 1.0), -1.0)
                    ang_ba = jnp.maximum(
                        jnp.minimum(0.0 - d_b * inv_ub, 1.0), -1.0)
                    s_pa = s_ua - d_a * d_a
                    s_pb = s_ub - d_b * d_b
                    uaub = uax * ubx + uay * uby + uaz * ubz
                    dotp = uaub - d_a * d_b
                    spp = jnp.maximum(s_pa, EPS2) * jnp.maximum(s_pb, EPS2)
                    dih = dotp * _rsqrt_nr(spp)
                    dih = jnp.maximum(jnp.minimum(dih, 1.0), -1.0)
                    tq = dih * w1q + w2q
                    tk = dih * w1k + w2k
                    gq_ab = _sigmoid(tq + ang_ab * w0q)
                    gq_ba = _sigmoid(tq + ang_ba * w0q)
                    gk_ab = _sigmoid(tk + ang_ab * w0k)
                    gk_ba = _sigmoid(tk + ang_ba * w0k)
                    xb_ok = xl[jnp.clip(nb - sx, 0, XROWS - 1), sl] * ok
                    xa_ok = xa * ok
                    q_fwd = q_fwd + gq_ab * xb_ok
                    k_fwd = k_fwd + gk_ab * xb_ok
                    rvq.append(gq_ba * xa_ok)
                    rvk.append(gk_ba * xa_ok)
                ql[i, sl] = q_fwd + aq
                kl[i, sl] = k_fwd + ak
                return (bq + rvq[0], bk + rvk[0],
                        cq + rvq[1], ck + rvk[1],
                        rvq[2], rvk[2])

            lax.fori_loop(0, C + 3, node_b, (zero,) * 6, unroll=False)
            return 0

        lax.fori_loop(0, NCG, phase_b, 0, unroll=False)

        pltpu.sync_copy(ql.at[pl.ds(3, C)],
                        q_hbm.at[pl.ds(pl.multiple_of(bb + n0, 8), C)])
        pltpu.sync_copy(kl.at[pl.ds(3, C)],
                        k_hbm.at[pl.ds(pl.multiple_of(bb + n0, 8), C)])



SC_ROWS = NW * C
TC_ROWS = B * N - SC_ROWS
UPAD = 8
PAD = 8


def _inv_norm_tc(s):
    return lax.rsqrt(jnp.maximum(s, EPS2))


def _tc_body(vx, vy, vz, xp, wr, q_ref, k_ref):
    ub = SC_ROWS - UPAD
    ru = TC_ROWS + UPAD + 3
    P = ru - 3
    lo = UPAD
    iu = lax.broadcasted_iota(jnp.int32, (ru, 1), 0)
    nu = (ub + iu) % N

    def vsl(ref, base, rows, o):
        return ref[pl.ds(base + o, rows), :]

    eb = ub - 3
    re = ru + 3
    ie = lax.broadcasted_iota(jnp.int32, (re, 1), 0)
    ne = (eb + ie) % N
    ex = {}
    ey = {}
    ez = {}
    vx0e = vsl(vx, eb, re, 0)
    vy0e = vsl(vy, eb, re, 0)
    vz0e = vsl(vz, eb, re, 0)
    for o in (1, 2, 3):
        okm = ((ne + o < N)).astype(jnp.float32)
        bx = vsl(vx, eb, re, o) - vx0e
        by = vsl(vy, eb, re, o) - vy0e
        bz = vsl(vz, eb, re, o) - vz0e
        s = bx * bx + by * by + bz * bz
        f = _inv_norm_tc(s) * okm
        ex[o] = bx * f
        ey[o] = by * f
        ez[o] = bz * f
    ux = jnp.zeros((ru, H), jnp.float32)
    uy = jnp.zeros((ru, H), jnp.float32)
    uz = jnp.zeros((ru, H), jnp.float32)
    for o in (1, 2, 3):
        ux = ux + ex[o][3:3 + ru] - ex[o][3 - o:3 - o + ru]
        uy = uy + ey[o][3:3 + ru] - ey[o][3 - o:3 - o + ru]
        uz = uz + ez[o][3:3 + ru] - ez[o][3 - o:3 - o + ru]
    s_u = ux * ux + uy * uy + uz * uz
    inv_u = _inv_norm_tc(s_u)

    w0q = wr[0:1, :]
    w1q = wr[1:2, :]
    w2q = wr[2:3, :]
    w0k = wr[3:4, :]
    w1k = wr[4:5, :]
    w2k = wr[5:6, :]
    q = jnp.zeros((TC_ROWS, H), jnp.float32)
    k = jnp.zeros((TC_ROWS, H), jnp.float32)
    nup = nu[:P]
    for o in (1, 2, 3):
        okm = ((nup + o < N)).astype(jnp.float32)
        eax = ex[o][3:3 + P]
        eay = ey[o][3:3 + P]
        eaz = ez[o][3:3 + P]
        uax = ux[:P]
        uay = uy[:P]
        uaz = uz[:P]
        ubx = ux[o:o + P]
        uby = uy[o:o + P]
        ubz = uz[o:o + P]
        d_a = uax * eax + uay * eay + uaz * eaz
        d_b = ubx * eax + uby * eay + ubz * eaz
        ang_ab = jnp.maximum(jnp.minimum(d_a * inv_u[:P], 1.0), -1.0)
        ang_ba = jnp.maximum(
            jnp.minimum(0.0 - d_b * inv_u[o:o + P], 1.0), -1.0)
        s_pa = s_u[:P] - d_a * d_a
        s_pb = s_u[o:o + P] - d_b * d_b
        uaub = uax * ubx + uay * uby + uaz * ubz
        dotp = uaub - d_a * d_b
        spp = jnp.maximum(s_pa, EPS2) * jnp.maximum(s_pb, EPS2)
        dih = dotp * lax.rsqrt(spp)
        dih = jnp.maximum(jnp.minimum(dih, 1.0), -1.0)
        tq = dih * w1q + w2q
        tk = dih * w1k + w2k
        xa_ok = vsl(xp, ub, P, 0) * okm
        xb_ok = vsl(xp, ub, P, o) * okm
        fq = _sigmoid(tq + ang_ab * w0q) * xb_ok
        fk = _sigmoid(tk + ang_ab * w0k) * xb_ok
        rq = _sigmoid(tq + ang_ba * w0q) * xa_ok
        rk = _sigmoid(tk + ang_ba * w0k) * xa_ok
        q = q + fq[lo:lo + TC_ROWS] + rq[lo - o:lo - o + TC_ROWS]
        k = k + fk[lo:lo + TC_ROWS] + rk[lo - o:lo - o + TC_ROWS]
    q_ref[...] = q
    k_ref[...] = k


@jax.jit
def kernel(x_scalar, vec, w_angle_q, w_dih_q, b_q, w_angle_k, w_dih_k, b_k):
    x_full = x_scalar.reshape(B * N, H)
    vec_r = vec.reshape(B * N * 3, H)[:3 * (SC_ROWS + 8)]
    x_r = x_full[:SC_ROWS + 8]
    zrow = jnp.zeros_like(b_q)
    w_all = jnp.stack(
        [w_angle_q, w_dih_q, b_q, w_angle_k, w_dih_k, b_k, zrow, zrow])

    mesh = plsc.VectorSubcoreMesh(core_axis_name="c", subcore_axis_name="s")
    run = pl.kernel(
        _sc_body,
        out_type=(
            jax.ShapeDtypeStruct((SC_ROWS, H), jnp.float32),
            jax.ShapeDtypeStruct((SC_ROWS, H), jnp.float32),
        ),
        mesh=mesh,
        scratch_types=[
            pltpu.VMEM((3 * VROWS, H), jnp.float32),
            pltpu.VMEM((XROWS, H), jnp.float32),
            pltpu.VMEM((5 * UROWS, H), jnp.float32),
            pltpu.VMEM((C + 3, H), jnp.float32),
            pltpu.VMEM((C + 3, H), jnp.float32),
            pltpu.VMEM((8, H), jnp.float32),
        ],
    )
    q_sc, k_sc = run(vec_r, x_r, w_all)

    pad = jnp.zeros((PAD, H), jnp.float32)
    vxp = jnp.concatenate([vec[:, :, 0, :].reshape(B * N, H), pad])
    vyp = jnp.concatenate([vec[:, :, 1, :].reshape(B * N, H), pad])
    vzp = jnp.concatenate([vec[:, :, 2, :].reshape(B * N, H), pad])
    xp = jnp.concatenate([x_full, pad])
    q_tc, k_tc = _tc_call(vxp, vyp, vzp, xp, w_all)

    q_r = jnp.concatenate([q_sc, q_tc])
    k_r = jnp.concatenate([k_sc, k_tc])
    return q_r.reshape(B, N, H), k_r.reshape(B, N, H)


def _tc_call(vxp, vyp, vzp, xp, w_all):
    return pl.pallas_call(
        _tc_body,
        out_shape=(
            jax.ShapeDtypeStruct((TC_ROWS, H), jnp.float32),
            jax.ShapeDtypeStruct((TC_ROWS, H), jnp.float32),
        ),
    )(vxp, vyp, vzp, xp, w_all)

# --- scband reference (transcript-rebuilt; emitter-appended) ---
"""Pipeline reference for scband-local-qkconv-25280177504269 (READ-ONLY COPY).

The authoritative reference and input builder live on the scoring server;
editing this copy changes nothing except your own understanding.
"""

import jax, jax.numpy as jnp
import numpy as np

B, N, H, W, EPS = 2, 2048, 128, 3, 1e-08


def _make_seq_edges(n, w):
    i = np.arange(n)
    offsets = np.concatenate([np.arange(-w, 0), np.arange(1, w + 1)])
    j_mat = i[:, None] + offsets[None, :]
    mask = (j_mat >= 0) & (j_mat < n)
    src = np.broadcast_to(i[:, None], j_mat.shape)[mask]
    dst = j_mat[mask]
    return jnp.asarray(src, dtype=jnp.int64), jnp.asarray(dst, dtype=jnp.int64)


def setup_inputs(seed: int = 0) -> dict:
    key = jax.random.key(seed)
    ks = jax.random.split(key, 8)
    x_scalar = jax.random.normal(ks[0], (B, N, H), dtype=jnp.float32)
    vec = jax.random.normal(ks[1], (B, N, 3, H), dtype=jnp.float32)
    w_angle_q = jax.random.normal(ks[2], (H,), dtype=jnp.float32) * 0.1
    w_dih_q = jax.random.normal(ks[3], (H,), dtype=jnp.float32) * 0.1
    b_q = jax.random.normal(ks[4], (H,), dtype=jnp.float32) * 0.1
    w_angle_k = jax.random.normal(ks[5], (H,), dtype=jnp.float32) * 0.1
    w_dih_k = jax.random.normal(ks[6], (H,), dtype=jnp.float32) * 0.1
    b_k = jax.random.normal(ks[7], (H,), dtype=jnp.float32) * 0.1
    return {"x_scalar": x_scalar, "vec": vec, "w_angle_q": w_angle_q, "w_dih_q": w_dih_q, "b_q": b_q, "w_angle_k": w_angle_k, "w_dih_k": w_dih_k, "b_k": b_k}


def reference(x_scalar, vec, w_angle_q, w_dih_q, b_q, w_angle_k, w_dih_k, b_k):
    Bb, Nn, Hh = x_scalar.shape
    src, dst = _make_seq_edges(Nn, W)
    v_i = vec[:, src, :, :]
    v_j = vec[:, dst, :, :]
    b_ij = v_j - v_i
    norm_b = jnp.maximum(jnp.sqrt(jnp.sum(b_ij ** 2, axis=2, keepdims=True)), EPS)
    e_ij = b_ij / norm_b
    u_node = jnp.zeros((Bb, Nn, 3, Hh), dtype=vec.dtype).at[:, src].add(e_ij)
    u_i = u_node[:, src, :, :]
    u_j = u_node[:, dst, :, :]
    dot_ui_e = jnp.sum(u_i * e_ij, axis=2)
    norm_ui = jnp.maximum(jnp.sqrt(jnp.sum(u_i ** 2, axis=2)), EPS)
    ang_ij = jnp.clip(dot_ui_e / norm_ui, -1.0, 1.0)
    proj_i = dot_ui_e[:, :, None, :] * e_ij
    dot_uj_e = jnp.sum(u_j * e_ij, axis=2)
    proj_j = dot_uj_e[:, :, None, :] * e_ij
    u_i_perp = u_i - proj_i
    u_j_perp = u_j - proj_j
    dot_perp = jnp.sum(u_i_perp * u_j_perp, axis=2)
    norm_perp_i = jnp.maximum(jnp.sqrt(jnp.sum(u_i_perp ** 2, axis=2)), EPS)
    norm_perp_j = jnp.maximum(jnp.sqrt(jnp.sum(u_j_perp ** 2, axis=2)), EPS)
    dih_ij = jnp.clip(dot_perp / (norm_perp_i * norm_perp_j), -1.0, 1.0)
    g_q = jax.nn.sigmoid(ang_ij * w_angle_q[None, None, :] + dih_ij * w_dih_q[None, None, :] + b_q[None, None, :])
    g_k = jax.nn.sigmoid(ang_ij * w_angle_k[None, None, :] + dih_ij * w_dih_k[None, None, :] + b_k[None, None, :])
    s_j = x_scalar[:, dst, :]
    m_q = g_q * s_j
    m_k = g_k * s_j
    q = jnp.zeros_like(x_scalar).at[:, src].add(m_q)
    k = jnp.zeros_like(x_scalar).at[:, src].add(m_k)
    return (q, k)

if __name__ == "__main__":
    import jax
    _d = setup_inputs()
    print(jax.jit(kernel)(*tuple(_d.values())))

</pallas_src>

<mosaic_0001>
#map = affine_map<(d0, d1) -> (0, 0)>
module attributes {stable_mosaic.version = 14 : i64} {
  func.func @_sc_body(%arg0: i32, %arg1: i32, %arg2: memref<1560x128xf32, #tpu.memory_space<hbm>>, %arg3: memref<520x128xf32, #tpu.memory_space<hbm>>, %arg4: memref<8x128xf32, #tpu.memory_space<hbm>>, %arg5: memref<512x128xf32, #tpu.memory_space<hbm>>, %arg6: memref<512x128xf32, #tpu.memory_space<hbm>>, %arg7: memref<96x128xf32, #tpu.memory_space<vmem>>, %arg8: memref<32x128xf32, #tpu.memory_space<vmem>>, %arg9: memref<110x128xf32, #tpu.memory_space<vmem>>, %arg10: memref<19x128xf32, #tpu.memory_space<vmem>>, %arg11: memref<19x128xf32, #tpu.memory_space<vmem>>, %arg12: memref<8x128xf32, #tpu.memory_space<vmem>>) attributes {dimension_semantics = [#tpu.dimension_semantics<core_parallel>, #tpu.dimension_semantics<subcore_parallel>], iteration_bounds = array<i64: 2, 16>, scalar_prefetch = 0 : i64, scratch_operands = 6 : i64, tpu.core_type = #tpu.core_type<sc_vector_subcore>, window_params = [{transform_indices = #map}, {transform_indices = #map}, {transform_indices = #map}, {transform_indices = #map}, {transform_indices = #map}]} {
    %mul3A = arith.constant 2 : i32
    %mul3A_0 = arith.muli %arg1, %mul3A : i32
    %add3A = arith.addi %mul3A_0, %arg0 : i32
    %mul3A_1 = arith.constant 16 : i32
    %mul3A_2 = arith.muli %add3A, %mul3A_1 : i32
    %sub3A = arith.constant 8 : i32
    %sub3A_3 = arith.subi %mul3A_2, %sub3A : i32
    %jit3A = arith.constant 0 : i32
    %jit3A_4 = arith.constant 2016 : i32
    %max3A = arith.maxsi %jit3A, %sub3A_3 : i32
    %min3A = arith.minsi %jit3A_4, %max3A : i32
    %sub3A_5 = arith.constant 8 : i32
    %sub3A_6 = arith.subi %mul3A_2, %sub3A_5 : i32
    %jit3A_7 = arith.constant 0 : i32
    %jit3A_8 = arith.constant 2016 : i32
    %max3A_9 = arith.maxsi %jit3A_7, %sub3A_6 : i32
    %min3A_10 = arith.minsi %jit3A_8, %max3A_9 : i32
    "tpu.region"() ({
      %run_scoped3A = tpu.sem_alloc : memref<!tpu.dma_semaphore, #tpu.memory_space<semaphore_mem>>
      tpu.enqueue_dma source(%arg4 : memref<8x128xf32, #tpu.memory_space<hbm>>) target(%arg12 : memref<8x128xf32, #tpu.memory_space<vmem>>) target_semaphore(%run_scoped3A : memref<!tpu.dma_semaphore, #tpu.memory_space<semaphore_mem>>)
      tpu.wait_dma2 semaphore(%run_scoped3A : memref<!tpu.dma_semaphore, #tpu.memory_space<semaphore_mem>>) src(%arg4 : memref<8x128xf32, #tpu.memory_space<hbm>>) dst(%arg12 : memref<8x128xf32, #tpu.memory_space<vmem>>)
      tpu.yield
    }) : () -> ()
    %add3A_11 = arith.constant 0 : i32
    %add3A_12 = arith.addi %add3A_11, %min3A : i32
    %mul3A_13 = arith.constant 3 : i32
    %mul3A_14 = arith.muli %mul3A_13, %add3A_12 : i32
    %multiple_of3A = tpu.assume_multiple %mul3A_14, 8 : i32
    "tpu.region"() ({
      %run_scoped3A = tpu.sem_alloc : memref<!tpu.dma_semaphore, #tpu.memory_space<semaphore_mem>>
      %dma_start3A = arith.constant 0 : i32
      %dma_start3A_37 = tpu.memref_slice %arg2[%multiple_of3A, %dma_start3A] : memref<1560x128xf32, #tpu.memory_space<hbm>> -> memref<96x128xf32, #tpu.memory_space<hbm>>
      %dma_start3A_38 = arith.constant 0 : i32
      %dma_start3A_39 = tpu.memref_slice %arg2[%multiple_of3A, %dma_start3A_38] : memref<1560x128xf32, #tpu.memory_space<hbm>> -> memref<96x128xf32, #tpu.memory_space<hbm>>
      tpu.enqueue_dma source(%dma_start3A_39 : memref<96x128xf32, #tpu.memory_space<hbm>>) target(%arg7 : memref<96x128xf32, #tpu.memory_space<vmem>>) target_semaphore(%run_scoped3A : memref<!tpu.dma_semaphore, #tpu.memory_space<semaphore_mem>>)
      %dma_wait3A = arith.constant 0 : i32
      %dma_wait3A_40 = tpu.memref_slice %arg2[%multiple_of3A, %dma_wait3A] : memref<1560x128xf32, #tpu.memory_space<hbm>> -> memref<96x128xf32, #tpu.memory_space<hbm>>
      %dma_wait3A_41 = arith.constant 0 : i32
      %dma_wait3A_42 = tpu.memref_slice %arg2[%multiple_of3A, %dma_wait3A_41] : memref<1560x128xf32, #tpu.memory_space<hbm>> -> memref<96x128xf32, #tpu.memory_space<hbm>>
      tpu.wait_dma2 semaphore(%run_scoped3A : memref<!tpu.dma_semaphore, #tpu.memory_space<semaphore_mem>>) src(%dma_wait3A_42 : memref<96x128xf32, #tpu.memory_space<hbm>>) dst(%arg7 : memref<96x128xf32, #tpu.memory_space<vmem>>)
      tpu.yield
    }) : () -> ()
    %add3A_15 = arith.constant 0 : i32
    %add3A_16 = arith.addi %add3A_15, %min3A_10 : i32
    %multiple_of3A_17 = tpu.assume_multiple %add3A_16, 8 : i32
    "tpu.region"() ({
      %run_scoped3A = tpu.sem_alloc : memref<!tpu.dma_semaphore, #tpu.memory_space<semaphore_mem>>
      %dma_start3A = arith.constant 0 : i32
      %dma_start3A_37 = tpu.memref_slice %arg3[%multiple_of3A_17, %dma_start3A] : memref<520x128xf32, #tpu.memory_space<hbm>> -> memref<32x128xf32, #tpu.memory_space<hbm>>
      %dma_start3A_38 = arith.constant 0 : i32
      %dma_start3A_39 = tpu.memref_slice %arg3[%multiple_of3A_17, %dma_start3A_38] : memref<520x128xf32, #tpu.memory_space<hbm>> -> memref<32x128xf32, #tpu.memory_space<hbm>>
      tpu.enqueue_dma source(%dma_start3A_39 : memref<32x128xf32, #tpu.memory_space<hbm>>) target(%arg8 : memref<32x128xf32, #tpu.memory_space<vmem>>) target_semaphore(%run_scoped3A : memref<!tpu.dma_semaphore, #tpu.memory_space<semaphore_mem>>)
      %dma_wait3A = arith.constant 0 : i32
      %dma_wait3A_40 = tpu.memref_slice %arg3[%multiple_of3A_17, %dma_wait3A] : memref<520x128xf32, #tpu.memory_space<hbm>> -> memref<32x128xf32, #tpu.memory_space<hbm>>
      %dma_wait3A_41 = arith.constant 0 : i32
      %dma_wait3A_42 = tpu.memref_slice %arg3[%multiple_of3A_17, %dma_wait3A_41] : memref<520x128xf32, #tpu.memory_space<hbm>> -> memref<32x128xf32, #tpu.memory_space<hbm>>
      tpu.wait_dma2 semaphore(%run_scoped3A : memref<!tpu.dma_semaphore, #tpu.memory_space<semaphore_mem>>) src(%dma_wait3A_42 : memref<32x128xf32, #tpu.memory_space<hbm>>) dst(%arg8 : memref<32x128xf32, #tpu.memory_space<vmem>>)
      tpu.yield
    }) : () -> ()
    %scan3A = arith.constant 0 : i32
    %scan3A_18 = arith.constant 0 : i32
    %scan3A_19 = arith.constant 22 : i32
    %scan3A_20 = arith.addi %scan3A_18, %scan3A_19 : i32
    %scan3A_21 = arith.constant 1 : i32
    %scan3A_22 = scf.for %scan3A_37 = %scan3A_18 to %scan3A_20 step %scan3A_21 iter_args(%scan3A_38 = %scan3A) -> (i32)  : i32 {
      %sub3A_39 = arith.constant 3 : i32
      %sub3A_40 = arith.subi %mul3A_2, %sub3A_39 : i32
      %add3A_41 = arith.addi %sub3A_40, %scan3A_37 : i32
      %sub3A_42 = arith.subi %add3A_41, %min3A : i32
      %jit3A_43 = arith.constant 0 : i32
      %jit3A_44 = arith.constant 31 : i32
      %max3A_45 = arith.maxsi %jit3A_43, %sub3A_42 : i32
      %min3A_46 = arith.minsi %jit3A_44, %max3A_45 : i32
      %ge3A = arith.constant 0 : i32
      %ge3A_47 = arith.cmpi sge, %add3A_41, %ge3A : i32
      %lt3A = arith.constant 2048 : i32
      %lt3A_48 = arith.cmpi slt, %add3A_41, %lt3A : i32
      %and3A = arith.andi %ge3A_47, %lt3A_48 : i1
      %jit3A_49 = arith.constant 1.000000e+00 : f32
      %jit3A_50 = arith.constant 0.000000e+00 : f32
      %select_n3A = arith.select %and3A, %jit3A_49, %jit3A_50 : f32
      %scan3A_51 = arith.constant 0 : i32
      %scan3A_52 = arith.constant 0 : i32
      %scan3A_53 = arith.constant 8 : i32
      %scan3A_54 = arith.addi %scan3A_52, %scan3A_53 : i32
      %scan3A_55 = arith.constant 1 : i32
      %scan3A_56 = scf.for %scan3A_59 = %scan3A_52 to %scan3A_54 step %scan3A_55 iter_args(%scan3A_60 = %scan3A_51) -> (i32)  : i32 {
        %mul3A_61 = arith.constant 16 : i32
        %mul3A_62 = arith.muli %scan3A_59, %mul3A_61 : i32
        %mul3A_63 = arith.constant 3 : i32
        %mul3A_64 = arith.muli %mul3A_63, %min3A_46 : i32
        %get3A = arith.index_cast %mul3A_64 : i32 to index
        %get3A_65 = arith.index_cast %mul3A_62 : i32 to index
        %get3A_66 = tpu.vector_load %arg7[%get3A, %get3A_65] {strides = array<i32>} : memref<96x128xf32, #tpu.memory_space<vmem>>, vector<1x16xf32>,
        %get3A_67 = vector.shape_cast %get3A_66 : vector<1x16xf32> to vector<16xf32>
        %mul3A_68 = arith.constant 3 : i32
        %mul3A_69 = arith.muli %mul3A_68, %min3A_46 : i32
        %add3A_70 = arith.constant 1 : i32
        %add3A_71 = arith.addi %mul3A_69, %add3A_70 : i32
        %get3A_72 = arith.index_cast %add3A_71 : i32 to index
        %get3A_73 = arith.index_cast %mul3A_62 : i32 to index
        %get3A_74 = tpu.vector_load %arg7[%get3A_72, %get3A_73] {strides = array<i32>} : memref<96x128xf32, #tpu.memory_space<vmem>>, vector<1x16xf32>,
        %get3A_75 = vector.shape_cast %get3A_74 : vector<1x16xf32> to vector<16xf32>
        %mul3A_76 = arith.constant 3 : i32
        %mul3A_77 = arith.muli %mul3A_76, %min3A_46 : i32
        %add3A_78 = arith.constant 2 : i32
        %add3A_79 = arith.addi %mul3A_77, %add3A_78 : i32
        %get3A_80 = arith.index_cast %add3A_79 : i32 to index
        %get3A_81 = arith.index_cast %mul3A_62 : i32 to index
        %get3A_82 = tpu.vector_load %arg7[%get3A_80, %get3A_81] {strides = array<i32>} : memref<96x128xf32, #tpu.memory_space<vmem>>, vector<1x16xf32>,
        %get3A_83 = vector.shape_cast %get3A_82 : vector<1x16xf32> to vector<16xf32>
        %broadcast_in_dim3A = arith.constant 0.000000e+00 : f32
        %broadcast_in_dim3A_84 = vector.broadcast %broadcast_in_dim3A : f32 to vector<16xf32>
        %broadcast_in_dim3A_85 = arith.constant 0.000000e+00 : f32
        %broadcast_in_dim3A_86 = vector.broadcast %broadcast_in_dim3A_85 : f32 to vector<16xf32>
        %broadcast_in_dim3A_87 = arith.constant 0.000000e+00 : f32
        %broadcast_in_dim3A_88 = vector.broadcast %broadcast_in_dim3A_87 : f32 to vector<16xf32>
        %add3A_89 = arith.constant -3 : i32
        %add3A_90 = arith.addi %add3A_41, %add3A_89 : i32
        %sub3A_91 = arith.subi %add3A_90, %min3A : i32
        %jit3A_92 = arith.constant 0 : i32
        %jit3A_93 = arith.constant 31 : i32
        %max3A_94 = arith.maxsi %jit3A_92, %sub3A_91 : i32
        %min3A_95 = arith.minsi %jit3A_93, %max3A_94 : i32
        %mul3A_96 = arith.constant 3 : i32
        %mul3A_97 = arith.muli %mul3A_96, %min3A_95 : i32
        %get3A_98 = arith.index_cast %mul3A_97 : i32 to index
        %get3A_99 = arith.index_cast %mul3A_62 : i32 to index
        %get3A_100 = tpu.vector_load %arg7[%get3A_98, %get3A_99] {strides = array<i32>} : memref<96x128xf32, #tpu.memory_space<vmem>>, vector<1x16xf32>,
        %get3A_101 = vector.shape_cast %get3A_100 : vector<1x16xf32> to vector<16xf32>
        %sub3A_102 = arith.subf %get3A_101, %get3A_67 : vector<16xf32>
        %mul3A_103 = arith.constant 3 : i32
        %mul3A_104 = arith.muli %mul3A_103, %min3A_95 : i32
        %add3A_105 = arith.constant 1 : i32
        %add3A_106 = arith.addi %mul3A_104, %add3A_105 : i32
        %get3A_107 = arith.index_cast %add3A_106 : i32 to index
        %get3A_108 = arith.index_cast %mul3A_62 : i32 to index
        %get3A_109 = tpu.vector_load %arg7[%get3A_107, %get3A_108] {strides = array<i32>} : memref<96x128xf32, #tpu.memory_space<vmem>>, vector<1x16xf32>,
        %get3A_110 = vector.shape_cast %get3A_109 : vector<1x16xf32> to vector<16xf32>
        %sub3A_111 = arith.subf %get3A_110, %get3A_75 : vector<16xf32>
        %mul3A_112 = arith.constant 3 : i32
        %mul3A_113 = arith.muli %mul3A_112, %min3A_95 : i32
        %add3A_114 = arith.constant 2 : i32
        %add3A_115 = arith.addi %mul3A_113, %add3A_114 : i32
        %get3A_116 = arith.index_cast %add3A_115 : i32 to index
        %get3A_117 = arith.index_cast %mul3A_62 : i32 to index
        %get3A_118 = tpu.vector_load %arg7[%get3A_116, %get3A_117] {strides = array<i32>} : memref<96x128xf32, #tpu.memory_space<vmem>>, vector<1x16xf32>,
        %get3A_119 = vector.shape_cast %get3A_118 : vector<1x16xf32> to vector<16xf32>
        %sub3A_120 = arith.subf %get3A_119, %get3A_83 : vector<16xf32>
        %mul3A_121 = arith.mulf %sub3A_102, %sub3A_102 : vector<16xf32>
        %mul3A_122 = arith.mulf %sub3A_111, %sub3A_111 : vector<16xf32>
        %add3A_123 = arith.addf %mul3A_121, %mul3A_122 : vector<16xf32>
        %mul3A_124 = arith.mulf %sub3A_120, %sub3A_120 : vector<16xf32>
        %add3A_125 = arith.addf %add3A_123, %mul3A_124 : vector<16xf32>
        %ge3A_126 = arith.constant 0 : i32
        %ge3A_127 = arith.cmpi sge, %add3A_90, %ge3A_126 : i32
        %lt3A_128 = arith.constant 2048 : i32
        %lt3A_129 = arith.cmpi slt, %add3A_90, %lt3A_128 : i32
        %and3A_130 = arith.andi %ge3A_127, %lt3A_129 : i1
        %jit3A_131 = arith.constant 1.000000e+00 : f32
        %jit3A_132 = arith.constant 0.000000e+00 : f32
        %select_n3A_133 = arith.select %and3A_130, %jit3A_131, %jit3A_132 : f32
        %mul3A_134 = arith.mulf %select_n3A, %select_n3A_133 : f32
        %max3A_135 = arith.constant 1.000000e-16 : f32
        %max3A_136 = vector.broadcast %max3A_135 : f32 to vector<16xf32>
        %max3A_137 = arith.maximumf %add3A_125, %max3A_136 : vector<16xf32>
        %bitcast_convert_type3A = tpu.bitcast %max3A_137 : vector<16xf32> -> vector<16xi32>
        %shift_right_arithmetic3A = arith.constant 1 : i32
        %shift_right_arithmetic3A_138 = vector.broadcast %shift_right_arithmetic3A : i32 to vector<16xi32>
        %shift_right_arithmetic3A_139 = arith.shrsi %bitcast_convert_type3A, %shift_right_arithmetic3A_138 : vector<16xi32>
        %sub3A_140 = arith.constant 1597463007 : i32
        %sub3A_141 = vector.broadcast %sub3A_140 : i32 to vector<16xi32>
        %sub3A_142 = arith.subi %sub3A_141, %shift_right_arithmetic3A_139 : vector<16xi32>
        %bitcast_convert_type3A_143 = tpu.bitcast %sub3A_142 : vector<16xi32> -> vector<16xf32>
        %mul3A_144 = arith.constant 5.000000e-01 : f32
        %mul3A_145 = vector.broadcast %mul3A_144 : f32 to vector<16xf32>
        %mul3A_146 = arith.mulf %mul3A_145, %max3A_137 : vector<16xf32>
        %mul3A_147 = arith.mulf %mul3A_146, %bitcast_convert_type3A_143 : vector<16xf32>
        %mul3A_148 = arith.mulf %mul3A_147, %bitcast_convert_type3A_143 : vector<16xf32>
        %sub3A_149 = arith.constant 1.500000e+00 : f32
        %sub3A_150 = vector.broadcast %sub3A_149 : f32 to vector<16xf32>
        %sub3A_151 = arith.subf %sub3A_150, %mul3A_148 : vector<16xf32>
        %mul3A_152 = arith.mulf %bitcast_convert_type3A_143, %sub3A_151 : vector<16xf32>
        %mul3A_153 = arith.constant 5.000000e-01 : f32
        %mul3A_154 = vector.broadcast %mul3A_153 : f32 to vector<16xf32>
        %mul3A_155 = arith.mulf %mul3A_154, %max3A_137 : vector<16xf32>
        %mul3A_156 = arith.mulf %mul3A_155, %mul3A_152 : vector<16xf32>
        %mul3A_157 = arith.mulf %mul3A_156, %mul3A_152 : vector<16xf32>
        %sub3A_158 = arith.constant 1.500000e+00 : f32
        %sub3A_159 = vector.broadcast %sub3A_158 : f32 to vector<16xf32>
        %sub3A_160 = arith.subf %sub3A_159, %mul3A_157 : vector<16xf32>
        %mul3A_161 = arith.mulf %mul3A_152, %sub3A_160 : vector<16xf32>
        %mul3A_162 = vector.broadcast %mul3A_134 : f32 to vector<16xf32>
        %mul3A_163 = arith.mulf %mul3A_161, %mul3A_162 : vector<16xf32>
        %mul3A_164 = arith.mulf %sub3A_102, %mul3A_163 : vector<16xf32>
        %add3A_165 = arith.addf %broadcast_in_dim3A_84, %mul3A_164 : vector<16xf32>
        %mul3A_166 = arith.mulf %sub3A_111, %mul3A_163 : vector<16xf32>
        %add3A_167 = arith.addf %broadcast_in_dim3A_86, %mul3A_166 : vector<16xf32>
        %mul3A_168 = arith.mulf %sub3A_120, %mul3A_163 : vector<16xf32>
        %add3A_169 = arith.addf %broadcast_in_dim3A_88, %mul3A_168 : vector<16xf32>
        %add3A_170 = arith.constant -2 : i32
        %add3A_171 = arith.addi %add3A_41, %add3A_170 : i32
        %sub3A_172 = arith.subi %add3A_171, %min3A : i32
        %jit3A_173 = arith.constant 0 : i32
        %jit3A_174 = arith.constant 31 : i32
        %max3A_175 = arith.maxsi %jit3A_173, %sub3A_172 : i32
        %min3A_176 = arith.minsi %jit3A_174, %max3A_175 : i32
        %mul3A_177 = arith.constant 3 : i32
        %mul3A_178 = arith.muli %mul3A_177, %min3A_176 : i32
        %get3A_179 = arith.index_cast %mul3A_178 : i32 to index
        %get3A_180 = arith.index_cast %mul3A_62 : i32 to index
        %get3A_181 = tpu.vector_load %arg7[%get3A_179, %get3A_180] {strides = array<i32>} : memref<96x128xf32, #tpu.memory_space<vmem>>, vector<1x16xf32>,
        %get3A_182 = vector.shape_cast %get3A_181 : vector<1x16xf32> to vector<16xf32>
        %sub3A_183 = arith.subf %get3A_182, %get3A_67 : vector<16xf32>
        %mul3A_184 = arith.constant 3 : i32
        %mul3A_185 = arith.muli %mul3A_184, %min3A_176 : i32
        %add3A_186 = arith.constant 1 : i32
        %add3A_187 = arith.addi %mul3A_185, %add3A_186 : i32
        %get3A_188 = arith.index_cast %add3A_187 : i32 to index
        %get3A_189 = arith.index_cast %mul3A_62 : i32 to index
        %get3A_190 = tpu.vector_load %arg7[%get3A_188, %get3A_189] {strides = array<i32>} : memref<96x128xf32, #tpu.memory_space<vmem>>, vector<1x16xf32>,
        %get3A_191 = vector.shape_cast %get3A_190 : vector<1x16xf32> to vector<16xf32>
        %sub3A_192 = arith.subf %get3A_191, %get3A_75 : vector<16xf32>
        %mul3A_193 = arith.constant 3 : i32
        %mul3A_194 = arith.muli %mul3A_193, %min3A_176 : i32
        %add3A_195 = arith.constant 2 : i32
        %add3A_196 = arith.addi %mul3A_194, %add3A_195 : i32
        %get3A_197 = arith.index_cast %add3A_196 : i32 to index
        %get3A_198 = arith.index_cast %mul3A_62 : i32 to index
        %get3A_199 = tpu.vector_load %arg7[%get3A_197, %get3A_198] {strides = array<i32>} : memref<96x128xf32, #tpu.memory_space<vmem>>, vector<1x16xf32>,
        %get3A_200 = vector.shape_cast %get3A_199 : vector<1x16xf32> to vector<16xf32>
        %sub3A_201 = arith.subf %get3A_200, %get3A_83 : vector<16xf32>
        %mul3A_202 = arith.mulf %sub3A_183, %sub3A_183 : vector<16xf32>
        %mul3A_203 = arith.mulf %sub3A_192, %sub3A_192 : vector<16xf32>
        %add3A_204 = arith.addf %mul3A_202, %mul3A_203 : vector<16xf32>
        %mul3A_205 = arith.mulf %sub3A_201, %sub3A_201 : vector<16xf32>
        %add3A_206 = arith.addf %add3A_204, %mul3A_205 : vector<16xf32>
        %ge3A_207 = arith.constant 0 : i32
        %ge3A_208 = arith.cmpi sge, %add3A_171, %ge3A_207 : i32
        %lt3A_209 = arith.constant 2048 : i32
        %lt3A_210 = arith.cmpi slt, %add3A_171, %lt3A_209 : i32
        %and3A_211 = arith.andi %ge3A_208, %lt3A_210 : i1
        %jit3A_212 = arith.constant 1.000000e+00 : f32
        %jit3A_213 = arith.constant 0.000000e+00 : f32
        %select_n3A_214 = arith.select %and3A_211, %jit3A_212, %jit3A_213 : f32
        %mul3A_215 = arith.mulf %select_n3A, %select_n3A_214 : f32
        %max3A_216 = arith.constant 1.000000e-16 : f32
        %max3A_217 = vector.broadcast %max3A_216 : f32 to vector<16xf32>
        %max3A_218 = arith.maximumf %add3A_206, %max3A_217 : vector<16xf32>
        %bitcast_convert_type3A_219 = tpu.bitcast %max3A_218 : vector<16xf32> -> vector<16xi32>
        %shift_right_arithmetic3A_220 = arith.constant 1 : i32
        %shift_right_arithmetic3A_221 = vector.broadcast %shift_right_arithmetic3A_220 : i32 to vector<16xi32>
        %shift_right_arithmetic3A_222 = arith.shrsi %bitcast_convert_type3A_219, %shift_right_arithmetic3A_221 : vector<16xi32>
        %sub3A_223 = arith.constant 1597463007 : i32
        %sub3A_224 = vector.broadcast %sub3A_223 : i32 to vector<16xi32>
        %sub3A_225 = arith.subi %sub3A_224, %shift_right_arithmetic3A_222 : vector<16xi32>
        %bitcast_convert_type3A_226 = tpu.bitcast %sub3A_225 : vector<16xi32> -> vector<16xf32>
        %mul3A_227 = arith.constant 5.000000e-01 : f32
        %mul3A_228 = vector.broadcast %mul3A_227 : f32 to vector<16xf32>
        %mul3A_229 = arith.mulf %mul3A_228, %max3A_218 : vector<16xf32>
        %mul3A_230 = arith.mulf %mul3A_229, %bitcast_convert_type3A_226 : vector<16xf32>
        %mul3A_231 = arith.mulf %mul3A_230, %bitcast_convert_type3A_226 : vector<16xf32>
        %sub3A_232 = arith.constant 1.500000e+00 : f32
        %sub3A_233 = vector.broadcast %sub3A_232 : f32 to vector<16xf32>
        %sub3A_234 = arith.subf %sub3A_233, %mul3A_231 : vector<16xf32>
        %mul3A_235 = arith.mulf %bitcast_convert_type3A_226, %sub3A_234 : vector<16xf32>
        %mul3A_236 = arith.constant 5.000000e-01 : f32
        %mul3A_237 = vector.broadcast %mul3A_236 : f32 to vector<16xf32>
        %mul3A_238 = arith.mulf %mul3A_237, %max3A_218 : vector<16xf32>
        %mul3A_239 = arith.mulf %mul3A_238, %mul3A_235 : vector<16xf32>
        %mul3A_240 = arith.mulf %mul3A_239, %mul3A_235 : vector<16xf32>
        %sub3A_241 = arith.constant 1.500000e+00 : f32
        %sub3A_242 = vector.broadcast %sub3A_241 : f32 to vector<16xf32>
        %sub3A_243 = arith.subf %sub3A_242, %mul3A_240 : vector<16xf32>
        %mul3A_244 = arith.mulf %mul3A_235, %sub3A_243 : vector<16xf32>
        %mul3A_245 = vector.broadcast %mul3A_215 : f32 to vector<16xf32>
        %mul3A_246 = arith.mulf %mul3A_244, %mul3A_245 : vector<16xf32>
        %mul3A_247 = arith.mulf %sub3A_183, %mul3A_246 : vector<16xf32>
        %add3A_248 = arith.addf %add3A_165, %mul3A_247 : vector<16xf32>
        %mul3A_249 = arith.mulf %sub3A_192, %mul3A_246 : vector<16xf32>
        %add3A_250 = arith.addf %add3A_167, %mul3A_249 : vector<16xf32>
        %mul3A_251 = arith.mulf %sub3A_201, %mul3A_246 : vector<16xf32>
        %add3A_252 = arith.addf %add3A_169, %mul3A_251 : vector<16xf32>
        %add3A_253 = arith.constant -1 : i32
        %add3A_254 = arith.addi %add3A_41, %add3A_253 : i32
        %sub3A_255 = arith.subi %add3A_254, %min3A : i32
        %jit3A_256 = arith.constant 0 : i32
        %jit3A_257 = arith.constant 31 : i32
        %max3A_258 = arith.maxsi %jit3A_256, %sub3A_255 : i32
        %min3A_259 = arith.minsi %jit3A_257, %max3A_258 : i32
        %mul3A_260 = arith.constant 3 : i32
        %mul3A_261 = arith.muli %mul3A_260, %min3A_259 : i32
        %get3A_262 = arith.index_cast %mul3A_261 : i32 to index
        %get3A_263 = arith.index_cast %mul3A_62 : i32 to index
        %get3A_264 = tpu.vector_load %arg7[%get3A_262, %get3A_263] {strides = array<i32>} : memref<96x128xf32, #tpu.memory_space<vmem>>, vector<1x16xf32>,
        %get3A_265 = vector.shape_cast %get3A_264 : vector<1x16xf32> to vector<16xf32>
        %sub3A_266 = arith.subf %get3A_265, %get3A_67 : vector<16xf32>
        %mul3A_267 = arith.constant 3 : i32
        %mul3A_268 = arith.muli %mul3A_267, %min3A_259 : i32
        %add3A_269 = arith.constant 1 : i32
        %add3A_270 = arith.addi %mul3A_268, %add3A_269 : i32
        %get3A_271 = arith.index_cast %add3A_270 : i32 to index
        %get3A_272 = arith.index_cast %mul3A_62 : i32 to index
        %get3A_273 = tpu.vector_load %arg7[%get3A_271, %get3A_272] {strides = array<i32>} : memref<96x128xf32, #tpu.memory_space<vmem>>, vector<1x16xf32>,
        %get3A_274 = vector.shape_cast %get3A_273 : vector<1x16xf32> to vector<16xf32>
        %sub3A_275 = arith.subf %get3A_274, %get3A_75 : vector<16xf32>
        %mul3A_276 = arith.constant 3 : i32
        %mul3A_277 = arith.muli %mul3A_276, %min3A_259 : i32
        %add3A_278 = arith.constant 2 : i32
        %add3A_279 = arith.addi %mul3A_277, %add3A_278 : i32
        %get3A_280 = arith.index_cast %add3A_279 : i32 to index
        %get3A_281 = arith.index_cast %mul3A_62 : i32 to index
        %get3A_282 = tpu.vector_load %arg7[%get3A_280, %get3A_281] {strides = array<i32>} : memref<96x128xf32, #tpu.memory_space<vmem>>, vector<1x16xf32>,
        %get3A_283 = vector.shape_cast %get3A_282 : vector<1x16xf32> to vector<16xf32>
        %sub3A_284 = arith.subf %get3A_283, %get3A_83 : vector<16xf32>
        %mul3A_285 = arith.mulf %sub3A_266, %sub3A_266 : vector<16xf32>
        %mul3A_286 = arith.mulf %sub3A_275, %sub3A_275 : vector<16xf32>
        %add3A_287 = arith.addf %mul3A_285, %mul3A_286 : vector<16xf32>
        %mul3A_288 = arith.mulf %sub3A_284, %sub3A_284 : vector<16xf32>
        %add3A_289 = arith.addf %add3A_287, %mul3A_288 : vector<16xf32>
        %ge3A_290 = arith.constant 0 : i32
        %ge3A_291 = arith.cmpi sge, %add3A_254, %ge3A_290 : i32
        %lt3A_292 = arith.constant 2048 : i32
        %lt3A_293 = arith.cmpi slt, %add3A_254, %lt3A_292 : i32
        %and3A_294 = arith.andi %ge3A_291, %lt3A_293 : i1
        %jit3A_295 = arith.constant 1.000000e+00 : f32
        %jit3A_296 = arith.constant 0.000000e+00 : f32
        %select_n3A_297 = arith.select %and3A_294, %jit3A_295, %jit3A_296 : f32
        %mul3A_298 = arith.mulf %select_n3A, %select_n3A_297 : f32
        %max3A_299 = arith.constant 1.000000e-16 : f32
        %max3A_300 = vector.broadcast %max3A_299 : f32 to vector<16xf32>
        %max3A_301 = arith.maximumf %add3A_289, %max3A_300 : vector<16xf32>
        %bitcast_convert_type3A_302 = tpu.bitcast %max3A_301 : vector<16xf32> -> vector<16xi32>
        %shift_right_arithmetic3A_303 = arith.constant 1 : i32
        %shift_right_arithmetic3A_304 = vector.broadcast %shift_right_arithmetic3A_303 : i32 to vector<16xi32>
        %shift_right_arithmetic3A_305 = arith.shrsi %bitcast_convert_type3A_302, %shift_right_arithmetic3A_304 : vector<16xi32>
        %sub3A_306 = arith.constant 1597463007 : i32
        %sub3A_307 = vector.broadcast %sub3A_306 : i32 to vector<16xi32>
        %sub3A_308 = arith.subi %sub3A_307, %shift_right_arithmetic3A_305 : vector<16xi32>
        %bitcast_convert_type3A_309 = tpu.bitcast %sub3A_308 : vector<16xi32> -> vector<16xf32>
        %mul3A_310 = arith.constant 5.000000e-01 : f32
        %mul3A_311 = vector.broadcast %mul3A_310 : f32 to vector<16xf32>
        %mul3A_312 = arith.mulf %mul3A_311, %max3A_301 : vector<16xf32>
        %mul3A_313 = arith.mulf %mul3A_312, %bitcast_convert_type3A_309 : vector<16xf32>
        %mul3A_314 = arith.mulf %mul3A_313, %bitcast_convert_type3A_309 : vector<16xf32>
        %sub3A_315 = arith.constant 1.500000e+00 : f32
        %sub3A_316 = vector.broadcast %sub3A_315 : f32 to vector<16xf32>
        %sub3A_317 = arith.subf %sub3A_316, %mul3A_314 : vector<16xf32>
        %mul3A_318 = arith.mulf %bitcast_convert_type3A_309, %sub3A_317 : vector<16xf32>
        %mul3A_319 = arith.constant 5.000000e-01 : f32
        %mul3A_320 = vector.broadcast %mul3A_319 : f32 to vector<16xf32>
        %mul3A_321 = arith.mulf %mul3A_320, %max3A_301 : vector<16xf32>
        %mul3A_322 = arith.mulf %mul3A_321, %mul3A_318 : vector<16xf32>
        %mul3A_323 = arith.mulf %mul3A_322, %mul3A_318 : vector<16xf32>
        %sub3A_324 = arith.constant 1.500000e+00 : f32
        %sub3A_325 = vector.broadcast %sub3A_324 : f32 to vector<16xf32>
        %sub3A_326 = arith.subf %sub3A_325, %mul3A_323 : vector<16xf32>
        %mul3A_327 = arith.mulf %mul3A_318, %sub3A_326 : vector<16xf32>
        %mul3A_328 = vector.broadcast %mul3A_298 : f32 to vector<16xf32>
        %mul3A_329 = arith.mulf %mul3A_327, %mul3A_328 : vector<16xf32>
        %mul3A_330 = arith.mulf %sub3A_266, %mul3A_329 : vector<16xf32>
        %add3A_331 = arith.addf %add3A_248, %mul3A_330 : vector<16xf32>
        %mul3A_332 = arith.mulf %sub3A_275, %mul3A_329 : vector<16xf32>
        %add3A_333 = arith.addf %add3A_250, %mul3A_332 : vector<16xf32>
        %mul3A_334 = arith.mulf %sub3A_284, %mul3A_329 : vector<16xf32>
        %add3A_335 = arith.addf %add3A_252, %mul3A_334 : vector<16xf32>
        %add3A_336 = arith.constant 1 : i32
        %add3A_337 = arith.addi %add3A_41, %add3A_336 : i32
        %sub3A_338 = arith.subi %add3A_337, %min3A : i32
        %jit3A_339 = arith.constant 0 : i32
        %jit3A_340 = arith.constant 31 : i32
        %max3A_341 = arith.maxsi %jit3A_339, %sub3A_338 : i32
        %min3A_342 = arith.minsi %jit3A_340, %max3A_341 : i32
        %mul3A_343 = arith.constant 3 : i32
        %mul3A_344 = arith.muli %mul3A_343, %min3A_342 : i32
        %get3A_345 = arith.index_cast %mul3A_344 : i32 to index
        %get3A_346 = arith.index_cast %mul3A_62 : i32 to index
        %get3A_347 = tpu.vector_load %arg7[%get3A_345, %get3A_346] {strides = array<i32>} : memref<96x128xf32, #tpu.memory_space<vmem>>, vector<1x16xf32>,
        %get3A_348 = vector.shape_cast %get3A_347 : vector<1x16xf32> to vector<16xf32>
        %sub3A_349 = arith.subf %get3A_348, %get3A_67 : vector<16xf32>
        %mul3A_350 = arith.constant 3 : i32
        %mul3A_351 = arith.muli %mul3A_350, %min3A_342 : i32
        %add3A_352 = arith.constant 1 : i32
        %add3A_353 = arith.addi %mul3A_351, %add3A_352 : i32
        %get3A_354 = arith.index_cast %add3A_353 : i32 to index
        %get3A_355 = arith.index_cast %mul3A_62 : i32 to index
        %get3A_356 = tpu.vector_load %arg7[%get3A_354, %get3A_355] {strides = array<i32>} : memref<96x128xf32, #tpu.memory_space<vmem>>, vector<1x16xf32>,
        %get3A_357 = vector.shape_cast %get3A_356 : vector<1x16xf32> to vector<16xf32>
        %sub3A_358 = arith.subf %get3A_357, %get3A_75 : vector<16xf32>
        %mul3A_359 = arith.constant 3 : i32
        %mul3A_360 = arith.muli %mul3A_359, %min3A_342 : i32
        %add3A_361 = arith.constant 2 : i32
        %add3A_362 = arith.addi %mul3A_360, %add3A_361 : i32
        %get3A_363 = arith.index_cast %add3A_362 : i32 to index
        %get3A_364 = arith.index_cast %mul3A_62 : i32 to index
        %get3A_365 = tpu.vector_load %arg7[%get3A_363, %get3A_364] {strides = array<i32>} : memref<96x128xf32, #tpu.memory_space<vmem>>, vector<1x16xf32>,
        %get3A_366 = vector.shape_cast %get3A_365 : vector<1x16xf32> to vector<16xf32>
        %sub3A_367 = arith.subf %get3A_366, %get3A_83 : vector<16xf32>
        %mul3A_368 = arith.mulf %sub3A_349, %sub3A_349 : vector<16xf32>
        %mul3A_369 = arith.mulf %sub3A_358, %sub3A_358 : vector<16xf32>
        %add3A_370 = arith.addf %mul3A_368, %mul3A_369 : vector<16xf32>
        %mul3A_371 = arith.mulf %sub3A_367, %sub3A_367 : vector<16xf32>
        %add3A_372 = arith.addf %add3A_370, %mul3A_371 : vector<16xf32>
        %ge3A_373 = arith.constant 0 : i32
        %ge3A_374 = arith.cmpi sge, %add3A_337, %ge3A_373 : i32
        %lt3A_375 = arith.constant 2048 : i32
        %lt3A_376 = arith.cmpi slt, %add3A_337, %lt3A_375 : i32
        %and3A_377 = arith.andi %ge3A_374, %lt3A_376 : i1
        %jit3A_378 = arith.constant 1.000000e+00 : f32
        %jit3A_379 = arith.constant 0.000000e+00 : f32
        %select_n3A_380 = arith.select %and3A_377, %jit3A_378, %jit3A_379 : f32
        %mul3A_381 = arith.mulf %select_n3A, %select_n3A_380 : f32
        %max3A_382 = arith.constant 1.000000e-16 : f32
        %max3A_383 = vector.broadcast %max3A_382 : f32 to vector<16xf32>
        %max3A_384 = arith.maximumf %add3A_372, %max3A_383 : vector<16xf32>
        %bitcast_convert_type3A_385 = tpu.bitcast %max3A_384 : vector<16xf32> -> vector<16xi32>
        %shift_right_arithmetic3A_386 = arith.constant 1 : i32
        %shift_right_arithmetic3A_387 = vector.broadcast %shift_right_arithmetic3A_386 : i32 to vector<16xi32>
        %shift_right_arithmetic3A_388 = arith.shrsi %bitcast_convert_type3A_385, %shift_right_arithmetic3A_387 : vector<16xi32>
        %sub3A_389 = arith.constant 1597463007 : i32
        %sub3A_390 = vector.broadcast %sub3A_389 : i32 to vector<16xi32>
        %sub3A_391 = arith.subi %sub3A_390, %shift_right_arithmetic3A_388 : vector<16xi32>
        %bitcast_convert_type3A_392 = tpu.bitcast %sub3A_391 : vector<16xi32> -> vector<16xf32>
        %mul3A_393 = arith.constant 5.000000e-01 : f32
        %mul3A_394 = vector.broadcast %mul3A_393 : f32 to vector<16xf32>
        %mul3A_395 = arith.mulf %mul3A_394, %max3A_384 : vector<16xf32>
        %mul3A_396 = arith.mulf %mul3A_395, %bitcast_convert_type3A_392 : vector<16xf32>
        %mul3A_397 = arith.mulf %mul3A_396, %bitcast_convert_type3A_392 : vector<16xf32>
        %sub3A_398 = arith.constant 1.500000e+00 : f32
        %sub3A_399 = vector.broadcast %sub3A_398 : f32 to vector<16xf32>
        %sub3A_400 = arith.subf %sub3A_399, %mul3A_397 : vector<16xf32>
        %mul3A_401 = arith.mulf %bitcast_convert_type3A_392, %sub3A_400 : vector<16xf32>
        %mul3A_402 = arith.constant 5.000000e-01 : f32
        %mul3A_403 = vector.broadcast %mul3A_402 : f32 to vector<16xf32>
        %mul3A_404 = arith.mulf %mul3A_403, %max3A_384 : vector<16xf32>
        %mul3A_405 = arith.mulf %mul3A_404, %mul3A_401 : vector<16xf32>
        %mul3A_406 = arith.mulf %mul3A_405, %mul3A_401 : vector<16xf32>
        %sub3A_407 = arith.constant 1.500000e+00 : f32
        %sub3A_408 = vector.broadcast %sub3A_407 : f32 to vector<16xf32>
        %sub3A_409 = arith.subf %sub3A_408, %mul3A_406 : vector<16xf32>
        %mul3A_410 = arith.mulf %mul3A_401, %sub3A_409 : vector<16xf32>
        %mul3A_411 = vector.broadcast %mul3A_381 : f32 to vector<16xf32>
        %mul3A_412 = arith.mulf %mul3A_410, %mul3A_411 : vector<16xf32>
        %mul3A_413 = arith.mulf %sub3A_349, %mul3A_412 : vector<16xf32>
        %add3A_414 = arith.addf %add3A_331, %mul3A_413 : vector<16xf32>
        %mul3A_415 = arith.mulf %sub3A_358, %mul3A_412 : vector<16xf32>
        %add3A_416 = arith.addf %add3A_333, %mul3A_415 : vector<16xf32>
        %mul3A_417 = arith.mulf %sub3A_367, %mul3A_412 : vector<16xf32>
        %add3A_418 = arith.addf %add3A_335, %mul3A_417 : vector<16xf32>
        %add3A_419 = arith.constant 2 : i32
        %add3A_420 = arith.addi %add3A_41, %add3A_419 : i32
        %sub3A_421 = arith.subi %add3A_420, %min3A : i32
        %jit3A_422 = arith.constant 0 : i32
        %jit3A_423 = arith.constant 31 : i32
        %max3A_424 = arith.maxsi %jit3A_422, %sub3A_421 : i32
        %min3A_425 = arith.minsi %jit3A_423, %max3A_424 : i32
        %mul3A_426 = arith.constant 3 : i32
        %mul3A_427 = arith.muli %mul3A_426, %min3A_425 : i32
        %get3A_428 = arith.index_cast %mul3A_427 : i32 to index
        %get3A_429 = arith.index_cast %mul3A_62 : i32 to index
        %get3A_430 = tpu.vector_load %arg7[%get3A_428, %get3A_429] {strides = array<i32>} : memref<96x128xf32, #tpu.memory_space<vmem>>, vector<1x16xf32>,
        %get3A_431 = vector.shape_cast %get3A_430 : vector<1x16xf32> to vector<16xf32>
        %sub3A_432 = arith.subf %get3A_431, %get3A_67 : vector<16xf32>
        %mul3A_433 = arith.constant 3 : i32
        %mul3A_434 = arith.muli %mul3A_433, %min3A_425 : i32
        %add3A_435 = arith.constant 1 : i32
        %add3A_436 = arith.addi %mul3A_434, %add3A_435 : i32
        %get3A_437 = arith.index_cast %add3A_436 : i32 to index
        %get3A_438 = arith.index_cast %mul3A_62 : i32 to index
        %get3A_439 = tpu.vector_load %arg7[%get3A_437, %get3A_438] {strides = array<i32>} : memref<96x128xf32, #tpu.memory_space<vmem>>, vector<1x16xf32>,
        %get3A_440 = vector.shape_cast %get3A_439 : vector<1x16xf32> to vector<16xf32>
        %sub3A_441 = arith.subf %get3A_440, %get3A_75 : vector<16xf32>
        %mul3A_442 = arith.constant 3 : i32
        %mul3A_443 = arith.muli %mul3A_442, %min3A_425 : i32
        %add3A_444 = arith.constant 2 : i32
        %add3A_445 = arith.addi %mul3A_443, %add3A_444 : i32
        %get3A_446 = arith.index_cast %add3A_445 : i32 to index
        %get3A_447 = arith.index_cast %mul3A_62 : i32 to index
        %get3A_448 = tpu.vector_load %arg7[%get3A_446, %get3A_447] {strides = array<i32>} : memref<96x128xf32, #tpu.memory_space<vmem>>, vector<1x16xf32>,
        %get3A_449 = vector.shape_cast %get3A_448 : vector<1x16xf32> to vector<16xf32>
        %sub3A_450 = arith.subf %get3A_449, %get3A_83 : vector<16xf32>
        %mul3A_451 = arith.mulf %sub3A_432, %sub3A_432 : vector<16xf32>
        %mul3A_452 = arith.mulf %sub3A_441, %sub3A_441 : vector<16xf32>
        %add3A_453 = arith.addf %mul3A_451, %mul3A_452 : vector<16xf32>
        %mul3A_454 = arith.mulf %sub3A_450, %sub3A_450 : vector<16xf32>
        %add3A_455 = arith.addf %add3A_453, %mul3A_454 : vector<16xf32>
        %ge3A_456 = arith.constant 0 : i32
        %ge3A_457 = arith.cmpi sge, %add3A_420, %ge3A_456 : i32
        %lt3A_458 = arith.constant 2048 : i32
        %lt3A_459 = arith.cmpi slt, %add3A_420, %lt3A_458 : i32
        %and3A_460 = arith.andi %ge3A_457, %lt3A_459 : i1
        %jit3A_461 = arith.constant 1.000000e+00 : f32
        %jit3A_462 = arith.constant 0.000000e+00 : f32
        %select_n3A_463 = arith.select %and3A_460, %jit3A_461, %jit3A_462 : f32
        %mul3A_464 = arith.mulf %select_n3A, %select_n3A_463 : f32
        %max3A_465 = arith.constant 1.000000e-16 : f32
        %max3A_466 = vector.broadcast %max3A_465 : f32 to vector<16xf32>
        %max3A_467 = arith.maximumf %add3A_455, %max3A_466 : vector<16xf32>
        %bitcast_convert_type3A_468 = tpu.bitcast %max3A_467 : vector<16xf32> -> vector<16xi32>
        %shift_right_arithmetic3A_469 = arith.constant 1 : i32
        %shift_right_arithmetic3A_470 = vector.broadcast %shift_right_arithmetic3A_469 : i32 to vector<16xi32>
        %shift_right_arithmetic3A_471 = arith.shrsi %bitcast_convert_type3A_468, %shift_right_arithmetic3A_470 : vector<16xi32>
        %sub3A_472 = arith.constant 1597463007 : i32
        %sub3A_473 = vector.broadcast %sub3A_472 : i32 to vector<16xi32>
        %sub3A_474 = arith.subi %sub3A_473, %shift_right_arithmetic3A_471 : vector<16xi32>
        %bitcast_convert_type3A_475 = tpu.bitcast %sub3A_474 : vector<16xi32> -> vector<16xf32>
        %mul3A_476 = arith.constant 5.000000e-01 : f32
        %mul3A_477 = vector.broadcast %mul3A_476 : f32 to vector<16xf32>
        %mul3A_478 = arith.mulf %mul3A_477, %max3A_467 : vector<16xf32>
        %mul3A_479 = arith.mulf %mul3A_478, %bitcast_convert_type3A_475 : vector<16xf32>
        %mul3A_480 = arith.mulf %mul3A_479, %bitcast_convert_type3A_475 : vector<16xf32>
        %sub3A_481 = arith.constant 1.500000e+00 : f32
        %sub3A_482 = vector.broadcast %sub3A_481 : f32 to vector<16xf32>
        %sub3A_483 = arith.subf %sub3A_482, %mul3A_480 : vector<16xf32>
        %mul3A_484 = arith.mulf %bitcast_convert_type3A_475, %sub3A_483 : vector<16xf32>
        %mul3A_485 = arith.constant 5.000000e-01 : f32
        %mul3A_486 = vector.broadcast %mul3A_485 : f32 to vector<16xf32>
        %mul3A_487 = arith.mulf %mul3A_486, %max3A_467 : vector<16xf32>
        %mul3A_488 = arith.mulf %mul3A_487, %mul3A_484 : vector<16xf32>
        %mul3A_489 = arith.mulf %mul3A_488, %mul3A_484 : vector<16xf32>
        %sub3A_490 = arith.constant 1.500000e+00 : f32
        %sub3A_491 = vector.broadcast %sub3A_490 : f32 to vector<16xf32>
        %sub3A_492 = arith.subf %sub3A_491, %mul3A_489 : vector<16xf32>
        %mul3A_493 = arith.mulf %mul3A_484, %sub3A_492 : vector<16xf32>
        %mul3A_494 = vector.broadcast %mul3A_464 : f32 to vector<16xf32>
        %mul3A_495 = arith.mulf %mul3A_493, %mul3A_494 : vector<16xf32>
        %mul3A_496 = arith.mulf %sub3A_432, %mul3A_495 : vector<16xf32>
        %add3A_497 = arith.addf %add3A_414, %mul3A_496 : vector<16xf32>
        %mul3A_498 = arith.mulf %sub3A_441, %mul3A_495 : vector<16xf32>
        %add3A_499 = arith.addf %add3A_416, %mul3A_498 : vector<16xf32>
        %mul3A_500 = arith.mulf %sub3A_450, %mul3A_495 : vector<16xf32>
        %add3A_501 = arith.addf %add3A_418, %mul3A_500 : vector<16xf32>
        %add3A_502 = arith.constant 3 : i32
        %add3A_503 = arith.addi %add3A_41, %add3A_502 : i32
        %sub3A_504 = arith.subi %add3A_503, %min3A : i32
        %jit3A_505 = arith.constant 0 : i32
        %jit3A_506 = arith.constant 31 : i32
        %max3A_507 = arith.maxsi %jit3A_505, %sub3A_504 : i32
        %min3A_508 = arith.minsi %jit3A_506, %max3A_507 : i32
        %mul3A_509 = arith.constant 3 : i32
        %mul3A_510 = arith.muli %mul3A_509, %min3A_508 : i32
        %get3A_511 = arith.index_cast %mul3A_510 : i32 to index
        %get3A_512 = arith.index_cast %mul3A_62 : i32 to index
        %get3A_513 = tpu.vector_load %arg7[%get3A_511, %get3A_512] {strides = array<i32>} : memref<96x128xf32, #tpu.memory_space<vmem>>, vector<1x16xf32>,
        %get3A_514 = vector.shape_cast %get3A_513 : vector<1x16xf32> to vector<16xf32>
        %sub3A_515 = arith.subf %get3A_514, %get3A_67 : vector<16xf32>
        %mul3A_516 = arith.constant 3 : i32
        %mul3A_517 = arith.muli %mul3A_516, %min3A_508 : i32
        %add3A_518 = arith.constant 1 : i32
        %add3A_519 = arith.addi %mul3A_517, %add3A_518 : i32
        %get3A_520 = arith.index_cast %add3A_519 : i32 to index
        %get3A_521 = arith.index_cast %mul3A_62 : i32 to index
        %get3A_522 = tpu.vector_load %arg7[%get3A_520, %get3A_521] {strides = array<i32>} : memref<96x128xf32, #tpu.memory_space<vmem>>, vector<1x16xf32>,
        %get3A_523 = vector.shape_cast %get3A_522 : vector<1x16xf32> to vector<16xf32>
        %sub3A_524 = arith.subf %get3A_523, %get3A_75 : vector<16xf32>
        %mul3A_525 = arith.constant 3 : i32
        %mul3A_526 = arith.muli %mul3A_525, %min3A_508 : i32
        %add3A_527 = arith.constant 2 : i32
        %add3A_528 = arith.addi %mul3A_526, %add3A_527 : i32
        %get3A_529 = arith.index_cast %add3A_528 : i32 to index
        %get3A_530 = arith.index_cast %mul3A_62 : i32 to index
        %get3A_531 = tpu.vector_load %arg7[%get3A_529, %get3A_530] {strides = array<i32>} : memref<96x128xf32, #tpu.memory_space<vmem>>, vector<1x16xf32>,
        %get3A_532 = vector.shape_cast %get3A_531 : vector<1x16xf32> to vector<16xf32>
        %sub3A_533 = arith.subf %get3A_532, %get3A_83 : vector<16xf32>
        %mul3A_534 = arith.mulf %sub3A_515, %sub3A_515 : vector<16xf32>
        %mul3A_535 = arith.mulf %sub3A_524, %sub3A_524 : vector<16xf32>
        %add3A_536 = arith.addf %mul3A_534, %mul3A_535 : vector<16xf32>
        %mul3A_537 = arith.mulf %sub3A_533, %sub3A_533 : vector<16xf32>
        %add3A_538 = arith.addf %add3A_536, %mul3A_537 : vector<16xf32>
        %ge3A_539 = arith.constant 0 : i32
        %ge3A_540 = arith.cmpi sge, %add3A_503, %ge3A_539 : i32
        %lt3A_541 = arith.constant 2048 : i32
        %lt3A_542 = arith.cmpi slt, %add3A_503, %lt3A_541 : i32
        %and3A_543 = arith.andi %ge3A_540, %lt3A_542 : i1
        %jit3A_544 = arith.constant 1.000000e+00 : f32
        %jit3A_545 = arith.constant 0.000000e+00 : f32
        %select_n3A_546 = arith.select %and3A_543, %jit3A_544, %jit3A_545 : f32
        %mul3A_547 = arith.mulf %select_n3A, %select_n3A_546 : f32
        %max3A_548 = arith.constant 1.000000e-16 : f32
        %max3A_549 = vector.broadcast %max3A_548 : f32 to vector<16xf32>
        %max3A_550 = arith.maximumf %add3A_538, %max3A_549 : vector<16xf32>
        %bitcast_convert_type3A_551 = tpu.bitcast %max3A_550 : vector<16xf32> -> vector<16xi32>
        %shift_right_arithmetic3A_552 = arith.constant 1 : i32
        %shift_right_arithmetic3A_553 = vector.broadcast %shift_right_arithmetic3A_552 : i32 to vector<16xi32>
        %shift_right_arithmetic3A_554 = arith.shrsi %bitcast_convert_type3A_551, %shift_right_arithmetic3A_553 : vector<16xi32>
        %sub3A_555 = arith.constant 1597463007 : i32
        %sub3A_556 = vector.broadcast %sub3A_555 : i32 to vector<16xi32>
        %sub3A_557 = arith.subi %sub3A_556, %shift_right_arithmetic3A_554 : vector<16xi32>
        %bitcast_convert_type3A_558 = tpu.bitcast %sub3A_557 : vector<16xi32> -> vector<16xf32>
        %mul3A_559 = arith.constant 5.000000e-01 : f32
        %mul3A_560 = vector.broadcast %mul3A_559 : f32 to vector<16xf32>
        %mul3A_561 = arith.mulf %mul3A_560, %max3A_550 : vector<16xf32>
        %mul3A_562 = arith.mulf %mul3A_561, %bitcast_convert_type3A_558 : vector<16xf32>
        %mul3A_563 = arith.mulf %mul3A_562, %bitcast_convert_type3A_558 : vector<16xf32>
        %sub3A_564 = arith.constant 1.500000e+00 : f32
        %sub3A_565 = vector.broadcast %sub3A_564 : f32 to vector<16xf32>
        %sub3A_566 = arith.subf %sub3A_565, %mul3A_563 : vector<16xf32>
        %mul3A_567 = arith.mulf %bitcast_convert_type3A_558, %sub3A_566 : vector<16xf32>
        %mul3A_568 = arith.constant 5.000000e-01 : f32
        %mul3A_569 = vector.broadcast %mul3A_568 : f32 to vector<16xf32>
        %mul3A_570 = arith.mulf %mul3A_569, %max3A_550 : vector<16xf32>
        %mul3A_571 = arith.mulf %mul3A_570, %mul3A_567 : vector<16xf32>
        %mul3A_572 = arith.mulf %mul3A_571, %mul3A_567 : vector<16xf32>
        %sub3A_573 = arith.constant 1.500000e+00 : f32
        %sub3A_574 = vector.broadcast %sub3A_573 : f32 to vector<16xf32>
        %sub3A_575 = arith.subf %sub3A_574, %mul3A_572 : vector<16xf32>
        %mul3A_576 = arith.mulf %mul3A_567, %sub3A_575 : vector<16xf32>
        %mul3A_577 = vector.broadcast %mul3A_547 : f32 to vector<16xf32>
        %mul3A_578 = arith.mulf %mul3A_576, %mul3A_577 : vector<16xf32>
        %mul3A_579 = arith.mulf %sub3A_515, %mul3A_578 : vector<16xf32>
        %add3A_580 = arith.addf %add3A_497, %mul3A_579 : vector<16xf32>
        %mul3A_581 = arith.mulf %sub3A_524, %mul3A_578 : vector<16xf32>
        %add3A_582 = arith.addf %add3A_499, %mul3A_581 : vector<16xf32>
        %mul3A_583 = arith.mulf %sub3A_533, %mul3A_578 : vector<16xf32>
        %add3A_584 = arith.addf %add3A_501, %mul3A_583 : vector<16xf32>
        %mul3A_585 = arith.constant 5 : i32
        %mul3A_586 = arith.muli %mul3A_585, %scan3A_37 : i32
        %swap3A = arith.index_cast %mul3A_586 : i32 to index
        %swap3A_587 = arith.index_cast %mul3A_62 : i32 to index
        %swap3A_588 = tpu.vector_load %arg9[%swap3A, %swap3A_587] {strides = array<i32>} : memref<110x128xf32, #tpu.memory_space<vmem>>, vector<1x16xf32>,
        %swap3A_589 = vector.shape_cast %swap3A_588 : vector<1x16xf32> to vector<16xf32>
        %swap3A_590 = vector.shape_cast %add3A_580 : vector<16xf32> to vector<1x16xf32>
        tpu.vector_store %arg9[%swap3A, %swap3A_587], %swap3A_590 {strides = array<i32>} : memref<110x128xf32, #tpu.memory_space<vmem>>, vector<1x16xf32>,
        %mul3A_591 = arith.constant 5 : i32
        %mul3A_592 = arith.muli %mul3A_591, %scan3A_37 : i32
        %add3A_593 = arith.constant 1 : i32
        %add3A_594 = arith.addi %mul3A_592, %add3A_593 : i32
        %swap3A_595 = arith.index_cast %add3A_594 : i32 to index
        %swap3A_596 = arith.index_cast %mul3A_62 : i32 to index
        %swap3A_597 = tpu.vector_load %arg9[%swap3A_595, %swap3A_596] {strides = array<i32>} : memref<110x128xf32, #tpu.memory_space<vmem>>, vector<1x16xf32>,
        %swap3A_598 = vector.shape_cast %swap3A_597 : vector<1x16xf32> to vector<16xf32>
        %swap3A_599 = vector.shape_cast %add3A_582 : vector<16xf32> to vector<1x16xf32>
        tpu.vector_store %arg9[%swap3A_595, %swap3A_596], %swap3A_599 {strides = array<i32>} : memref<110x128xf32, #tpu.memory_space<vmem>>, vector<1x16xf32>,
        %mul3A_600 = arith.constant 5 : i32
        %mul3A_601 = arith.muli %mul3A_600, %scan3A_37 : i32
        %add3A_602 = arith.constant 2 : i32
        %add3A_603 = arith.addi %mul3A_601, %add3A_602 : i32
        %swap3A_604 = arith.index_cast %add3A_603 : i32 to index
        %swap3A_605 = arith.index_cast %mul3A_62 : i32 to index
        %swap3A_606 = tpu.vector_load %arg9[%swap3A_604, %swap3A_605] {strides = array<i32>} : memref<110x128xf32, #tpu.memory_space<vmem>>, vector<1x16xf32>,
        %swap3A_607 = vector.shape_cast %swap3A_606 : vector<1x16xf32> to vector<16xf32>
        %swap3A_608 = vector.shape_cast %add3A_584 : vector<16xf32> to vector<1x16xf32>
        tpu.vector_store %arg9[%swap3A_604, %swap3A_605], %swap3A_608 {strides = array<i32>} : memref<110x128xf32, #tpu.memory_space<vmem>>, vector<1x16xf32>,
        %mul3A_609 = arith.mulf %add3A_580, %add3A_580 : vector<16xf32>
        %mul3A_610 = arith.mulf %add3A_582, %add3A_582 : vector<16xf32>
        %add3A_611 = arith.addf %mul3A_609, %mul3A_610 : vector<16xf32>
        %mul3A_612 = arith.mulf %add3A_584, %add3A_584 : vector<16xf32>
        %add3A_613 = arith.addf %add3A_611, %mul3A_612 : vector<16xf32>
        %max3A_614 = arith.constant 1.000000e-16 : f32
        %max3A_615 = vector.broadcast %max3A_614 : f32 to vector<16xf32>
        %max3A_616 = arith.maximumf %add3A_613, %max3A_615 : vector<16xf32>
        %bitcast_convert_type3A_617 = tpu.bitcast %max3A_616 : vector<16xf32> -> vector<16xi32>
        %shift_right_arithmetic3A_618 = arith.constant 1 : i32
        %shift_right_arithmetic3A_619 = vector.broadcast %shift_right_arithmetic3A_618 : i32 to vector<16xi32>
        %shift_right_arithmetic3A_620 = arith.shrsi %bitcast_convert_type3A_617, %shift_right_arithmetic3A_619 : vector<16xi32>
        %sub3A_621 = arith.constant 1597463007 : i32
        %sub3A_622 = vector.broadcast %sub3A_621 : i32 to vector<16xi32>
        %sub3A_623 = arith.subi %sub3A_622, %shift_right_arithmetic3A_620 : vector<16xi32>
        %bitcast_convert_type3A_624 = tpu.bitcast %sub3A_623 : vector<16xi32> -> vector<16xf32>
        %mul3A_625 = arith.constant 5.000000e-01 : f32
        %mul3A_626 = vector.broadcast %mul3A_625 : f32 to vector<16xf32>
        %mul3A_627 = arith.mulf %mul3A_626, %max3A_616 : vector<16xf32>
        %mul3A_628 = arith.mulf %mul3A_627, %bitcast_convert_type3A_624 : vector<16xf32>
        %mul3A_629 = arith.mulf %mul3A_628, %bitcast_convert_type3A_624 : vector<16xf32>
        %sub3A_630 = arith.constant 1.500000e+00 : f32
        %sub3A_631 = vector.broadcast %sub3A_630 : f32 to vector<16xf32>
        %sub3A_632 = arith.subf %sub3A_631, %mul3A_629 : vector<16xf32>
        %mul3A_633 = arith.mulf %bitcast_convert_type3A_624, %sub3A_632 : vector<16xf32>
        %mul3A_634 = arith.constant 5.000000e-01 : f32
        %mul3A_635 = vector.broadcast %mul3A_634 : f32 to vector<16xf32>
        %mul3A_636 = arith.mulf %mul3A_635, %max3A_616 : vector<16xf32>
        %mul3A_637 = arith.mulf %mul3A_636, %mul3A_633 : vector<16xf32>
        %mul3A_638 = arith.mulf %mul3A_637, %mul3A_633 : vector<16xf32>
        %sub3A_639 = arith.constant 1.500000e+00 : f32
        %sub3A_640 = vector.broadcast %sub3A_639 : f32 to vector<16xf32>
        %sub3A_641 = arith.subf %sub3A_640, %mul3A_638 : vector<16xf32>
        %mul3A_642 = arith.mulf %mul3A_633, %sub3A_641 : vector<16xf32>
        %mul3A_643 = arith.constant 5 : i32
        %mul3A_644 = arith.muli %mul3A_643, %scan3A_37 : i32
        %add3A_645 = arith.constant 3 : i32
        %add3A_646 = arith.addi %mul3A_644, %add3A_645 : i32
        %swap3A_647 = arith.index_cast %add3A_646 : i32 to index
        %swap3A_648 = arith.index_cast %mul3A_62 : i32 to index
        %swap3A_649 = tpu.vector_load %arg9[%swap3A_647, %swap3A_648] {strides = array<i32>} : memref<110x128xf32, #tpu.memory_space<vmem>>, vector<1x16xf32>,
        %swap3A_650 = vector.shape_cast %swap3A_649 : vector<1x16xf32> to vector<16xf32>
        %swap3A_651 = vector.shape_cast %mul3A_642 : vector<16xf32> to vector<1x16xf32>
        tpu.vector_store %arg9[%swap3A_647, %swap3A_648], %swap3A_651 {strides = array<i32>} : memref<110x128xf32, #tpu.memory_space<vmem>>, vector<1x16xf32>,
        %mul3A_652 = arith.constant 5 : i32
        %mul3A_653 = arith.muli %mul3A_652, %scan3A_37 : i32
        %add3A_654 = arith.constant 4 : i32
        %add3A_655 = arith.addi %mul3A_653, %add3A_654 : i32
        %swap3A_656 = arith.index_cast %add3A_655 : i32 to index
        %swap3A_657 = arith.index_cast %mul3A_62 : i32 to index
        %swap3A_658 = tpu.vector_load %arg9[%swap3A_656, %swap3A_657] {strides = array<i32>} : memref<110x128xf32, #tpu.memory_space<vmem>>, vector<1x16xf32>,
        %swap3A_659 = vector.shape_cast %swap3A_658 : vector<1x16xf32> to vector<16xf32>
        %swap3A_660 = vector.shape_cast %add3A_613 : vector<16xf32> to vector<1x16xf32>
        tpu.vector_store %arg9[%swap3A_656, %swap3A_657], %swap3A_660 {strides = array<i32>} : memref<110x128xf32, #tpu.memory_space<vmem>>, vector<1x16xf32>,
        %scan3A_661 = arith.constant 0 : i32
        scf.yield %scan3A_661 : i32
      }
      %scan3A_57 = arith.constant 8 : i32
      %scan3A_58 = arith.constant 0 : i32
      scf.yield %scan3A_58 : i32
    }
    %scan3A_23 = arith.constant 22 : i32
    %scan3A_24 = arith.constant 0 : i32
    %scan3A_25 = arith.constant 0 : i32
    %scan3A_26 = arith.constant 8 : i32
    %scan3A_27 = arith.addi %scan3A_25, %scan3A_26 : i32
    %scan3A_28 = arith.constant 1 : i32
    %scan3A_29 = scf.for %scan3A_37 = %scan3A_25 to %scan3A_27 step %scan3A_28 iter_args(%scan3A_38 = %scan3A_24) -> (i32)  : i32 {
      %mul3A_39 = arith.constant 16 : i32
      %mul3A_40 = arith.muli %scan3A_37, %mul3A_39 : i32
      %get3A = arith.constant 0 : i32
      %get3A_41 = arith.index_cast %get3A : i32 to index
      %get3A_42 = arith.index_cast %mul3A_40 : i32 to index
      %get3A_43 = tpu.vector_load %arg12[%get3A_41, %get3A_42] {strides = array<i32>} : memref<8x128xf32, #tpu.memory_space<vmem>>, vector<1x16xf32>,
      %get3A_44 = vector.shape_cast %get3A_43 : vector<1x16xf32> to vector<16xf32>
      %get3A_45 = arith.constant 1 : i32
      %get3A_46 = arith.index_cast %get3A_45 : i32 to index
      %get3A_47 = arith.index_cast %mul3A_40 : i32 to index
      %get3A_48 = tpu.vector_load %arg12[%get3A_46, %get3A_47] {strides = array<i32>} : memref<8x128xf32, #tpu.memory_space<vmem>>, vector<1x16xf32>,
      %get3A_49 = vector.shape_cast %get3A_48 : vector<1x16xf32> to vector<16xf32>
      %get3A_50 = arith.constant 2 : i32
      %get3A_51 = arith.index_cast %get3A_50 : i32 to index
      %get3A_52 = arith.index_cast %mul3A_40 : i32 to index
      %get3A_53 = tpu.vector_load %arg12[%get3A_51, %get3A_52] {strides = array<i32>} : memref<8x128xf32, #tpu.memory_space<vmem>>, vector<1x16xf32>,
      %get3A_54 = vector.shape_cast %get3A_53 : vector<1x16xf32> to vector<16xf32>
      %get3A_55 = arith.constant 3 : i32
      %get3A_56 = arith.index_cast %get3A_55 : i32 to index
      %get3A_57 = arith.index_cast %mul3A_40 : i32 to index
      %get3A_58 = tpu.vector_load %arg12[%get3A_56, %get3A_57] {strides = array<i32>} : memref<8x128xf32, #tpu.memory_space<vmem>>, vector<1x16xf32>,
      %get3A_59 = vector.shape_cast %get3A_58 : vector<1x16xf32> to vector<16xf32>
      %get3A_60 = arith.constant 4 : i32
      %get3A_61 = arith.index_cast %get3A_60 : i32 to index
      %get3A_62 = arith.index_cast %mul3A_40 : i32 to index
      %get3A_63 = tpu.vector_load %arg12[%get3A_61, %get3A_62] {strides = array<i32>} : memref<8x128xf32, #tpu.memory_space<vmem>>, vector<1x16xf32>,
      %get3A_64 = vector.shape_cast %get3A_63 : vector<1x16xf32> to vector<16xf32>
      %get3A_65 = arith.constant 5 : i32
      %get3A_66 = arith.index_cast %get3A_65 : i32 to index
      %get3A_67 = arith.index_cast %mul3A_40 : i32 to index
      %get3A_68 = tpu.vector_load %arg12[%get3A_66, %get3A_67] {strides = array<i32>} : memref<8x128xf32, #tpu.memory_space<vmem>>, vector<1x16xf32>,
      %get3A_69 = vector.shape_cast %get3A_68 : vector<1x16xf32> to vector<16xf32>
      %broadcast_in_dim3A = arith.constant 0.000000e+00 : f32
      %broadcast_in_dim3A_70 = vector.broadcast %broadcast_in_dim3A : f32 to vector<16xf32>
      %scan3A_71 = arith.constant 0 : i32
      %scan3A_72 = arith.constant 19 : i32
      %scan3A_73 = arith.addi %scan3A_71, %scan3A_72 : i32
      %scan3A_74 = arith.constant 1 : i32
      %scan3A_75:6 = scf.for %scan3A_78 = %scan3A_71 to %scan3A_73 step %scan3A_74 iter_args(%scan3A_79 = %broadcast_in_dim3A_70, %scan3A_80 = %broadcast_in_dim3A_70, %scan3A_81 = %broadcast_in_dim3A_70, %scan3A_82 = %broadcast_in_dim3A_70, %scan3A_83 = %broadcast_in_dim3A_70, %scan3A_84 = %broadcast_in_dim3A_70) -> (vector<16xf32>, vector<16xf32>, vector<16xf32>, vector<16xf32>, vector<16xf32>, vector<16xf32>)  : i32 {
        %sub3A_85 = arith.constant 3 : i32
        %sub3A_86 = arith.subi %mul3A_2, %sub3A_85 : i32
        %add3A_87 = arith.addi %sub3A_86, %scan3A_78 : i32
        %sub3A_88 = arith.subi %add3A_87, %min3A : i32
        %jit3A_89 = arith.constant 0 : i32
        %jit3A_90 = arith.constant 31 : i32
        %max3A_91 = arith.maxsi %jit3A_89, %sub3A_88 : i32
        %min3A_92 = arith.minsi %jit3A_90, %max3A_91 : i32
        %mul3A_93 = arith.constant 3 : i32
        %mul3A_94 = arith.muli %mul3A_93, %min3A_92 : i32
        %get3A_95 = arith.index_cast %mul3A_94 : i32 to index
        %get3A_96 = arith.index_cast %mul3A_40 : i32 to index
        %get3A_97 = tpu.vector_load %arg7[%get3A_95, %get3A_96] {strides = array<i32>} : memref<96x128xf32, #tpu.memory_space<vmem>>, vector<1x16xf32>,
        %get3A_98 = vector.shape_cast %get3A_97 : vector<1x16xf32> to vector<16xf32>
        %mul3A_99 = arith.constant 3 : i32
        %mul3A_100 = arith.muli %mul3A_99, %min3A_92 : i32
        %add3A_101 = arith.constant 1 : i32
        %add3A_102 = arith.addi %mul3A_100, %add3A_101 : i32
        %get3A_103 = arith.index_cast %add3A_102 : i32 to index
        %get3A_104 = arith.index_cast %mul3A_40 : i32 to index
        %get3A_105 = tpu.vector_load %arg7[%get3A_103, %get3A_104] {strides = array<i32>} : memref<96x128xf32, #tpu.memory_space<vmem>>, vector<1x16xf32>,
        %get3A_106 = vector.shape_cast %get3A_105 : vector<1x16xf32> to vector<16xf32>
        %mul3A_107 = arith.constant 3 : i32
        %mul3A_108 = arith.muli %mul3A_107, %min3A_92 : i32
        %add3A_109 = arith.constant 2 : i32
        %add3A_110 = arith.addi %mul3A_108, %add3A_109 : i32
        %get3A_111 = arith.index_cast %add3A_110 : i32 to index
        %get3A_112 = arith.index_cast %mul3A_40 : i32 to index
        %get3A_113 = tpu.vector_load %arg7[%get3A_111, %get3A_112] {strides = array<i32>} : memref<96x128xf32, #tpu.memory_space<vmem>>, vector<1x16xf32>,
        %get3A_114 = vector.shape_cast %get3A_113 : vector<1x16xf32> to vector<16xf32>
        %mul3A_115 = arith.constant 5 : i32
        %mul3A_116 = arith.muli %mul3A_115, %scan3A_78 : i32
        %get3A_117 = arith.index_cast %mul3A_116 : i32 to index
        %get3A_118 = arith.index_cast %mul3A_40 : i32 to index
        %get3A_119 = tpu.vector_load %arg9[%get3A_117, %get3A_118] {strides = array<i32>} : memref<110x128xf32, #tpu.memory_space<vmem>>, vector<1x16xf32>,
        %get3A_120 = vector.shape_cast %get3A_119 : vector<1x16xf32> to vector<16xf32>
        %mul3A_121 = arith.constant 5 : i32
        %mul3A_122 = arith.muli %mul3A_121, %scan3A_78 : i32
        %add3A_123 = arith.constant 1 : i32
        %add3A_124 = arith.addi %mul3A_122, %add3A_123 : i32
        %get3A_125 = arith.index_cast %add3A_124 : i32 to index
        %get3A_126 = arith.index_cast %mul3A_40 : i32 to index
        %get3A_127 = tpu.vector_load %arg9[%get3A_125, %get3A_126] {strides = array<i32>} : memref<110x128xf32, #tpu.memory_space<vmem>>, vector<1x16xf32>,
        %get3A_128 = vector.shape_cast %get3A_127 : vector<1x16xf32> to vector<16xf32>
        %mul3A_129 = arith.constant 5 : i32
        %mul3A_130 = arith.muli %mul3A_129, %scan3A_78 : i32
        %add3A_131 = arith.constant 2 : i32
        %add3A_132 = arith.addi %mul3A_130, %add3A_131 : i32
        %get3A_133 = arith.index_cast %add3A_132 : i32 to index
        %get3A_134 = arith.index_cast %mul3A_40 : i32 to index
        %get3A_135 = tpu.vector_load %arg9[%get3A_133, %get3A_134] {strides = array<i32>} : memref<110x128xf32, #tpu.memory_space<vmem>>, vector<1x16xf32>,
        %get3A_136 = vector.shape_cast %get3A_135 : vector<1x16xf32> to vector<16xf32>
        %mul3A_137 = arith.constant 5 : i32
        %mul3A_138 = arith.muli %mul3A_137, %scan3A_78 : i32
        %add3A_139 = arith.constant 3 : i32
        %add3A_140 = arith.addi %mul3A_138, %add3A_139 : i32
        %get3A_141 = arith.index_cast %add3A_140 : i32 to index
        %get3A_142 = arith.index_cast %mul3A_40 : i32 to index
        %get3A_143 = tpu.vector_load %arg9[%get3A_141, %get3A_142] {strides = array<i32>} : memref<110x128xf32, #tpu.memory_space<vmem>>, vector<1x16xf32>,
        %get3A_144 = vector.shape_cast %get3A_143 : vector<1x16xf32> to vector<16xf32>
        %mul3A_145 = arith.constant 5 : i32
        %mul3A_146 = arith.muli %mul3A_145, %scan3A_78 : i32
        %add3A_147 = arith.constant 4 : i32
        %add3A_148 = arith.addi %mul3A_146, %add3A_147 : i32
        %get3A_149 = arith.index_cast %add3A_148 : i32 to index
        %get3A_150 = arith.index_cast %mul3A_40 : i32 to index
        %get3A_151 = tpu.vector_load %arg9[%get3A_149, %get3A_150] {strides = array<i32>} : memref<110x128xf32, #tpu.memory_space<vmem>>, vector<1x16xf32>,
        %get3A_152 = vector.shape_cast %get3A_151 : vector<1x16xf32> to vector<16xf32>
        %sub3A_153 = arith.subi %add3A_87, %min3A_10 : i32
        %jit3A_154 = arith.constant 0 : i32
        %jit3A_155 = arith.constant 31 : i32
        %max3A_156 = arith.maxsi %jit3A_154, %sub3A_153 : i32
        %min3A_157 = arith.minsi %jit3A_155, %max3A_156 : i32
        %get3A_158 = arith.index_cast %min3A_157 : i32 to index
        %get3A_159 = arith.index_cast %mul3A_40 : i32 to index
        %get3A_160 = tpu.vector_load %arg8[%get3A_158, %get3A_159] {strides = array<i32>} : memref<32x128xf32, #tpu.memory_space<vmem>>, vector<1x16xf32>,
        %get3A_161 = vector.shape_cast %get3A_160 : vector<1x16xf32> to vector<16xf32>
        %add3A_162 = arith.constant 1 : i32
        %add3A_163 = arith.addi %add3A_87, %add3A_162 : i32
        %ge3A = arith.constant 0 : i32
        %ge3A_164 = arith.cmpi sge, %add3A_87, %ge3A : i32
        %lt3A = arith.constant 2048 : i32
        %lt3A_165 = arith.cmpi slt, %add3A_163, %lt3A : i32
        %and3A = arith.andi %ge3A_164, %lt3A_165 : i1
        %jit3A_166 = arith.constant 1.000000e+00 : f32
        %jit3A_167 = arith.constant 0.000000e+00 : f32
        %select_n3A = arith.select %and3A, %jit3A_166, %jit3A_167 : f32
        %sub3A_168 = arith.subi %add3A_163, %min3A : i32
        %jit3A_169 = arith.constant 0 : i32
        %jit3A_170 = arith.constant 31 : i32
        %max3A_171 = arith.maxsi %jit3A_169, %sub3A_168 : i32
        %min3A_172 = arith.minsi %jit3A_170, %max3A_171 : i32
        %mul3A_173 = arith.constant 3 : i32
        %mul3A_174 = arith.muli %mul3A_173, %min3A_172 : i32
        %get3A_175 = arith.index_cast %mul3A_174 : i32 to index
        %get3A_176 = arith.index_cast %mul3A_40 : i32 to index
        %get3A_177 = tpu.vector_load %arg7[%get3A_175, %get3A_176] {strides = array<i32>} : memref<96x128xf32, #tpu.memory_space<vmem>>, vector<1x16xf32>,
        %get3A_178 = vector.shape_cast %get3A_177 : vector<1x16xf32> to vector<16xf32>
        %sub3A_179 = arith.subf %get3A_178, %get3A_98 : vector<16xf32>
        %mul3A_180 = arith.constant 3 : i32
        %mul3A_181 = arith.muli %mul3A_180, %min3A_172 : i32
        %add3A_182 = arith.constant 1 : i32
        %add3A_183 = arith.addi %mul3A_181, %add3A_182 : i32
        %get3A_184 = arith.index_cast %add3A_183 : i32 to index
        %get3A_185 = arith.index_cast %mul3A_40 : i32 to index
        %get3A_186 = tpu.vector_load %arg7[%get3A_184, %get3A_185] {strides = array<i32>} : memref<96x128xf32, #tpu.memory_space<vmem>>, vector<1x16xf32>,
        %get3A_187 = vector.shape_cast %get3A_186 : vector<1x16xf32> to vector<16xf32>
        %sub3A_188 = arith.subf %get3A_187, %get3A_106 : vector<16xf32>
        %mul3A_189 = arith.constant 3 : i32
        %mul3A_190 = arith.muli %mul3A_189, %min3A_172 : i32
        %add3A_191 = arith.constant 2 : i32
        %add3A_192 = arith.addi %mul3A_190, %add3A_191 : i32
        %get3A_193 = arith.index_cast %add3A_192 : i32 to index
        %get3A_194 = arith.index_cast %mul3A_40 : i32 to index
        %get3A_195 = tpu.vector_load %arg7[%get3A_193, %get3A_194] {strides = array<i32>} : memref<96x128xf32, #tpu.memory_space<vmem>>, vector<1x16xf32>,
        %get3A_196 = vector.shape_cast %get3A_195 : vector<1x16xf32> to vector<16xf32>
        %sub3A_197 = arith.subf %get3A_196, %get3A_114 : vector<16xf32>
        %mul3A_198 = arith.mulf %sub3A_179, %sub3A_179 : vector<16xf32>
        %mul3A_199 = arith.mulf %sub3A_188, %sub3A_188 : vector<16xf32>
        %add3A_200 = arith.addf %mul3A_198, %mul3A_199 : vector<16xf32>
        %mul3A_201 = arith.mulf %sub3A_197, %sub3A_197 : vector<16xf32>
        %add3A_202 = arith.addf %add3A_200, %mul3A_201 : vector<16xf32>
        %max3A_203 = arith.constant 1.000000e-16 : f32
        %max3A_204 = vector.broadcast %max3A_203 : f32 to vector<16xf32>
        %max3A_205 = arith.maximumf %add3A_202, %max3A_204 : vector<16xf32>
        %bitcast_convert_type3A = tpu.bitcast %max3A_205 : vector<16xf32> -> vector<16xi32>
        %shift_right_arithmetic3A = arith.constant 1 : i32
        %shift_right_arithmetic3A_206 = vector.broadcast %shift_right_arithmetic3A : i32 to vector<16xi32>
        %shift_right_arithmetic3A_207 = arith.shrsi %bitcast_convert_type3A, %shift_right_arithmetic3A_206 : vector<16xi32>
        %sub3A_208 = arith.constant 1597463007 : i32
        %sub3A_209 = vector.broadcast %sub3A_208 : i32 to vector<16xi32>
        %sub3A_210 = arith.subi %sub3A_209, %shift_right_arithmetic3A_207 : vector<16xi32>
        %bitcast_convert_type3A_211 = tpu.bitcast %sub3A_210 : vector<16xi32> -> vector<16xf32>
        %mul3A_212 = arith.constant 5.000000e-01 : f32
        %mul3A_213 = vector.broadcast %mul3A_212 : f32 to vector<16xf32>
        %mul3A_214 = arith.mulf %mul3A_213, %max3A_205 : vector<16xf32>
        %mul3A_215 = arith.mulf %mul3A_214, %bitcast_convert_type3A_211 : vector<16xf32>
        %mul3A_216 = arith.mulf %mul3A_215, %bitcast_convert_type3A_211 : vector<16xf32>
        %sub3A_217 = arith.constant 1.500000e+00 : f32
        %sub3A_218 = vector.broadcast %sub3A_217 : f32 to vector<16xf32>
        %sub3A_219 = arith.subf %sub3A_218, %mul3A_216 : vector<16xf32>
        %mul3A_220 = arith.mulf %bitcast_convert_type3A_211, %sub3A_219 : vector<16xf32>
        %mul3A_221 = arith.constant 5.000000e-01 : f32
        %mul3A_222 = vector.broadcast %mul3A_221 : f32 to vector<16xf32>
        %mul3A_223 = arith.mulf %mul3A_222, %max3A_205 : vector<16xf32>
        %mul3A_224 = arith.mulf %mul3A_223, %mul3A_220 : vector<16xf32>
        %mul3A_225 = arith.mulf %mul3A_224, %mul3A_220 : vector<16xf32>
        %sub3A_226 = arith.constant 1.500000e+00 : f32
        %sub3A_227 = vector.broadcast %sub3A_226 : f32 to vector<16xf32>
        %sub3A_228 = arith.subf %sub3A_227, %mul3A_225 : vector<16xf32>
        %mul3A_229 = arith.mulf %mul3A_220, %sub3A_228 : vector<16xf32>
        %add3A_230 = arith.constant 1 : i32
        %add3A_231 = arith.addi %scan3A_78, %add3A_230 : i32
        %mul3A_232 = arith.constant 5 : i32
        %mul3A_233 = arith.muli %mul3A_232, %add3A_231 : i32
        %get3A_234 = arith.index_cast %mul3A_233 : i32 to index
        %get3A_235 = arith.index_cast %mul3A_40 : i32 to index
        %get3A_236 = tpu.vector_load %arg9[%get3A_234, %get3A_235] {strides = array<i32>} : memref<110x128xf32, #tpu.memory_space<vmem>>, vector<1x16xf32>,
        %get3A_237 = vector.shape_cast %get3A_236 : vector<1x16xf32> to vector<16xf32>
        %mul3A_238 = arith.constant 5 : i32
        %mul3A_239 = arith.muli %mul3A_238, %add3A_231 : i32
        %add3A_240 = arith.constant 1 : i32
        %add3A_241 = arith.addi %mul3A_239, %add3A_240 : i32
        %get3A_242 = arith.index_cast %add3A_241 : i32 to index
        %get3A_243 = arith.index_cast %mul3A_40 : i32 to index
        %get3A_244 = tpu.vector_load %arg9[%get3A_242, %get3A_243] {strides = array<i32>} : memref<110x128xf32, #tpu.memory_space<vmem>>, vector<1x16xf32>,
        %get3A_245 = vector.shape_cast %get3A_244 : vector<1x16xf32> to vector<16xf32>
        %mul3A_246 = arith.constant 5 : i32
        %mul3A_247 = arith.muli %mul3A_246, %add3A_231 : i32
        %add3A_248 = arith.constant 2 : i32
        %add3A_249 = arith.addi %mul3A_247, %add3A_248 : i32
        %get3A_250 = arith.index_cast %add3A_249 : i32 to index
        %get3A_251 = arith.index_cast %mul3A_40 : i32 to index
        %get3A_252 = tpu.vector_load %arg9[%get3A_250, %get3A_251] {strides = array<i32>} : memref<110x128xf32, #tpu.memory_space<vmem>>, vector<1x16xf32>,
        %get3A_253 = vector.shape_cast %get3A_252 : vector<1x16xf32> to vector<16xf32>
        %mul3A_254 = arith.constant 5 : i32
        %mul3A_255 = arith.muli %mul3A_254, %add3A_231 : i32
        %add3A_256 = arith.constant 3 : i32
        %add3A_257 = arith.addi %mul3A_255, %add3A_256 : i32
        %get3A_258 = arith.index_cast %add3A_257 : i32 to index
        %get3A_259 = arith.index_cast %mul3A_40 : i32 to index
        %get3A_260 = tpu.vector_load %arg9[%get3A_258, %get3A_259] {strides = array<i32>} : memref<110x128xf32, #tpu.memory_space<vmem>>, vector<1x16xf32>,
        %get3A_261 = vector.shape_cast %get3A_260 : vector<1x16xf32> to vector<16xf32>
        %mul3A_262 = arith.constant 5 : i32
        %mul3A_263 = arith.muli %mul3A_262, %add3A_231 : i32
        %add3A_264 = arith.constant 4 : i32
        %add3A_265 = arith.addi %mul3A_263, %add3A_264 : i32
        %get3A_266 = arith.index_cast %add3A_265 : i32 to index
        %get3A_267 = arith.index_cast %mul3A_40 : i32 to index
        %get3A_268 = tpu.vector_load %arg9[%get3A_266, %get3A_267] {strides = array<i32>} : memref<110x128xf32, #tpu.memory_space<vmem>>, vector<1x16xf32>,
        %get3A_269 = vector.shape_cast %get3A_268 : vector<1x16xf32> to vector<16xf32>
        %mul3A_270 = arith.mulf %get3A_120, %sub3A_179 : vector<16xf32>
        %mul3A_271 = arith.mulf %get3A_128, %sub3A_188 : vector<16xf32>
        %add3A_272 = arith.addf %mul3A_270, %mul3A_271 : vector<16xf32>
        %mul3A_273 = arith.mulf %get3A_136, %sub3A_197 : vector<16xf32>
        %add3A_274 = arith.addf %add3A_272, %mul3A_273 : vector<16xf32>
        %mul3A_275 = arith.mulf %get3A_237, %sub3A_179 : vector<16xf32>
        %mul3A_276 = arith.mulf %get3A_245, %sub3A_188 : vector<16xf32>
        %add3A_277 = arith.addf %mul3A_275, %mul3A_276 : vector<16xf32>
        %mul3A_278 = arith.mulf %get3A_253, %sub3A_197 : vector<16xf32>
        %add3A_279 = arith.addf %add3A_277, %mul3A_278 : vector<16xf32>
        %mul3A_280 = arith.mulf %add3A_274, %mul3A_229 : vector<16xf32>
        %mul3A_281 = arith.mulf %add3A_279, %mul3A_229 : vector<16xf32>
        %mul3A_282 = arith.mulf %mul3A_280, %get3A_144 : vector<16xf32>
        %min3A_283 = arith.constant 1.000000e+00 : f32
        %min3A_284 = vector.broadcast %min3A_283 : f32 to vector<16xf32>
        %min3A_285 = arith.minimumf %mul3A_282, %min3A_284 : vector<16xf32>
        %max3A_286 = arith.constant -1.000000e+00 : f32
        %max3A_287 = vector.broadcast %max3A_286 : f32 to vector<16xf32>
        %max3A_288 = arith.maximumf %min3A_285, %max3A_287 : vector<16xf32>
        %mul3A_289 = arith.mulf %mul3A_281, %get3A_261 : vector<16xf32>
        %sub3A_290 = arith.constant 0.000000e+00 : f32
        %sub3A_291 = vector.broadcast %sub3A_290 : f32 to vector<16xf32>
        %sub3A_292 = arith.subf %sub3A_291, %mul3A_289 : vector<16xf32>
        %min3A_293 = arith.constant 1.000000e+00 : f32
        %min3A_294 = vector.broadcast %min3A_293 : f32 to vector<16xf32>
        %min3A_295 = arith.minimumf %sub3A_292, %min3A_294 : vector<16xf32>
        %max3A_296 = arith.constant -1.000000e+00 : f32
        %max3A_297 = vector.broadcast %max3A_296 : f32 to vector<16xf32>
        %max3A_298 = arith.maximumf %min3A_295, %max3A_297 : vector<16xf32>
        %mul3A_299 = arith.mulf %mul3A_280, %mul3A_280 : vector<16xf32>
        %sub3A_300 = arith.subf %get3A_152, %mul3A_299 : vector<16xf32>
        %mul3A_301 = arith.mulf %mul3A_281, %mul3A_281 : vector<16xf32>
        %sub3A_302 = arith.subf %get3A_269, %mul3A_301 : vector<16xf32>
        %mul3A_303 = arith.mulf %get3A_120, %get3A_237 : vector<16xf32>
        %mul3A_304 = arith.mulf %get3A_128, %get3A_245 : vector<16xf32>
        %add3A_305 = arith.addf %mul3A_303, %mul3A_304 : vector<16xf32>
        %mul3A_306 = arith.mulf %get3A_136, %get3A_253 : vector<16xf32>
        %add3A_307 = arith.addf %add3A_305, %mul3A_306 : vector<16xf32>
        %mul3A_308 = arith.mulf %mul3A_280, %mul3A_281 : vector<16xf32>
        %sub3A_309 = arith.subf %add3A_307, %mul3A_308 : vector<16xf32>
        %max3A_310 = arith.constant 1.000000e-16 : f32
        %max3A_311 = vector.broadcast %max3A_310 : f32 to vector<16xf32>
        %max3A_312 = arith.maximumf %sub3A_300, %max3A_311 : vector<16xf32>
        %max3A_313 = arith.constant 1.000000e-16 : f32
        %max3A_314 = vector.broadcast %max3A_313 : f32 to vector<16xf32>
        %max3A_315 = arith.maximumf %sub3A_302, %max3A_314 : vector<16xf32>
        %mul3A_316 = arith.mulf %max3A_312, %max3A_315 : vector<16xf32>
        %bitcast_convert_type3A_317 = tpu.bitcast %mul3A_316 : vector<16xf32> -> vector<16xi32>
        %shift_right_arithmetic3A_318 = arith.constant 1 : i32
        %shift_right_arithmetic3A_319 = vector.broadcast %shift_right_arithmetic3A_318 : i32 to vector<16xi32>
        %shift_right_arithmetic3A_320 = arith.shrsi %bitcast_convert_type3A_317, %shift_right_arithmetic3A_319 : vector<16xi32>
        %sub3A_321 = arith.constant 1597463007 : i32
        %sub3A_322 = vector.broadcast %sub3A_321 : i32 to vector<16xi32>
        %sub3A_323 = arith.subi %sub3A_322, %shift_right_arithmetic3A_320 : vector<16xi32>
        %bitcast_convert_type3A_324 = tpu.bitcast %sub3A_323 : vector<16xi32> -> vector<16xf32>
        %mul3A_325 = arith.constant 5.000000e-01 : f32
        %mul3A_326 = vector.broadcast %mul3A_325 : f32 to vector<16xf32>
        %mul3A_327 = arith.mulf %mul3A_326, %mul3A_316 : vector<16xf32>
        %mul3A_328 = arith.mulf %mul3A_327, %bitcast_convert_type3A_324 : vector<16xf32>
        %mul3A_329 = arith.mulf %mul3A_328, %bitcast_convert_type3A_324 : vector<16xf32>
        %sub3A_330 = arith.constant 1.500000e+00 : f32
        %sub3A_331 = vector.broadcast %sub3A_330 : f32 to vector<16xf32>
        %sub3A_332 = arith.subf %sub3A_331, %mul3A_329 : vector<16xf32>
        %mul3A_333 = arith.mulf %bitcast_convert_type3A_324, %sub3A_332 : vector<16xf32>
        %mul3A_334 = arith.constant 5.000000e-01 : f32
        %mul3A_335 = vector.broadcast %mul3A_334 : f32 to vector<16xf32>
        %mul3A_336 = arith.mulf %mul3A_335, %mul3A_316 : vector<16xf32>
        %mul3A_337 = arith.mulf %mul3A_336, %mul3A_333 : vector<16xf32>
        %mul3A_338 = arith.mulf %mul3A_337, %mul3A_333 : vector<16xf32>
        %sub3A_339 = arith.constant 1.500000e+00 : f32
        %sub3A_340 = vector.broadcast %sub3A_339 : f32 to vector<16xf32>
        %sub3A_341 = arith.subf %sub3A_340, %mul3A_338 : vector<16xf32>
        %mul3A_342 = arith.mulf %mul3A_333, %sub3A_341 : vector<16xf32>
        %mul3A_343 = arith.mulf %sub3A_309, %mul3A_342 : vector<16xf32>
        %min3A_344 = arith.constant 1.000000e+00 : f32
        %min3A_345 = vector.broadcast %min3A_344 : f32 to vector<16xf32>
        %min3A_346 = arith.minimumf %mul3A_343, %min3A_345 : vector<16xf32>
        %max3A_347 = arith.constant -1.000000e+00 : f32
        %max3A_348 = vector.broadcast %max3A_347 : f32 to vector<16xf32>
        %max3A_349 = arith.maximumf %min3A_346, %max3A_348 : vector<16xf32>
        %mul3A_350 = arith.mulf %max3A_349, %get3A_49 : vector<16xf32>
        %add3A_351 = arith.addf %mul3A_350, %get3A_54 : vector<16xf32>
        %mul3A_352 = arith.mulf %max3A_349, %get3A_64 : vector<16xf32>
        %add3A_353 = arith.addf %mul3A_352, %get3A_69 : vector<16xf32>
        %mul3A_354 = arith.mulf %max3A_288, %get3A_44 : vector<16xf32>
        %add3A_355 = arith.addf %add3A_351, %mul3A_354 : vector<16xf32>
        %neg3A = arith.constant 0.000000e+00 : f32
        %neg3A_356 = vector.broadcast %neg3A : f32 to vector<16xf32>
        %neg3A_357 = arith.subf %neg3A_356, %add3A_355 : vector<16xf32>
        %exp3A = math.exp %neg3A_357 : vector<16xf32>
        %add3A_358 = arith.constant 1.000000e+00 : f32
        %add3A_359 = vector.broadcast %add3A_358 : f32 to vector<16xf32>
        %add3A_360 = arith.addf %add3A_359, %exp3A : vector<16xf32>
        %div3A = arith.constant 1.000000e+00 : f32
        %div3A_361 = vector.broadcast %div3A : f32 to vector<16xf32>
        %div3A_362 = arith.divf %div3A_361, %add3A_360 : vector<16xf32>
        %mul3A_363 = arith.mulf %max3A_298, %get3A_44 : vector<16xf32>
        %add3A_364 = arith.addf %add3A_351, %mul3A_363 : vector<16xf32>
        %neg3A_365 = arith.constant 0.000000e+00 : f32
        %neg3A_366 = vector.broadcast %neg3A_365 : f32 to vector<16xf32>
        %neg3A_367 = arith.subf %neg3A_366, %add3A_364 : vector<16xf32>
        %exp3A_368 = math.exp %neg3A_367 : vector<16xf32>
        %add3A_369 = arith.constant 1.000000e+00 : f32
        %add3A_370 = vector.broadcast %add3A_369 : f32 to vector<16xf32>
        %add3A_371 = arith.addf %add3A_370, %exp3A_368 : vector<16xf32>
        %div3A_372 = arith.constant 1.000000e+00 : f32
        %div3A_373 = vector.broadcast %div3A_372 : f32 to vector<16xf32>
        %div3A_374 = arith.divf %div3A_373, %add3A_371 : vector<16xf32>
        %mul3A_375 = arith.mulf %max3A_288, %get3A_59 : vector<16xf32>
        %add3A_376 = arith.addf %add3A_353, %mul3A_375 : vector<16xf32>
        %neg3A_377 = arith.constant 0.000000e+00 : f32
        %neg3A_378 = vector.broadcast %neg3A_377 : f32 to vector<16xf32>
        %neg3A_379 = arith.subf %neg3A_378, %add3A_376 : vector<16xf32>
        %exp3A_380 = math.exp %neg3A_379 : vector<16xf32>
        %add3A_381 = arith.constant 1.000000e+00 : f32
        %add3A_382 = vector.broadcast %add3A_381 : f32 to vector<16xf32>
        %add3A_383 = arith.addf %add3A_382, %exp3A_380 : vector<16xf32>
        %div3A_384 = arith.constant 1.000000e+00 : f32
        %div3A_385 = vector.broadcast %div3A_384 : f32 to vector<16xf32>
        %div3A_386 = arith.divf %div3A_385, %add3A_383 : vector<16xf32>
        %mul3A_387 = arith.mulf %max3A_298, %get3A_59 : vector<16xf32>
        %add3A_388 = arith.addf %add3A_353, %mul3A_387 : vector<16xf32>
        %neg3A_389 = arith.constant 0.000000e+00 : f32
        %neg3A_390 = vector.broadcast %neg3A_389 : f32 to vector<16xf32>
        %neg3A_391 = arith.subf %neg3A_390, %add3A_388 : vector<16xf32>
        %exp3A_392 = math.exp %neg3A_391 : vector<16xf32>
        %add3A_393 = arith.constant 1.000000e+00 : f32
        %add3A_394 = vector.broadcast %add3A_393 : f32 to vector<16xf32>
        %add3A_395 = arith.addf %add3A_394, %exp3A_392 : vector<16xf32>
        %div3A_396 = arith.constant 1.000000e+00 : f32
        %div3A_397 = vector.broadcast %div3A_396 : f32 to vector<16xf32>
        %div3A_398 = arith.divf %div3A_397, %add3A_395 : vector<16xf32>
        %sub3A_399 = arith.subi %add3A_163, %min3A_10 : i32
        %jit3A_400 = arith.constant 0 : i32
        %jit3A_401 = arith.constant 31 : i32
        %max3A_402 = arith.maxsi %jit3A_400, %sub3A_399 : i32
        %min3A_403 = arith.minsi %jit3A_401, %max3A_402 : i32
        %get3A_404 = arith.index_cast %min3A_403 : i32 to index
        %get3A_405 = arith.index_cast %mul3A_40 : i32 to index
        %get3A_406 = tpu.vector_load %arg8[%get3A_404, %get3A_405] {strides = array<i32>} : memref<32x128xf32, #tpu.memory_space<vmem>>, vector<1x16xf32>,
        %get3A_407 = vector.shape_cast %get3A_406 : vector<1x16xf32> to vector<16xf32>
        %mul3A_408 = vector.broadcast %select_n3A : f32 to vector<16xf32>
        %mul3A_409 = arith.mulf %get3A_407, %mul3A_408 : vector<16xf32>
        %mul3A_410 = vector.broadcast %select_n3A : f32 to vector<16xf32>
        %mul3A_411 = arith.mulf %get3A_161, %mul3A_410 : vector<16xf32>
        %mul3A_412 = arith.mulf %div3A_362, %mul3A_409 : vector<16xf32>
        %add3A_413 = arith.addf %broadcast_in_dim3A_70, %mul3A_412 : vector<16xf32>
        %mul3A_414 = arith.mulf %div3A_386, %mul3A_409 : vector<16xf32>
        %add3A_415 = arith.addf %broadcast_in_dim3A_70, %mul3A_414 : vector<16xf32>
        %mul3A_416 = arith.mulf %div3A_374, %mul3A_411 : vector<16xf32>
        %mul3A_417 = arith.mulf %div3A_398, %mul3A_411 : vector<16xf32>
        %add3A_418 = arith.constant 2 : i32
        %add3A_419 = arith.addi %add3A_87, %add3A_418 : i32
        %ge3A_420 = arith.constant 0 : i32
        %ge3A_421 = arith.cmpi sge, %add3A_87, %ge3A_420 : i32
        %lt3A_422 = arith.constant 2048 : i32
        %lt3A_423 = arith.cmpi slt, %add3A_419, %lt3A_422 : i32
        %and3A_424 = arith.andi %ge3A_421, %lt3A_423 : i1
        %jit3A_425 = arith.constant 1.000000e+00 : f32
        %jit3A_426 = arith.constant 0.000000e+00 : f32
        %select_n3A_427 = arith.select %and3A_424, %jit3A_425, %jit3A_426 : f32
        %sub3A_428 = arith.subi %add3A_419, %min3A : i32
        %jit3A_429 = arith.constant 0 : i32
        %jit3A_430 = arith.constant 31 : i32
        %max3A_431 = arith.maxsi %jit3A_429, %sub3A_428 : i32
        %min3A_432 = arith.minsi %jit3A_430, %max3A_431 : i32
        %mul3A_433 = arith.constant 3 : i32
        %mul3A_434 = arith.muli %mul3A_433, %min3A_432 : i32
        %get3A_435 = arith.index_cast %mul3A_434 : i32 to index
        %get3A_436 = arith.index_cast %mul3A_40 : i32 to index
        %get3A_437 = tpu.vector_load %arg7[%get3A_435, %get3A_436] {strides = array<i32>} : memref<96x128xf32, #tpu.memory_space<vmem>>, vector<1x16xf32>,
        %get3A_438 = vector.shape_cast %get3A_437 : vector<1x16xf32> to vector<16xf32>
        %sub3A_439 = arith.subf %get3A_438, %get3A_98 : vector<16xf32>
        %mul3A_440 = arith.constant 3 : i32
        %mul3A_441 = arith.muli %mul3A_440, %min3A_432 : i32
        %add3A_442 = arith.constant 1 : i32
        %add3A_443 = arith.addi %mul3A_441, %add3A_442 : i32
        %get3A_444 = arith.index_cast %add3A_443 : i32 to index
        %get3A_445 = arith.index_cast %mul3A_40 : i32 to index
        %get3A_446 = tpu.vector_load %arg7[%get3A_444, %get3A_445] {strides = array<i32>} : memref<96x128xf32, #tpu.memory_space<vmem>>, vector<1x16xf32>,
        %get3A_447 = vector.shape_cast %get3A_446 : vector<1x16xf32> to vector<16xf32>
        %sub3A_448 = arith.subf %get3A_447, %get3A_106 : vector<16xf32>
        %mul3A_449 = arith.constant 3 : i32
        %mul3A_450 = arith.muli %mul3A_449, %min3A_432 : i32
        %add3A_451 = arith.constant 2 : i32
        %add3A_452 = arith.addi %mul3A_450, %add3A_451 : i32
        %get3A_453 = arith.index_cast %add3A_452 : i32 to index
        %get3A_454 = arith.index_cast %mul3A_40 : i32 to index
        %get3A_455 = tpu.vector_load %arg7[%get3A_453, %get3A_454] {strides = array<i32>} : memref<96x128xf32, #tpu.memory_space<vmem>>, vector<1x16xf32>,
        %get3A_456 = vector.shape_cast %get3A_455 : vector<1x16xf32> to vector<16xf32>
        %sub3A_457 = arith.subf %get3A_456, %get3A_114 : vector<16xf32>
        %mul3A_458 = arith.mulf %sub3A_439, %sub3A_439 : vector<16xf32>
        %mul3A_459 = arith.mulf %sub3A_448, %sub3A_448 : vector<16xf32>
        %add3A_460 = arith.addf %mul3A_458, %mul3A_459 : vector<16xf32>
        %mul3A_461 = arith.mulf %sub3A_457, %sub3A_457 : vector<16xf32>
        %add3A_462 = arith.addf %add3A_460, %mul3A_461 : vector<16xf32>
        %max3A_463 = arith.constant 1.000000e-16 : f32
        %max3A_464 = vector.broadcast %max3A_463 : f32 to vector<16xf32>
        %max3A_465 = arith.maximumf %add3A_462, %max3A_464 : vector<16xf32>
        %bitcast_convert_type3A_466 = tpu.bitcast %max3A_465 : vector<16xf32> -> vector<16xi32>
        %shift_right_arithmetic3A_467 = arith.constant 1 : i32
        %shift_right_arithmetic3A_468 = vector.broadcast %shift_right_arithmetic3A_467 : i32 to vector<16xi32>
        %shift_right_arithmetic3A_469 = arith.shrsi %bitcast_convert_type3A_466, %shift_right_arithmetic3A_468 : vector<16xi32>
        %sub3A_470 = arith.constant 1597463007 : i32
        %sub3A_471 = vector.broadcast %sub3A_470 : i32 to vector<16xi32>
        %sub3A_472 = arith.subi %sub3A_471, %shift_right_arithmetic3A_469 : vector<16xi32>
        %bitcast_convert_type3A_473 = tpu.bitcast %sub3A_472 : vector<16xi32> -> vector<16xf32>
        %mul3A_474 = arith.constant 5.000000e-01 : f32
        %mul3A_475 = vector.broadcast %mul3A_474 : f32 to vector<16xf32>
        %mul3A_476 = arith.mulf %mul3A_475, %max3A_465 : vector<16xf32>
        %mul3A_477 = arith.mulf %mul3A_476, %bitcast_convert_type3A_473 : vector<16xf32>
        %mul3A_478 = arith.mulf %mul3A_477, %bitcast_convert_type3A_473 : vector<16xf32>
        %sub3A_479 = arith.constant 1.500000e+00 : f32
        %sub3A_480 = vector.broadcast %sub3A_479 : f32 to vector<16xf32>
        %sub3A_481 = arith.subf %sub3A_480, %mul3A_478 : vector<16xf32>
        %mul3A_482 = arith.mulf %bitcast_convert_type3A_473, %sub3A_481 : vector<16xf32>
        %mul3A_483 = arith.constant 5.000000e-01 : f32
        %mul3A_484 = vector.broadcast %mul3A_483 : f32 to vector<16xf32>
        %mul3A_485 = arith.mulf %mul3A_484, %max3A_465 : vector<16xf32>
        %mul3A_486 = arith.mulf %mul3A_485, %mul3A_482 : vector<16xf32>
        %mul3A_487 = arith.mulf %mul3A_486, %mul3A_482 : vector<16xf32>
        %sub3A_488 = arith.constant 1.500000e+00 : f32
        %sub3A_489 = vector.broadcast %sub3A_488 : f32 to vector<16xf32>
        %sub3A_490 = arith.subf %sub3A_489, %mul3A_487 : vector<16xf32>
        %mul3A_491 = arith.mulf %mul3A_482, %sub3A_490 : vector<16xf32>
        %add3A_492 = arith.constant 2 : i32
        %add3A_493 = arith.addi %scan3A_78, %add3A_492 : i32
        %mul3A_494 = arith.constant 5 : i32
        %mul3A_495 = arith.muli %mul3A_494, %add3A_493 : i32
        %get3A_496 = arith.index_cast %mul3A_495 : i32 to index
        %get3A_497 = arith.index_cast %mul3A_40 : i32 to index
        %get3A_498 = tpu.vector_load %arg9[%get3A_496, %get3A_497] {strides = array<i32>} : memref<110x128xf32, #tpu.memory_space<vmem>>, vector<1x16xf32>,
        %get3A_499 = vector.shape_cast %get3A_498 : vector<1x16xf32> to vector<16xf32>
        %mul3A_500 = arith.constant 5 : i32
        %mul3A_501 = arith.muli %mul3A_500, %add3A_493 : i32
        %add3A_502 = arith.constant 1 : i32
        %add3A_503 = arith.addi %mul3A_501, %add3A_502 : i32
        %get3A_504 = arith.index_cast %add3A_503 : i32 to index
        %get3A_505 = arith.index_cast %mul3A_40 : i32 to index
        %get3A_506 = tpu.vector_load %arg9[%get3A_504, %get3A_505] {strides = array<i32>} : memref<110x128xf32, #tpu.memory_space<vmem>>, vector<1x16xf32>,
        %get3A_507 = vector.shape_cast %get3A_506 : vector<1x16xf32> to vector<16xf32>
        %mul3A_508 = arith.constant 5 : i32
        %mul3A_509 = arith.muli %mul3A_508, %add3A_493 : i32
        %add3A_510 = arith.constant 2 : i32
        %add3A_511 = arith.addi %mul3A_509, %add3A_510 : i32
        %get3A_512 = arith.index_cast %add3A_511 : i32 to index
        %get3A_513 = arith.index_cast %mul3A_40 : i32 to index
        %get3A_514 = tpu.vector_load %arg9[%get3A_512, %get3A_513] {strides = array<i32>} : memref<110x128xf32, #tpu.memory_space<vmem>>, vector<1x16xf32>,
        %get3A_515 = vector.shape_cast %get3A_514 : vector<1x16xf32> to vector<16xf32>
        %mul3A_516 = arith.constant 5 : i32
        %mul3A_517 = arith.muli %mul3A_516, %add3A_493 : i32
        %add3A_518 = arith.constant 3 : i32
        %add3A_519 = arith.addi %mul3A_517, %add3A_518 : i32
        %get3A_520 = arith.index_cast %add3A_519 : i32 to index
        %get3A_521 = arith.index_cast %mul3A_40 : i32 to index
        %get3A_522 = tpu.vector_load %arg9[%get3A_520, %get3A_521] {strides = array<i32>} : memref<110x128xf32, #tpu.memory_space<vmem>>, vector<1x16xf32>,
        %get3A_523 = vector.shape_cast %get3A_522 : vector<1x16xf32> to vector<16xf32>
        %mul3A_524 = arith.constant 5 : i32
        %mul3A_525 = arith.muli %mul3A_524, %add3A_493 : i32
        %add3A_526 = arith.constant 4 : i32
        %add3A_527 = arith.addi %mul3A_525, %add3A_526 : i32
        %get3A_528 = arith.index_cast %add3A_527 : i32 to index
        %get3A_529 = arith.index_cast %mul3A_40 : i32 to index
        %get3A_530 = tpu.vector_load %arg9[%get3A_528, %get3A_529] {strides = array<i32>} : memref<110x128xf32, #tpu.memory_space<vmem>>, vector<1x16xf32>,
        %get3A_531 = vector.shape_cast %get3A_530 : vector<1x16xf32> to vector<16xf32>
        %mul3A_532 = arith.mulf %get3A_120, %sub3A_439 : vector<16xf32>
        %mul3A_533 = arith.mulf %get3A_128, %sub3A_448 : vector<16xf32>
        %add3A_534 = arith.addf %mul3A_532, %mul3A_533 : vector<16xf32>
        %mul3A_535 = arith.mulf %get3A_136, %sub3A_457 : vector<16xf32>
        %add3A_536 = arith.addf %add3A_534, %mul3A_535 : vector<16xf32>
        %mul3A_537 = arith.mulf %get3A_499, %sub3A_439 : vector<16xf32>
        %mul3A_538 = arith.mulf %get3A_507, %sub3A_448 : vector<16xf32>
        %add3A_539 = arith.addf %mul3A_537, %mul3A_538 : vector<16xf32>
        %mul3A_540 = arith.mulf %get3A_515, %sub3A_457 : vector<16xf32>
        %add3A_541 = arith.addf %add3A_539, %mul3A_540 : vector<16xf32>
        %mul3A_542 = arith.mulf %add3A_536, %mul3A_491 : vector<16xf32>
        %mul3A_543 = arith.mulf %add3A_541, %mul3A_491 : vector<16xf32>
        %mul3A_544 = arith.mulf %mul3A_542, %get3A_144 : vector<16xf32>
        %min3A_545 = arith.constant 1.000000e+00 : f32
        %min3A_546 = vector.broadcast %min3A_545 : f32 to vector<16xf32>
        %min3A_547 = arith.minimumf %mul3A_544, %min3A_546 : vector<16xf32>
        %max3A_548 = arith.constant -1.000000e+00 : f32
        %max3A_549 = vector.broadcast %max3A_548 : f32 to vector<16xf32>
        %max3A_550 = arith.maximumf %min3A_547, %max3A_549 : vector<16xf32>
        %mul3A_551 = arith.mulf %mul3A_543, %get3A_523 : vector<16xf32>
        %sub3A_552 = arith.constant 0.000000e+00 : f32
        %sub3A_553 = vector.broadcast %sub3A_552 : f32 to vector<16xf32>
        %sub3A_554 = arith.subf %sub3A_553, %mul3A_551 : vector<16xf32>
        %min3A_555 = arith.constant 1.000000e+00 : f32
        %min3A_556 = vector.broadcast %min3A_555 : f32 to vector<16xf32>
        %min3A_557 = arith.minimumf %sub3A_554, %min3A_556 : vector<16xf32>
        %max3A_558 = arith.constant -1.000000e+00 : f32
        %max3A_559 = vector.broadcast %max3A_558 : f32 to vector<16xf32>
        %max3A_560 = arith.maximumf %min3A_557, %max3A_559 : vector<16xf32>
        %mul3A_561 = arith.mulf %mul3A_542, %mul3A_542 : vector<16xf32>
        %sub3A_562 = arith.subf %get3A_152, %mul3A_561 : vector<16xf32>
        %mul3A_563 = arith.mulf %mul3A_543, %mul3A_543 : vector<16xf32>
        %sub3A_564 = arith.subf %get3A_531, %mul3A_563 : vector<16xf32>
        %mul3A_565 = arith.mulf %get3A_120, %get3A_499 : vector<16xf32>
        %mul3A_566 = arith.mulf %get3A_128, %get3A_507 : vector<16xf32>
        %add3A_567 = arith.addf %mul3A_565, %mul3A_566 : vector<16xf32>
        %mul3A_568 = arith.mulf %get3A_136, %get3A_515 : vector<16xf32>
        %add3A_569 = arith.addf %add3A_567, %mul3A_568 : vector<16xf32>
        %mul3A_570 = arith.mulf %mul3A_542, %mul3A_543 : vector<16xf32>
        %sub3A_571 = arith.subf %add3A_569, %mul3A_570 : vector<16xf32>
        %max3A_572 = arith.constant 1.000000e-16 : f32
        %max3A_573 = vector.broadcast %max3A_572 : f32 to vector<16xf32>
        %max3A_574 = arith.maximumf %sub3A_562, %max3A_573 : vector<16xf32>
        %max3A_575 = arith.constant 1.000000e-16 : f32
        %max3A_576 = vector.broadcast %max3A_575 : f32 to vector<16xf32>
        %max3A_577 = arith.maximumf %sub3A_564, %max3A_576 : vector<16xf32>
        %mul3A_578 = arith.mulf %max3A_574, %max3A_577 : vector<16xf32>
        %bitcast_convert_type3A_579 = tpu.bitcast %mul3A_578 : vector<16xf32> -> vector<16xi32>
        %shift_right_arithmetic3A_580 = arith.constant 1 : i32
        %shift_right_arithmetic3A_581 = vector.broadcast %shift_right_arithmetic3A_580 : i32 to vector<16xi32>
        %shift_right_arithmetic3A_582 = arith.shrsi %bitcast_convert_type3A_579, %shift_right_arithmetic3A_581 : vector<16xi32>
        %sub3A_583 = arith.constant 1597463007 : i32
        %sub3A_584 = vector.broadcast %sub3A_583 : i32 to vector<16xi32>
        %sub3A_585 = arith.subi %sub3A_584, %shift_right_arithmetic3A_582 : vector<16xi32>
        %bitcast_convert_type3A_586 = tpu.bitcast %sub3A_585 : vector<16xi32> -> vector<16xf32>
        %mul3A_587 = arith.constant 5.000000e-01 : f32
        %mul3A_588 = vector.broadcast %mul3A_587 : f32 to vector<16xf32>
        %mul3A_589 = arith.mulf %mul3A_588, %mul3A_578 : vector<16xf32>
        %mul3A_590 = arith.mulf %mul3A_589, %bitcast_convert_type3A_586 : vector<16xf32>
        %mul3A_591 = arith.mulf %mul3A_590, %bitcast_convert_type3A_586 : vector<16xf32>
        %sub3A_592 = arith.constant 1.500000e+00 : f32
        %sub3A_593 = vector.broadcast %sub3A_592 : f32 to vector<16xf32>
        %sub3A_594 = arith.subf %sub3A_593, %mul3A_591 : vector<16xf32>
        %mul3A_595 = arith.mulf %bitcast_convert_type3A_586, %sub3A_594 : vector<16xf32>
        %mul3A_596 = arith.constant 5.000000e-01 : f32
        %mul3A_597 = vector.broadcast %mul3A_596 : f32 to vector<16xf32>
        %mul3A_598 = arith.mulf %mul3A_597, %mul3A_578 : vector<16xf32>
        %mul3A_599 = arith.mulf %mul3A_598, %mul3A_595 : vector<16xf32>
        %mul3A_600 = arith.mulf %mul3A_599, %mul3A_595 : vector<16xf32>
        %sub3A_601 = arith.constant 1.500000e+00 : f32
        %sub3A_602 = vector.broadcast %sub3A_601 : f32 to vector<16xf32>
        %sub3A_603 = arith.subf %sub3A_602, %mul3A_600 : vector<16xf32>
        %mul3A_604 = arith.mulf %mul3A_595, %sub3A_603 : vector<16xf32>
        %mul3A_605 = arith.mulf %sub3A_571, %mul3A_604 : vector<16xf32>
        %min3A_606 = arith.constant 1.000000e+00 : f32
        %min3A_607 = vector.broadcast %min3A_606 : f32 to vector<16xf32>
        %min3A_608 = arith.minimumf %mul3A_605, %min3A_607 : vector<16xf32>
        %max3A_609 = arith.constant -1.000000e+00 : f32
        %max3A_610 = vector.broadcast %max3A_609 : f32 to vector<16xf32>
        %max3A_611 = arith.maximumf %min3A_608, %max3A_610 : vector<16xf32>
        %mul3A_612 = arith.mulf %max3A_611, %get3A_49 : vector<16xf32>
        %add3A_613 = arith.addf %mul3A_612, %get3A_54 : vector<16xf32>
        %mul3A_614 = arith.mulf %max3A_611, %get3A_64 : vector<16xf32>
        %add3A_615 = arith.addf %mul3A_614, %get3A_69 : vector<16xf32>
        %mul3A_616 = arith.mulf %max3A_550, %get3A_44 : vector<16xf32>
        %add3A_617 = arith.addf %add3A_613, %mul3A_616 : vector<16xf32>
        %neg3A_618 = arith.constant 0.000000e+00 : f32
        %neg3A_619 = vector.broadcast %neg3A_618 : f32 to vector<16xf32>
        %neg3A_620 = arith.subf %neg3A_619, %add3A_617 : vector<16xf32>
        %exp3A_621 = math.exp %neg3A_620 : vector<16xf32>
        %add3A_622 = arith.constant 1.000000e+00 : f32
        %add3A_623 = vector.broadcast %add3A_622 : f32 to vector<16xf32>
        %add3A_624 = arith.addf %add3A_623, %exp3A_621 : vector<16xf32>
        %div3A_625 = arith.constant 1.000000e+00 : f32
        %div3A_626 = vector.broadcast %div3A_625 : f32 to vector<16xf32>
        %div3A_627 = arith.divf %div3A_626, %add3A_624 : vector<16xf32>
        %mul3A_628 = arith.mulf %max3A_560, %get3A_44 : vector<16xf32>
        %add3A_629 = arith.addf %add3A_613, %mul3A_628 : vector<16xf32>
        %neg3A_630 = arith.constant 0.000000e+00 : f32
        %neg3A_631 = vector.broadcast %neg3A_630 : f32 to vector<16xf32>
        %neg3A_632 = arith.subf %neg3A_631, %add3A_629 : vector<16xf32>
        %exp3A_633 = math.exp %neg3A_632 : vector<16xf32>
        %add3A_634 = arith.constant 1.000000e+00 : f32
        %add3A_635 = vector.broadcast %add3A_634 : f32 to vector<16xf32>
        %add3A_636 = arith.addf %add3A_635, %exp3A_633 : vector<16xf32>
        %div3A_637 = arith.constant 1.000000e+00 : f32
        %div3A_638 = vector.broadcast %div3A_637 : f32 to vector<16xf32>
        %div3A_639 = arith.divf %div3A_638, %add3A_636 : vector<16xf32>
        %mul3A_640 = arith.mulf %max3A_550, %get3A_59 : vector<16xf32>
        %add3A_641 = arith.addf %add3A_615, %mul3A_640 : vector<16xf32>
        %neg3A_642 = arith.constant 0.000000e+00 : f32
        %neg3A_643 = vector.broadcast %neg3A_642 : f32 to vector<16xf32>
        %neg3A_644 = arith.subf %neg3A_643, %add3A_641 : vector<16xf32>
        %exp3A_645 = math.exp %neg3A_644 : vector<16xf32>
        %add3A_646 = arith.constant 1.000000e+00 : f32
        %add3A_647 = vector.broadcast %add3A_646 : f32 to vector<16xf32>
        %add3A_648 = arith.addf %add3A_647, %exp3A_645 : vector<16xf32>
        %div3A_649 = arith.constant 1.000000e+00 : f32
        %div3A_650 = vector.broadcast %div3A_649 : f32 to vector<16xf32>
        %div3A_651 = arith.divf %div3A_650, %add3A_648 : vector<16xf32>
        %mul3A_652 = arith.mulf %max3A_560, %get3A_59 : vector<16xf32>
        %add3A_653 = arith.addf %add3A_615, %mul3A_652 : vector<16xf32>
        %neg3A_654 = arith.constant 0.000000e+00 : f32
        %neg3A_655 = vector.broadcast %neg3A_654 : f32 to vector<16xf32>
        %neg3A_656 = arith.subf %neg3A_655, %add3A_653 : vector<16xf32>
        %exp3A_657 = math.exp %neg3A_656 : vector<16xf32>
        %add3A_658 = arith.constant 1.000000e+00 : f32
        %add3A_659 = vector.broadcast %add3A_658 : f32 to vector<16xf32>
        %add3A_660 = arith.addf %add3A_659, %exp3A_657 : vector<16xf32>
        %div3A_661 = arith.constant 1.000000e+00 : f32
        %div3A_662 = vector.broadcast %div3A_661 : f32 to vector<16xf32>
        %div3A_663 = arith.divf %div3A_662, %add3A_660 : vector<16xf32>
        %sub3A_664 = arith.subi %add3A_419, %min3A_10 : i32
        %jit3A_665 = arith.constant 0 : i32
        %jit3A_666 = arith.constant 31 : i32
        %max3A_667 = arith.maxsi %jit3A_665, %sub3A_664 : i32
        %min3A_668 = arith.minsi %jit3A_666, %max3A_667 : i32
        %get3A_669 = arith.index_cast %min3A_668 : i32 to index
        %get3A_670 = arith.index_cast %mul3A_40 : i32 to index
        %get3A_671 = tpu.vector_load %arg8[%get3A_669, %get3A_670] {strides = array<i32>} : memref<32x128xf32, #tpu.memory_space<vmem>>, vector<1x16xf32>,
        %get3A_672 = vector.shape_cast %get3A_671 : vector<1x16xf32> to vector<16xf32>
        %mul3A_673 = vector.broadcast %select_n3A_427 : f32 to vector<16xf32>
        %mul3A_674 = arith.mulf %get3A_672, %mul3A_673 : vector<16xf32>
        %mul3A_675 = vector.broadcast %select_n3A_427 : f32 to vector<16xf32>
        %mul3A_676 = arith.mulf %get3A_161, %mul3A_675 : vector<16xf32>
        %mul3A_677 = arith.mulf %div3A_627, %mul3A_674 : vector<16xf32>
        %add3A_678 = arith.addf %add3A_413, %mul3A_677 : vector<16xf32>
        %mul3A_679 = arith.mulf %div3A_651, %mul3A_674 : vector<16xf32>
        %add3A_680 = arith.addf %add3A_415, %mul3A_679 : vector<16xf32>
        %mul3A_681 = arith.mulf %div3A_639, %mul3A_676 : vector<16xf32>
        %mul3A_682 = arith.mulf %div3A_663, %mul3A_676 : vector<16xf32>
        %add3A_683 = arith.constant 3 : i32
        %add3A_684 = arith.addi %add3A_87, %add3A_683 : i32
        %ge3A_685 = arith.constant 0 : i32
        %ge3A_686 = arith.cmpi sge, %add3A_87, %ge3A_685 : i32
        %lt3A_687 = arith.constant 2048 : i32
        %lt3A_688 = arith.cmpi slt, %add3A_684, %lt3A_687 : i32
        %and3A_689 = arith.andi %ge3A_686, %lt3A_688 : i1
        %jit3A_690 = arith.constant 1.000000e+00 : f32
        %jit3A_691 = arith.constant 0.000000e+00 : f32
        %select_n3A_692 = arith.select %and3A_689, %jit3A_690, %jit3A_691 : f32
        %sub3A_693 = arith.subi %add3A_684, %min3A : i32
        %jit3A_694 = arith.constant 0 : i32
        %jit3A_695 = arith.constant 31 : i32
        %max3A_696 = arith.maxsi %jit3A_694, %sub3A_693 : i32
        %min3A_697 = arith.minsi %jit3A_695, %max3A_696 : i32
        %mul3A_698 = arith.constant 3 : i32
        %mul3A_699 = arith.muli %mul3A_698, %min3A_697 : i32
        %get3A_700 = arith.index_cast %mul3A_699 : i32 to index
        %get3A_701 = arith.index_cast %mul3A_40 : i32 to index
        %get3A_702 = tpu.vector_load %arg7[%get3A_700, %get3A_701] {strides = array<i32>} : memref<96x128xf32, #tpu.memory_space<vmem>>, vector<1x16xf32>,
        %get3A_703 = vector.shape_cast %get3A_702 : vector<1x16xf32> to vector<16xf32>
        %sub3A_704 = arith.subf %get3A_703, %get3A_98 : vector<16xf32>
        %mul3A_705 = arith.constant 3 : i32
        %mul3A_706 = arith.muli %mul3A_705, %min3A_697 : i32
        %add3A_707 = arith.constant 1 : i32
        %add3A_708 = arith.addi %mul3A_706, %add3A_707 : i32
        %get3A_709 = arith.index_cast %add3A_708 : i32 to index
        %get3A_710 = arith.index_cast %mul3A_40 : i32 to index
        %get3A_711 = tpu.vector_load %arg7[%get3A_709, %get3A_710] {strides = array<i32>} : memref<96x128xf32, #tpu.memory_space<vmem>>, vector<1x16xf32>,
        %get3A_712 = vector.shape_cast %get3A_711 : vector<1x16xf32> to vector<16xf32>
        %sub3A_713 = arith.subf %get3A_712, %get3A_106 : vector<16xf32>
        %mul3A_714 = arith.constant 3 : i32
        %mul3A_715 = arith.muli %mul3A_714, %min3A_697 : i32
        %add3A_716 = arith.constant 2 : i32
        %add3A_717 = arith.addi %mul3A_715, %add3A_716 : i32
        %get3A_718 = arith.index_cast %add3A_717 : i32 to index
        %get3A_719 = arith.index_cast %mul3A_40 : i32 to index
        %get3A_720 = tpu.vector_load %arg7[%get3A_718, %get3A_719] {strides = array<i32>} : memref<96x128xf32, #tpu.memory_space<vmem>>, vector<1x16xf32>,
        %get3A_721 = vector.shape_cast %get3A_720 : vector<1x16xf32> to vector<16xf32>
        %sub3A_722 = arith.subf %get3A_721, %get3A_114 : vector<16xf32>
        %mul3A_723 = arith.mulf %sub3A_704, %sub3A_704 : vector<16xf32>
        %mul3A_724 = arith.mulf %sub3A_713, %sub3A_713 : vector<16xf32>
        %add3A_725 = arith.addf %mul3A_723, %mul3A_724 : vector<16xf32>
        %mul3A_726 = arith.mulf %sub3A_722, %sub3A_722 : vector<16xf32>
        %add3A_727 = arith.addf %add3A_725, %mul3A_726 : vector<16xf32>
        %max3A_728 = arith.constant 1.000000e-16 : f32
        %max3A_729 = vector.broadcast %max3A_728 : f32 to vector<16xf32>
        %max3A_730 = arith.maximumf %add3A_727, %max3A_729 : vector<16xf32>
        %bitcast_convert_type3A_731 = tpu.bitcast %max3A_730 : vector<16xf32> -> vector<16xi32>
        %shift_right_arithmetic3A_732 = arith.constant 1 : i32
        %shift_right_arithmetic3A_733 = vector.broadcast %shift_right_arithmetic3A_732 : i32 to vector<16xi32>
        %shift_right_arithmetic3A_734 = arith.shrsi %bitcast_convert_type3A_731, %shift_right_arithmetic3A_733 : vector<16xi32>
        %sub3A_735 = arith.constant 1597463007 : i32
        %sub3A_736 = vector.broadcast %sub3A_735 : i32 to vector<16xi32>
        %sub3A_737 = arith.subi %sub3A_736, %shift_right_arithmetic3A_734 : vector<16xi32>
        %bitcast_convert_type3A_738 = tpu.bitcast %sub3A_737 : vector<16xi32> -> vector<16xf32>
        %mul3A_739 = arith.constant 5.000000e-01 : f32
        %mul3A_740 = vector.broadcast %mul3A_739 : f32 to vector<16xf32>
        %mul3A_741 = arith.mulf %mul3A_740, %max3A_730 : vector<16xf32>
        %mul3A_742 = arith.mulf %mul3A_741, %bitcast_convert_type3A_738 : vector<16xf32>
        %mul3A_743 = arith.mulf %mul3A_742, %bitcast_convert_type3A_738 : vector<16xf32>
        %sub3A_744 = arith.constant 1.500000e+00 : f32
        %sub3A_745 = vector.broadcast %sub3A_744 : f32 to vector<16xf32>
        %sub3A_746 = arith.subf %sub3A_745, %mul3A_743 : vector<16xf32>
        %mul3A_747 = arith.mulf %bitcast_convert_type3A_738, %sub3A_746 : vector<16xf32>
        %mul3A_748 = arith.constant 5.000000e-01 : f32
        %mul3A_749 = vector.broadcast %mul3A_748 : f32 to vector<16xf32>
        %mul3A_750 = arith.mulf %mul3A_749, %max3A_730 : vector<16xf32>
        %mul3A_751 = arith.mulf %mul3A_750, %mul3A_747 : vector<16xf32>
        %mul3A_752 = arith.mulf %mul3A_751, %mul3A_747 : vector<16xf32>
        %sub3A_753 = arith.constant 1.500000e+00 : f32
        %sub3A_754 = vector.broadcast %sub3A_753 : f32 to vector<16xf32>
        %sub3A_755 = arith.subf %sub3A_754, %mul3A_752 : vector<16xf32>
        %mul3A_756 = arith.mulf %mul3A_747, %sub3A_755 : vector<16xf32>
        %add3A_757 = arith.constant 3 : i32
        %add3A_758 = arith.addi %scan3A_78, %add3A_757 : i32
        %mul3A_759 = arith.constant 5 : i32
        %mul3A_760 = arith.muli %mul3A_759, %add3A_758 : i32
        %get3A_761 = arith.index_cast %mul3A_760 : i32 to index
        %get3A_762 = arith.index_cast %mul3A_40 : i32 to index
        %get3A_763 = tpu.vector_load %arg9[%get3A_761, %get3A_762] {strides = array<i32>} : memref<110x128xf32, #tpu.memory_space<vmem>>, vector<1x16xf32>,
        %get3A_764 = vector.shape_cast %get3A_763 : vector<1x16xf32> to vector<16xf32>
        %mul3A_765 = arith.constant 5 : i32
        %mul3A_766 = arith.muli %mul3A_765, %add3A_758 : i32
        %add3A_767 = arith.constant 1 : i32
        %add3A_768 = arith.addi %mul3A_766, %add3A_767 : i32
        %get3A_769 = arith.index_cast %add3A_768 : i32 to index
        %get3A_770 = arith.index_cast %mul3A_40 : i32 to index
        %get3A_771 = tpu.vector_load %arg9[%get3A_769, %get3A_770] {strides = array<i32>} : memref<110x128xf32, #tpu.memory_space<vmem>>, vector<1x16xf32>,
        %get3A_772 = vector.shape_cast %get3A_771 : vector<1x16xf32> to vector<16xf32>
        %mul3A_773 = arith.constant 5 : i32
        %mul3A_774 = arith.muli %mul3A_773, %add3A_758 : i32
        %add3A_775 = arith.constant 2 : i32
        %add3A_776 = arith.addi %mul3A_774, %add3A_775 : i32
        %get3A_777 = arith.index_cast %add3A_776 : i32 to index
        %get3A_778 = arith.index_cast %mul3A_40 : i32 to index
        %get3A_779 = tpu.vector_load %arg9[%get3A_777, %get3A_778] {strides = array<i32>} : memref<110x128xf32, #tpu.memory_space<vmem>>, vector<1x16xf32>,
        %get3A_780 = vector.shape_cast %get3A_779 : vector<1x16xf32> to vector<16xf32>
        %mul3A_781 = arith.constant 5 : i32
        %mul3A_782 = arith.muli %mul3A_781, %add3A_758 : i32
        %add3A_783 = arith.constant 3 : i32
        %add3A_784 = arith.addi %mul3A_782, %add3A_783 : i32
        %get3A_785 = arith.index_cast %add3A_784 : i32 to index
        %get3A_786 = arith.index_cast %mul3A_40 : i32 to index
        %get3A_787 = tpu.vector_load %arg9[%get3A_785, %get3A_786] {strides = array<i32>} : memref<110x128xf32, #tpu.memory_space<vmem>>, vector<1x16xf32>,
        %get3A_788 = vector.shape_cast %get3A_787 : vector<1x16xf32> to vector<16xf32>
        %mul3A_789 = arith.constant 5 : i32
        %mul3A_790 = arith.muli %mul3A_789, %add3A_758 : i32
        %add3A_791 = arith.constant 4 : i32
        %add3A_792 = arith.addi %mul3A_790, %add3A_791 : i32
        %get3A_793 = arith.index_cast %add3A_792 : i32 to index
        %get3A_794 = arith.index_cast %mul3A_40 : i32 to index
        %get3A_795 = tpu.vector_load %arg9[%get3A_793, %get3A_794] {strides = array<i32>} : memref<110x128xf32, #tpu.memory_space<vmem>>, vector<1x16xf32>,
        %get3A_796 = vector.shape_cast %get3A_795 : vector<1x16xf32> to vector<16xf32>
        %mul3A_797 = arith.mulf %get3A_120, %sub3A_704 : vector<16xf32>
        %mul3A_798 = arith.mulf %get3A_128, %sub3A_713 : vector<16xf32>
        %add3A_799 = arith.addf %mul3A_797, %mul3A_798 : vector<16xf32>
        %mul3A_800 = arith.mulf %get3A_136, %sub3A_722 : vector<16xf32>
        %add3A_801 = arith.addf %add3A_799, %mul3A_800 : vector<16xf32>
        %mul3A_802 = arith.mulf %get3A_764, %sub3A_704 : vector<16xf32>
        %mul3A_803 = arith.mulf %get3A_772, %sub3A_713 : vector<16xf32>
        %add3A_804 = arith.addf %mul3A_802, %mul3A_803 : vector<16xf32>
        %mul3A_805 = arith.mulf %get3A_780, %sub3A_722 : vector<16xf32>
        %add3A_806 = arith.addf %add3A_804, %mul3A_805 : vector<16xf32>
        %mul3A_807 = arith.mulf %add3A_801, %mul3A_756 : vector<16xf32>
        %mul3A_808 = arith.mulf %add3A_806, %mul3A_756 : vector<16xf32>
        %mul3A_809 = arith.mulf %mul3A_807, %get3A_144 : vector<16xf32>
        %min3A_810 = arith.constant 1.000000e+00 : f32
        %min3A_811 = vector.broadcast %min3A_810 : f32 to vector<16xf32>
        %min3A_812 = arith.minimumf %mul3A_809, %min3A_811 : vector<16xf32>
        %max3A_813 = arith.constant -1.000000e+00 : f32
        %max3A_814 = vector.broadcast %max3A_813 : f32 to vector<16xf32>
        %max3A_815 = arith.maximumf %min3A_812, %max3A_814 : vector<16xf32>
        %mul3A_816 = arith.mulf %mul3A_808, %get3A_788 : vector<16xf32>
        %sub3A_817 = arith.constant 0.000000e+00 : f32
        %sub3A_818 = vector.broadcast %sub3A_817 : f32 to vector<16xf32>
        %sub3A_819 = arith.subf %sub3A_818, %mul3A_816 : vector<16xf32>
        %min3A_820 = arith.constant 1.000000e+00 : f32
        %min3A_821 = vector.broadcast %min3A_820 : f32 to vector<16xf32>
        %min3A_822 = arith.minimumf %sub3A_819, %min3A_821 : vector<16xf32>
        %max3A_823 = arith.constant -1.000000e+00 : f32
        %max3A_824 = vector.broadcast %max3A_823 : f32 to vector<16xf32>
        %max3A_825 = arith.maximumf %min3A_822, %max3A_824 : vector<16xf32>
        %mul3A_826 = arith.mulf %mul3A_807, %mul3A_807 : vector<16xf32>
        %sub3A_827 = arith.subf %get3A_152, %mul3A_826 : vector<16xf32>
        %mul3A_828 = arith.mulf %mul3A_808, %mul3A_808 : vector<16xf32>
        %sub3A_829 = arith.subf %get3A_796, %mul3A_828 : vector<16xf32>
        %mul3A_830 = arith.mulf %get3A_120, %get3A_764 : vector<16xf32>
        %mul3A_831 = arith.mulf %get3A_128, %get3A_772 : vector<16xf32>
        %add3A_832 = arith.addf %mul3A_830, %mul3A_831 : vector<16xf32>
        %mul3A_833 = arith.mulf %get3A_136, %get3A_780 : vector<16xf32>
        %add3A_834 = arith.addf %add3A_832, %mul3A_833 : vector<16xf32>
        %mul3A_835 = arith.mulf %mul3A_807, %mul3A_808 : vector<16xf32>
        %sub3A_836 = arith.subf %add3A_834, %mul3A_835 : vector<16xf32>
        %max3A_837 = arith.constant 1.000000e-16 : f32
        %max3A_838 = vector.broadcast %max3A_837 : f32 to vector<16xf32>
        %max3A_839 = arith.maximumf %sub3A_827, %max3A_838 : vector<16xf32>
        %max3A_840 = arith.constant 1.000000e-16 : f32
        %max3A_841 = vector.broadcast %max3A_840 : f32 to vector<16xf32>
        %max3A_842 = arith.maximumf %sub3A_829, %max3A_841 : vector<16xf32>
        %mul3A_843 = arith.mulf %max3A_839, %max3A_842 : vector<16xf32>
        %bitcast_convert_type3A_844 = tpu.bitcast %mul3A_843 : vector<16xf32> -> vector<16xi32>
        %shift_right_arithmetic3A_845 = arith.constant 1 : i32
        %shift_right_arithmetic3A_846 = vector.broadcast %shift_right_arithmetic3A_845 : i32 to vector<16xi32>
        %shift_right_arithmetic3A_847 = arith.shrsi %bitcast_convert_type3A_844, %shift_right_arithmetic3A_846 : vector<16xi32>
        %sub3A_848 = arith.constant 1597463007 : i32
        %sub3A_849 = vector.broadcast %sub3A_848 : i32 to vector<16xi32>
        %sub3A_850 = arith.subi %sub3A_849, %shift_right_arithmetic3A_847 : vector<16xi32>
        %bitcast_convert_type3A_851 = tpu.bitcast %sub3A_850 : vector<16xi32> -> vector<16xf32>
        %mul3A_852 = arith.constant 5.000000e-01 : f32
        %mul3A_853 = vector.broadcast %mul3A_852 : f32 to vector<16xf32>
        %mul3A_854 = arith.mulf %mul3A_853, %mul3A_843 : vector<16xf32>
        %mul3A_855 = arith.mulf %mul3A_854, %bitcast_convert_type3A_851 : vector<16xf32>
        %mul3A_856 = arith.mulf %mul3A_855, %bitcast_convert_type3A_851 : vector<16xf32>
        %sub3A_857 = arith.constant 1.500000e+00 : f32
        %sub3A_858 = vector.broadcast %sub3A_857 : f32 to vector<16xf32>
        %sub3A_859 = arith.subf %sub3A_858, %mul3A_856 : vector<16xf32>
        %mul3A_860 = arith.mulf %bitcast_convert_type3A_851, %sub3A_859 : vector<16xf32>
        %mul3A_861 = arith.constant 5.000000e-01 : f32
        %mul3A_862 = vector.broadcast %mul3A_861 : f32 to vector<16xf32>
        %mul3A_863 = arith.mulf %mul3A_862, %mul3A_843 : vector<16xf32>
        %mul3A_864 = arith.mulf %mul3A_863, %mul3A_860 : vector<16xf32>
        %mul3A_865 = arith.mulf %mul3A_864, %mul3A_860 : vector<16xf32>
        %sub3A_866 = arith.constant 1.500000e+00 : f32
        %sub3A_867 = vector.broadcast %sub3A_866 : f32 to vector<16xf32>
        %sub3A_868 = arith.subf %sub3A_867, %mul3A_865 : vector<16xf32>
        %mul3A_869 = arith.mulf %mul3A_860, %sub3A_868 : vector<16xf32>
        %mul3A_870 = arith.mulf %sub3A_836, %mul3A_869 : vector<16xf32>
        %min3A_871 = arith.constant 1.000000e+00 : f32
        %min3A_872 = vector.broadcast %min3A_871 : f32 to vector<16xf32>
        %min3A_873 = arith.minimumf %mul3A_870, %min3A_872 : vector<16xf32>
        %max3A_874 = arith.constant -1.000000e+00 : f32
        %max3A_875 = vector.broadcast %max3A_874 : f32 to vector<16xf32>
        %max3A_876 = arith.maximumf %min3A_873, %max3A_875 : vector<16xf32>
        %mul3A_877 = arith.mulf %max3A_876, %get3A_49 : vector<16xf32>
        %add3A_878 = arith.addf %mul3A_877, %get3A_54 : vector<16xf32>
        %mul3A_879 = arith.mulf %max3A_876, %get3A_64 : vector<16xf32>
        %add3A_880 = arith.addf %mul3A_879, %get3A_69 : vector<16xf32>
        %mul3A_881 = arith.mulf %max3A_815, %get3A_44 : vector<16xf32>
        %add3A_882 = arith.addf %add3A_878, %mul3A_881 : vector<16xf32>
        %neg3A_883 = arith.constant 0.000000e+00 : f32
        %neg3A_884 = vector.broadcast %neg3A_883 : f32 to vector<16xf32>
        %neg3A_885 = arith.subf %neg3A_884, %add3A_882 : vector<16xf32>
        %exp3A_886 = math.exp %neg3A_885 : vector<16xf32>
        %add3A_887 = arith.constant 1.000000e+00 : f32
        %add3A_888 = vector.broadcast %add3A_887 : f32 to vector<16xf32>
        %add3A_889 = arith.addf %add3A_888, %exp3A_886 : vector<16xf32>
        %div3A_890 = arith.constant 1.000000e+00 : f32
        %div3A_891 = vector.broadcast %div3A_890 : f32 to vector<16xf32>
        %div3A_892 = arith.divf %div3A_891, %add3A_889 : vector<16xf32>
        %mul3A_893 = arith.mulf %max3A_825, %get3A_44 : vector<16xf32>
        %add3A_894 = arith.addf %add3A_878, %mul3A_893 : vector<16xf32>
        %neg3A_895 = arith.constant 0.000000e+00 : f32
        %neg3A_896 = vector.broadcast %neg3A_895 : f32 to vector<16xf32>
        %neg3A_897 = arith.subf %neg3A_896, %add3A_894 : vector<16xf32>
        %exp3A_898 = math.exp %neg3A_897 : vector<16xf32>
        %add3A_899 = arith.constant 1.000000e+00 : f32
        %add3A_900 = vector.broadcast %add3A_899 : f32 to vector<16xf32>
        %add3A_901 = arith.addf %add3A_900, %exp3A_898 : vector<16xf32>
        %div3A_902 = arith.constant 1.000000e+00 : f32
        %div3A_903 = vector.broadcast %div3A_902 : f32 to vector<16xf32>
        %div3A_904 = arith.divf %div3A_903, %add3A_901 : vector<16xf32>
        %mul3A_905 = arith.mulf %max3A_815, %get3A_59 : vector<16xf32>
        %add3A_906 = arith.addf %add3A_880, %mul3A_905 : vector<16xf32>
        %neg3A_907 = arith.constant 0.000000e+00 : f32
        %neg3A_908 = vector.broadcast %neg3A_907 : f32 to vector<16xf32>
        %neg3A_909 = arith.subf %neg3A_908, %add3A_906 : vector<16xf32>
        %exp3A_910 = math.exp %neg3A_909 : vector<16xf32>
        %add3A_911 = arith.constant 1.000000e+00 : f32
        %add3A_912 = vector.broadcast %add3A_911 : f32 to vector<16xf32>
        %add3A_913 = arith.addf %add3A_912, %exp3A_910 : vector<16xf32>
        %div3A_914 = arith.constant 1.000000e+00 : f32
        %div3A_915 = vector.broadcast %div3A_914 : f32 to vector<16xf32>
        %div3A_916 = arith.divf %div3A_915, %add3A_913 : vector<16xf32>
        %mul3A_917 = arith.mulf %max3A_825, %get3A_59 : vector<16xf32>
        %add3A_918 = arith.addf %add3A_880, %mul3A_917 : vector<16xf32>
        %neg3A_919 = arith.constant 0.000000e+00 : f32
        %neg3A_920 = vector.broadcast %neg3A_919 : f32 to vector<16xf32>
        %neg3A_921 = arith.subf %neg3A_920, %add3A_918 : vector<16xf32>
        %exp3A_922 = math.exp %neg3A_921 : vector<16xf32>
        %add3A_923 = arith.constant 1.000000e+00 : f32
        %add3A_924 = vector.broadcast %add3A_923 : f32 to vector<16xf32>
        %add3A_925 = arith.addf %add3A_924, %exp3A_922 : vector<16xf32>
        %div3A_926 = arith.constant 1.000000e+00 : f32
        %div3A_927 = vector.broadcast %div3A_926 : f32 to vector<16xf32>
        %div3A_928 = arith.divf %div3A_927, %add3A_925 : vector<16xf32>
        %sub3A_929 = arith.subi %add3A_684, %min3A_10 : i32
        %jit3A_930 = arith.constant 0 : i32
        %jit3A_931 = arith.constant 31 : i32
        %max3A_932 = arith.maxsi %jit3A_930, %sub3A_929 : i32
        %min3A_933 = arith.minsi %jit3A_931, %max3A_932 : i32
        %get3A_934 = arith.index_cast %min3A_933 : i32 to index
        %get3A_935 = arith.index_cast %mul3A_40 : i32 to index
        %get3A_936 = tpu.vector_load %arg8[%get3A_934, %get3A_935] {strides = array<i32>} : memref<32x128xf32, #tpu.memory_space<vmem>>, vector<1x16xf32>,
        %get3A_937 = vector.shape_cast %get3A_936 : vector<1x16xf32> to vector<16xf32>
        %mul3A_938 = vector.broadcast %select_n3A_692 : f32 to vector<16xf32>
        %mul3A_939 = arith.mulf %get3A_937, %mul3A_938 : vector<16xf32>
        %mul3A_940 = vector.broadcast %select_n3A_692 : f32 to vector<16xf32>
        %mul3A_941 = arith.mulf %get3A_161, %mul3A_940 : vector<16xf32>
        %mul3A_942 = arith.mulf %div3A_892, %mul3A_939 : vector<16xf32>
        %add3A_943 = arith.addf %add3A_678, %mul3A_942 : vector<16xf32>
        %mul3A_944 = arith.mulf %div3A_916, %mul3A_939 : vector<16xf32>
        %add3A_945 = arith.addf %add3A_680, %mul3A_944 : vector<16xf32>
        %mul3A_946 = arith.mulf %div3A_904, %mul3A_941 : vector<16xf32>
        %mul3A_947 = arith.mulf %div3A_928, %mul3A_941 : vector<16xf32>
        %add3A_948 = arith.addf %add3A_943, %scan3A_79 : vector<16xf32>
        %swap3A = arith.index_cast %scan3A_78 : i32 to index
        %swap3A_949 = arith.index_cast %mul3A_40 : i32 to index
        %swap3A_950 = tpu.vector_load %arg10[%swap3A, %swap3A_949] {strides = array<i32>} : memref<19x128xf32, #tpu.memory_space<vmem>>, vector<1x16xf32>,
        %swap3A_951 = vector.shape_cast %swap3A_950 : vector<1x16xf32> to vector<16xf32>
        %swap3A_952 = vector.shape_cast %add3A_948 : vector<16xf32> to vector<1x16xf32>
        tpu.vector_store %arg10[%swap3A, %swap3A_949], %swap3A_952 {strides = array<i32>} : memref<19x128xf32, #tpu.memory_space<vmem>>, vector<1x16xf32>,
        %add3A_953 = arith.addf %add3A_945, %scan3A_80 : vector<16xf32>
        %swap3A_954 = arith.index_cast %scan3A_78 : i32 to index
        %swap3A_955 = arith.index_cast %mul3A_40 : i32 to index
        %swap3A_956 = tpu.vector_load %arg11[%swap3A_954, %swap3A_955] {strides = array<i32>} : memref<19x128xf32, #tpu.memory_space<vmem>>, vector<1x16xf32>,
        %swap3A_957 = vector.shape_cast %swap3A_956 : vector<1x16xf32> to vector<16xf32>
        %swap3A_958 = vector.shape_cast %add3A_953 : vector<16xf32> to vector<1x16xf32>
        tpu.vector_store %arg11[%swap3A_954, %swap3A_955], %swap3A_958 {strides = array<i32>} : memref<19x128xf32, #tpu.memory_space<vmem>>, vector<1x16xf32>,
        %add3A_959 = arith.addf %scan3A_81, %mul3A_416 : vector<16xf32>
        %add3A_960 = arith.addf %scan3A_82, %mul3A_417 : vector<16xf32>
        %add3A_961 = arith.addf %scan3A_83, %mul3A_681 : vector<16xf32>
        %add3A_962 = arith.addf %scan3A_84, %mul3A_682 : vector<16xf32>
        scf.yield %add3A_959, %add3A_960, %add3A_961, %add3A_962, %mul3A_946, %mul3A_947 : vector<16xf32>, vector<16xf32>, vector<16xf32>, vector<16xf32>, vector<16xf32>, vector<16xf32>
      }
      %scan3A_76 = arith.constant 19 : i32
      %scan3A_77 = arith.constant 0 : i32
      scf.yield %scan3A_77 : i32
    }
    %scan3A_30 = arith.constant 8 : i32
    %add3A_31 = arith.constant 0 : i32
    %add3A_32 = arith.addi %add3A_31, %mul3A_2 : i32
    %multiple_of3A_33 = tpu.assume_multiple %add3A_32, 8 : i32
    "tpu.region"() ({
      %run_scoped3A = tpu.sem_alloc : memref<!tpu.dma_semaphore, #tpu.memory_space<semaphore_mem>>
      %dma_start3A = arith.constant 3 : i32
      %dma_start3A_37 = arith.constant 0 : i32
      %dma_start3A_38 = tpu.memref_slice %arg10[%dma_start3A, %dma_start3A_37] : memref<19x128xf32, #tpu.memory_space<vmem>> -> memref<16x128xf32, #tpu.memory_space<vmem>>
      %dma_start3A_39 = arith.constant 0 : i32
      %dma_start3A_40 = tpu.memref_slice %arg5[%multiple_of3A_33, %dma_start3A_39] : memref<512x128xf32, #tpu.memory_space<hbm>> -> memref<16x128xf32, #tpu.memory_space<hbm>>
      %dma_start3A_41 = arith.constant 0 : i32
      %dma_start3A_42 = tpu.memref_slice %arg5[%multiple_of3A_33, %dma_start3A_41] : memref<512x128xf32, #tpu.memory_space<hbm>> -> memref<16x128xf32, #tpu.memory_space<hbm>>
      %dma_start3A_43 = arith.constant 3 : i32
      %dma_start3A_44 = arith.constant 0 : i32
      %dma_start3A_45 = tpu.memref_slice %arg10[%dma_start3A_43, %dma_start3A_44] : memref<19x128xf32, #tpu.memory_space<vmem>> -> memref<16x128xf32, #tpu.memory_space<vmem>>
      tpu.enqueue_dma source(%dma_start3A_45 : memref<16x128xf32, #tpu.memory_space<vmem>>) target(%dma_start3A_42 : memref<16x128xf32, #tpu.memory_space<hbm>>) target_semaphore(%run_scoped3A : memref<!tpu.dma_semaphore, #tpu.memory_space<semaphore_mem>>)
      %dma_wait3A = arith.constant 3 : i32
      %dma_wait3A_46 = arith.constant 0 : i32
      %dma_wait3A_47 = tpu.memref_slice %arg10[%dma_wait3A, %dma_wait3A_46] : memref<19x128xf32, #tpu.memory_space<vmem>> -> memref<16x128xf32, #tpu.memory_space<vmem>>
      %dma_wait3A_48 = arith.constant 0 : i32
      %dma_wait3A_49 = tpu.memref_slice %arg5[%multiple_of3A_33, %dma_wait3A_48] : memref<512x128xf32, #tpu.memory_space<hbm>> -> memref<16x128xf32, #tpu.memory_space<hbm>>
      %dma_wait3A_50 = arith.constant 0 : i32
      %dma_wait3A_51 = tpu.memref_slice %arg5[%multiple_of3A_33, %dma_wait3A_50] : memref<512x128xf32, #tpu.memory_space<hbm>> -> memref<16x128xf32, #tpu.memory_space<hbm>>
      %dma_wait3A_52 = arith.constant 3 : i32
      %dma_wait3A_53 = arith.constant 0 : i32
      %dma_wait3A_54 = tpu.memref_slice %arg10[%dma_wait3A_52, %dma_wait3A_53] : memref<19x128xf32, #tpu.memory_space<vmem>> -> memref<16x128xf32, #tpu.memory_space<vmem>>
      tpu.wait_dma2 semaphore(%run_scoped3A : memref<!tpu.dma_semaphore, #tpu.memory_space<semaphore_mem>>) src(%dma_wait3A_54 : memref<16x128xf32, #tpu.memory_space<vmem>>) dst(%dma_wait3A_51 : memref<16x128xf32, #tpu.memory_space<hbm>>)
      tpu.yield
    }) : () -> ()
    %add3A_34 = arith.constant 0 : i32
    %add3A_35 = arith.addi %add3A_34, %mul3A_2 : i32
    %multiple_of3A_36 = tpu.assume_multiple %add3A_35, 8 : i32
    "tpu.region"() ({
      %run_scoped3A = tpu.sem_alloc : memref<!tpu.dma_semaphore, #tpu.memory_space<semaphore_mem>>
      %dma_start3A = arith.constant 3 : i32
      %dma_start3A_37 = arith.constant 0 : i32
      %dma_start3A_38 = tpu.memref_slice %arg11[%dma_start3A, %dma_start3A_37] : memref<19x128xf32, #tpu.memory_space<vmem>> -> memref<16x128xf32, #tpu.memory_space<vmem>>
      %dma_start3A_39 = arith.constant 0 : i32
      %dma_start3A_40 = tpu.memref_slice %arg6[%multiple_of3A_36, %dma_start3A_39] : memref<512x128xf32, #tpu.memory_space<hbm>> -> memref<16x128xf32, #tpu.memory_space<hbm>>
      %dma_start3A_41 = arith.constant 0 : i32
      %dma_start3A_42 = tpu.memref_slice %arg6[%multiple_of3A_36, %dma_start3A_41] : memref<512x128xf32, #tpu.memory_space<hbm>> -> memref<16x128xf32, #tpu.memory_space<hbm>>
      %dma_start3A_43 = arith.constant 3 : i32
      %dma_start3A_44 = arith.constant 0 : i32
      %dma_start3A_45 = tpu.memref_slice %arg11[%dma_start3A_43, %dma_start3A_44] : memref<19x128xf32, #tpu.memory_space<vmem>> -> memref<16x128xf32, #tpu.memory_space<vmem>>
      tpu.enqueue_dma source(%dma_start3A_45 : memref<16x128xf32, #tpu.memory_space<vmem>>) target(%dma_start3A_42 : memref<16x128xf32, #tpu.memory_space<hbm>>) target_semaphore(%run_scoped3A : memref<!tpu.dma_semaphore, #tpu.memory_space<semaphore_mem>>)
      %dma_wait3A = arith.constant 3 : i32
      %dma_wait3A_46 = arith.constant 0 : i32
      %dma_wait3A_47 = tpu.memref_slice %arg11[%dma_wait3A, %dma_wait3A_46] : memref<19x128xf32, #tpu.memory_space<vmem>> -> memref<16x128xf32, #tpu.memory_space<vmem>>
      %dma_wait3A_48 = arith.constant 0 : i32
      %dma_wait3A_49 = tpu.memref_slice %arg6[%multiple_of3A_36, %dma_wait3A_48] : memref<512x128xf32, #tpu.memory_space<hbm>> -> memref<16x128xf32, #tpu.memory_space<hbm>>
      %dma_wait3A_50 = arith.constant 0 : i32
      %dma_wait3A_51 = tpu.memref_slice %arg6[%multiple_of3A_36, %dma_wait3A_50] : memref<512x128xf32, #tpu.memory_space<hbm>> -> memref<16x128xf32, #tpu.memory_space<hbm>>
      %dma_wait3A_52 = arith.constant 3 : i32
      %dma_wait3A_53 = arith.constant 0 : i32
      %dma_wait3A_54 = tpu.memref_slice %arg11[%dma_wait3A_52, %dma_wait3A_53] : memref<19x128xf32, #tpu.memory_space<vmem>> -> memref<16x128xf32, #tpu.memory_space<vmem>>
      tpu.wait_dma2 semaphore(%run_scoped3A : memref<!tpu.dma_semaphore, #tpu.memory_space<semaphore_mem>>) src(%dma_wait3A_54 : memref<16x128xf32, #tpu.memory_space<vmem>>) dst(%dma_wait3A_51 : memref<16x128xf32, #tpu.memory_space<hbm>>)
      tpu.yield
    }) : () -> ()
    return
  }
}

module attributes {stable_mosaic.version = 14 : i64} {
  func.func @_tc_body(%arg0: memref<4104x128xf32, #tpu.memory_space<vmem>>, %arg1: memref<4104x128xf32, #tpu.memory_space<vmem>>, %arg2: memref<4104x128xf32, #tpu.memory_space<vmem>>, %arg3: memref<4104x128xf32, #tpu.memory_space<vmem>>, %arg4: memref<8x128xf32, #tpu.memory_space<vmem>>, %arg5: memref<3584x128xf32, #tpu.memory_space<vmem>>, %arg6: memref<3584x128xf32, #tpu.memory_space<vmem>>) attributes {dimension_semantics = [], scalar_prefetch = 0 : i64, scratch_operands = 0 : i64, tpu.core_type = #tpu.core_type<tc>} {
    %iota3A = tpu.iota {dimensions = array<i32: 0>} : vector<3595x1xi32>
    %add3A = arith.constant 504 : i32
    %add3A_0 = vector.broadcast %add3A : i32 to vector<3595x1xi32>
    %add3A_1 = arith.addi %add3A_0, %iota3A : vector<3595x1xi32>
    %jit3A = arith.constant 2048 : i32
    %eq3A = arith.constant 0 : i32
    %eq3A_2 = arith.cmpi eq, %jit3A, %eq3A : i32
    %jit3A_3 = arith.constant 1 : i32
    %select_n3A = arith.select %eq3A_2, %jit3A_3, %jit3A : i32
    %rem3A = vector.broadcast %select_n3A : i32 to vector<3595x1xi32>
    %rem3A_4 = arith.remsi %add3A_1, %rem3A : vector<3595x1xi32>
    %ne3A = arith.constant 0 : i32
    %ne3A_5 = vector.broadcast %ne3A : i32 to vector<3595x1xi32>
    %ne3A_6 = arith.cmpi ne, %rem3A_4, %ne3A_5 : vector<3595x1xi32>
    %lt3A = arith.constant 0 : i32
    %lt3A_7 = vector.broadcast %lt3A : i32 to vector<3595x1xi32>
    %lt3A_8 = arith.cmpi slt, %rem3A_4, %lt3A_7 : vector<3595x1xi32>
    %lt3A_9 = arith.constant 0 : i32
    %lt3A_10 = arith.cmpi slt, %select_n3A, %lt3A_9 : i32
    %ne3A_11 = vector.broadcast %lt3A_10 : i1 to vector<3595x1xi1>
    %ne3A_12 = vector.broadcast %ne3A_11 : vector<3595x1xi1> to vector<3595x1xi1>
    %ne3A_13 = arith.xori %lt3A_8, %ne3A_12 : vector<3595x1xi1>
    %and3A = arith.andi %ne3A_13, %ne3A_6 : vector<3595x1xi1>
    %add3A_14 = vector.broadcast %select_n3A : i32 to vector<3595x1xi32>
    %add3A_15 = arith.addi %rem3A_4, %add3A_14 : vector<3595x1xi32>
    %select_n3A_16 = arith.select %and3A, %add3A_15, %rem3A_4 : vector<3595x1xi1>, vector<3595x1xi32>
    %iota3A_17 = tpu.iota {dimensions = array<i32: 0>} : vector<3598x1xi32>
    %add3A_18 = arith.constant 501 : i32
    %add3A_19 = vector.broadcast %add3A_18 : i32 to vector<3598x1xi32>
    %add3A_20 = arith.addi %add3A_19, %iota3A_17 : vector<3598x1xi32>
    %jit3A_21 = arith.constant 2048 : i32
    %eq3A_22 = arith.constant 0 : i32
    %eq3A_23 = arith.cmpi eq, %jit3A_21, %eq3A_22 : i32
    %jit3A_24 = arith.constant 1 : i32
    %select_n3A_25 = arith.select %eq3A_23, %jit3A_24, %jit3A_21 : i32
    %rem3A_26 = vector.broadcast %select_n3A_25 : i32 to vector<3598x1xi32>
    %rem3A_27 = arith.remsi %add3A_20, %rem3A_26 : vector<3598x1xi32>
    %ne3A_28 = arith.constant 0 : i32
    %ne3A_29 = vector.broadcast %ne3A_28 : i32 to vector<3598x1xi32>
    %ne3A_30 = arith.cmpi ne, %rem3A_27, %ne3A_29 : vector<3598x1xi32>
    %lt3A_31 = arith.constant 0 : i32
    %lt3A_32 = vector.broadcast %lt3A_31 : i32 to vector<3598x1xi32>
    %lt3A_33 = arith.cmpi slt, %rem3A_27, %lt3A_32 : vector<3598x1xi32>
    %lt3A_34 = arith.constant 0 : i32
    %lt3A_35 = arith.cmpi slt, %select_n3A_25, %lt3A_34 : i32
    %ne3A_36 = vector.broadcast %lt3A_35 : i1 to vector<3598x1xi1>
    %ne3A_37 = vector.broadcast %ne3A_36 : vector<3598x1xi1> to vector<3598x1xi1>
    %ne3A_38 = arith.xori %lt3A_33, %ne3A_37 : vector<3598x1xi1>
    %and3A_39 = arith.andi %ne3A_38, %ne3A_30 : vector<3598x1xi1>
    %add3A_40 = vector.broadcast %select_n3A_25 : i32 to vector<3598x1xi32>
    %add3A_41 = arith.addi %rem3A_27, %add3A_40 : vector<3598x1xi32>
    %select_n3A_42 = arith.select %and3A_39, %add3A_41, %rem3A_27 : vector<3598x1xi1>, vector<3598x1xi32>
    %get3A = arith.constant 501 : index
    %get3A_43 = arith.constant 0 : index
    %get3A_44 = vector.load %arg0[%get3A, %get3A_43] : memref<4104x128xf32, #tpu.memory_space<vmem>>, vector<3598x128xf32>
    %get3A_45 = arith.constant 501 : index
    %get3A_46 = arith.constant 0 : index
    %get3A_47 = vector.load %arg1[%get3A_45, %get3A_46] : memref<4104x128xf32, #tpu.memory_space<vmem>>, vector<3598x128xf32>
    %get3A_48 = arith.constant 501 : index
    %get3A_49 = arith.constant 0 : index
    %get3A_50 = vector.load %arg2[%get3A_48, %get3A_49] : memref<4104x128xf32, #tpu.memory_space<vmem>>, vector<3598x128xf32>
    %add3A_51 = arith.constant 1 : i32
    %add3A_52 = vector.broadcast %add3A_51 : i32 to vector<3598x1xi32>
    %add3A_53 = arith.addi %select_n3A_42, %add3A_52 : vector<3598x1xi32>
    %lt3A_54 = arith.constant 2048 : i32
    %lt3A_55 = vector.broadcast %lt3A_54 : i32 to vector<3598x1xi32>
    %lt3A_56 = arith.cmpi slt, %add3A_53, %lt3A_55 : vector<3598x1xi32>
    %convert_element_type3A = arith.extui %lt3A_56 : vector<3598x1xi1> to vector<3598x1xi32>
    %convert_element_type3A_57 = arith.sitofp %convert_element_type3A : vector<3598x1xi32> to vector<3598x1xf32>
    %get3A_58 = arith.constant 502 : index
    %get3A_59 = arith.constant 0 : index
    %get3A_60 = vector.load %arg0[%get3A_58, %get3A_59] : memref<4104x128xf32, #tpu.memory_space<vmem>>, vector<3598x128xf32>
    %sub3A = arith.subf %get3A_60, %get3A_44 : vector<3598x128xf32>
    %get3A_61 = arith.constant 502 : index
    %get3A_62 = arith.constant 0 : index
    %get3A_63 = vector.load %arg1[%get3A_61, %get3A_62] : memref<4104x128xf32, #tpu.memory_space<vmem>>, vector<3598x128xf32>
    %sub3A_64 = arith.subf %get3A_63, %get3A_47 : vector<3598x128xf32>
    %get3A_65 = arith.constant 502 : index
    %get3A_66 = arith.constant 0 : index
    %get3A_67 = vector.load %arg2[%get3A_65, %get3A_66] : memref<4104x128xf32, #tpu.memory_space<vmem>>, vector<3598x128xf32>
    %sub3A_68 = arith.subf %get3A_67, %get3A_50 : vector<3598x128xf32>
    %mul3A = arith.mulf %sub3A, %sub3A : vector<3598x128xf32>
    %mul3A_69 = arith.mulf %sub3A_64, %sub3A_64 : vector<3598x128xf32>
    %add3A_70 = arith.addf %mul3A, %mul3A_69 : vector<3598x128xf32>
    %mul3A_71 = arith.mulf %sub3A_68, %sub3A_68 : vector<3598x128xf32>
    %add3A_72 = arith.addf %add3A_70, %mul3A_71 : vector<3598x128xf32>
    %max3A = arith.constant 1.000000e-16 : f32
    %max3A_73 = vector.broadcast %max3A : f32 to vector<3598x128xf32>
    %max3A_74 = arith.maximumf %add3A_72, %max3A_73 : vector<3598x128xf32>
    %rsqrt3A = math.rsqrt %max3A_74 : vector<3598x128xf32>
    %mul3A_75 = vector.broadcast %convert_element_type3A_57 : vector<3598x1xf32> to vector<3598x128xf32>
    %mul3A_76 = arith.mulf %rsqrt3A, %mul3A_75 : vector<3598x128xf32>
    %mul3A_77 = arith.mulf %sub3A, %mul3A_76 : vector<3598x128xf32>
    %mul3A_78 = arith.mulf %sub3A_64, %mul3A_76 : vector<3598x128xf32>
    %mul3A_79 = arith.mulf %sub3A_68, %mul3A_76 : vector<3598x128xf32>
    %add3A_80 = arith.constant 2 : i32
    %add3A_81 = vector.broadcast %add3A_80 : i32 to vector<3598x1xi32>
    %add3A_82 = arith.addi %select_n3A_42, %add3A_81 : vector<3598x1xi32>
    %lt3A_83 = arith.constant 2048 : i32
    %lt3A_84 = vector.broadcast %lt3A_83 : i32 to vector<3598x1xi32>
    %lt3A_85 = arith.cmpi slt, %add3A_82, %lt3A_84 : vector<3598x1xi32>
    %convert_element_type3A_86 = arith.extui %lt3A_85 : vector<3598x1xi1> to vector<3598x1xi32>
    %convert_element_type3A_87 = arith.sitofp %convert_element_type3A_86 : vector<3598x1xi32> to vector<3598x1xf32>
    %get3A_88 = arith.constant 503 : index
    %get3A_89 = arith.constant 0 : index
    %get3A_90 = vector.load %arg0[%get3A_88, %get3A_89] : memref<4104x128xf32, #tpu.memory_space<vmem>>, vector<3598x128xf32>
    %sub3A_91 = arith.subf %get3A_90, %get3A_44 : vector<3598x128xf32>
    %get3A_92 = arith.constant 503 : index
    %get3A_93 = arith.constant 0 : index
    %get3A_94 = vector.load %arg1[%get3A_92, %get3A_93] : memref<4104x128xf32, #tpu.memory_space<vmem>>, vector<3598x128xf32>
    %sub3A_95 = arith.subf %get3A_94, %get3A_47 : vector<3598x128xf32>
    %get3A_96 = arith.constant 503 : index
    %get3A_97 = arith.constant 0 : index
    %get3A_98 = vector.load %arg2[%get3A_96, %get3A_97] : memref<4104x128xf32, #tpu.memory_space<vmem>>, vector<3598x128xf32>
    %sub3A_99 = arith.subf %get3A_98, %get3A_50 : vector<3598x128xf32>
    %mul3A_100 = arith.mulf %sub3A_91, %sub3A_91 : vector<3598x128xf32>
    %mul3A_101 = arith.mulf %sub3A_95, %sub3A_95 : vector<3598x128xf32>
    %add3A_102 = arith.addf %mul3A_100, %mul3A_101 : vector<3598x128xf32>
    %mul3A_103 = arith.mulf %sub3A_99, %sub3A_99 : vector<3598x128xf32>
    %add3A_104 = arith.addf %add3A_102, %mul3A_103 : vector<3598x128xf32>
    %max3A_105 = arith.constant 1.000000e-16 : f32
    %max3A_106 = vector.broadcast %max3A_105 : f32 to vector<3598x128xf32>
    %max3A_107 = arith.maximumf %add3A_104, %max3A_106 : vector<3598x128xf32>
    %rsqrt3A_108 = math.rsqrt %max3A_107 : vector<3598x128xf32>
    %mul3A_109 = vector.broadcast %convert_element_type3A_87 : vector<3598x1xf32> to vector<3598x128xf32>
    %mul3A_110 = arith.mulf %rsqrt3A_108, %mul3A_109 : vector<3598x128xf32>
    %mul3A_111 = arith.mulf %sub3A_91, %mul3A_110 : vector<3598x128xf32>
    %mul3A_112 = arith.mulf %sub3A_95, %mul3A_110 : vector<3598x128xf32>
    %mul3A_113 = arith.mulf %sub3A_99, %mul3A_110 : vector<3598x128xf32>
    %add3A_114 = arith.constant 3 : i32
    %add3A_115 = vector.broadcast %add3A_114 : i32 to vector<3598x1xi32>
    %add3A_116 = arith.addi %select_n3A_42, %add3A_115 : vector<3598x1xi32>
    %lt3A_117 = arith.constant 2048 : i32
    %lt3A_118 = vector.broadcast %lt3A_117 : i32 to vector<3598x1xi32>
    %lt3A_119 = arith.cmpi slt, %add3A_116, %lt3A_118 : vector<3598x1xi32>
    %convert_element_type3A_120 = arith.extui %lt3A_119 : vector<3598x1xi1> to vector<3598x1xi32>
    %convert_element_type3A_121 = arith.sitofp %convert_element_type3A_120 : vector<3598x1xi32> to vector<3598x1xf32>
    %get3A_122 = arith.constant 504 : index
    %get3A_123 = arith.constant 0 : index
    %get3A_124 = vector.load %arg0[%get3A_122, %get3A_123] : memref<4104x128xf32, #tpu.memory_space<vmem>>, vector<3598x128xf32>
    %sub3A_125 = arith.subf %get3A_124, %get3A_44 : vector<3598x128xf32>
    %get3A_126 = arith.constant 504 : index
    %get3A_127 = arith.constant 0 : index
    %get3A_128 = vector.load %arg1[%get3A_126, %get3A_127] : memref<4104x128xf32, #tpu.memory_space<vmem>>, vector<3598x128xf32>
    %sub3A_129 = arith.subf %get3A_128, %get3A_47 : vector<3598x128xf32>
    %get3A_130 = arith.constant 504 : index
    %get3A_131 = arith.constant 0 : index
    %get3A_132 = vector.load %arg2[%get3A_130, %get3A_131] : memref<4104x128xf32, #tpu.memory_space<vmem>>, vector<3598x128xf32>
    %sub3A_133 = arith.subf %get3A_132, %get3A_50 : vector<3598x128xf32>
    %mul3A_134 = arith.mulf %sub3A_125, %sub3A_125 : vector<3598x128xf32>
    %mul3A_135 = arith.mulf %sub3A_129, %sub3A_129 : vector<3598x128xf32>
    %add3A_136 = arith.addf %mul3A_134, %mul3A_135 : vector<3598x128xf32>
    %mul3A_137 = arith.mulf %sub3A_133, %sub3A_133 : vector<3598x128xf32>
    %add3A_138 = arith.addf %add3A_136, %mul3A_137 : vector<3598x128xf32>
    %max3A_139 = arith.constant 1.000000e-16 : f32
    %max3A_140 = vector.broadcast %max3A_139 : f32 to vector<3598x128xf32>
    %max3A_141 = arith.maximumf %add3A_138, %max3A_140 : vector<3598x128xf32>
    %rsqrt3A_142 = math.rsqrt %max3A_141 : vector<3598x128xf32>
    %mul3A_143 = vector.broadcast %convert_element_type3A_121 : vector<3598x1xf32> to vector<3598x128xf32>
    %mul3A_144 = arith.mulf %rsqrt3A_142, %mul3A_143 : vector<3598x128xf32>
    %mul3A_145 = arith.mulf %sub3A_125, %mul3A_144 : vector<3598x128xf32>
    %mul3A_146 = arith.mulf %sub3A_129, %mul3A_144 : vector<3598x128xf32>
    %mul3A_147 = arith.mulf %sub3A_133, %mul3A_144 : vector<3598x128xf32>
    %broadcast_in_dim3A = arith.constant 0.000000e+00 : f32
    %broadcast_in_dim3A_148 = vector.broadcast %broadcast_in_dim3A : f32 to vector<3595x128xf32>
    %broadcast_in_dim3A_149 = arith.constant 0.000000e+00 : f32
    %broadcast_in_dim3A_150 = vector.broadcast %broadcast_in_dim3A_149 : f32 to vector<3595x128xf32>
    %broadcast_in_dim3A_151 = arith.constant 0.000000e+00 : f32
    %broadcast_in_dim3A_152 = vector.broadcast %broadcast_in_dim3A_151 : f32 to vector<3595x128xf32>
    %slice3A = vector.extract_strided_slice %mul3A_77 {offsets = [3, 0], sizes = [3595, 128], strides = [1, 1]} : vector<3598x128xf32> to vector<3595x128xf32>
    %add3A_153 = arith.addf %broadcast_in_dim3A_148, %slice3A : vector<3595x128xf32>
    %slice3A_154 = vector.extract_strided_slice %mul3A_77 {offsets = [2, 0], sizes = [3595, 128], strides = [1, 1]} : vector<3598x128xf32> to vector<3595x128xf32>
    %sub3A_155 = arith.subf %add3A_153, %slice3A_154 : vector<3595x128xf32>
    %slice3A_156 = vector.extract_strided_slice %mul3A_78 {offsets = [3, 0], sizes = [3595, 128], strides = [1, 1]} : vector<3598x128xf32> to vector<3595x128xf32>
    %add3A_157 = arith.addf %broadcast_in_dim3A_150, %slice3A_156 : vector<3595x128xf32>
    %slice3A_158 = vector.extract_strided_slice %mul3A_78 {offsets = [2, 0], sizes = [3595, 128], strides = [1, 1]} : vector<3598x128xf32> to vector<3595x128xf32>
    %sub3A_159 = arith.subf %add3A_157, %slice3A_158 : vector<3595x128xf32>
    %slice3A_160 = vector.extract_strided_slice %mul3A_79 {offsets = [3, 0], sizes = [3595, 128], strides = [1, 1]} : vector<3598x128xf32> to vector<3595x128xf32>
    %add3A_161 = arith.addf %broadcast_in_dim3A_152, %slice3A_160 : vector<3595x128xf32>
    %slice3A_162 = vector.extract_strided_slice %mul3A_79 {offsets = [2, 0], sizes = [3595, 128], strides = [1, 1]} : vector<3598x128xf32> to vector<3595x128xf32>
    %sub3A_163 = arith.subf %add3A_161, %slice3A_162 : vector<3595x128xf32>
    %slice3A_164 = vector.extract_strided_slice %mul3A_111 {offsets = [3, 0], sizes = [3595, 128], strides = [1, 1]} : vector<3598x128xf32> to vector<3595x128xf32>
    %add3A_165 = arith.addf %sub3A_155, %slice3A_164 : vector<3595x128xf32>
    %slice3A_166 = vector.extract_strided_slice %mul3A_111 {offsets = [1, 0], sizes = [3595, 128], strides = [1, 1]} : vector<3598x128xf32> to vector<3595x128xf32>
    %sub3A_167 = arith.subf %add3A_165, %slice3A_166 : vector<3595x128xf32>
    %slice3A_168 = vector.extract_strided_slice %mul3A_112 {offsets = [3, 0], sizes = [3595, 128], strides = [1, 1]} : vector<3598x128xf32> to vector<3595x128xf32>
    %add3A_169 = arith.addf %sub3A_159, %slice3A_168 : vector<3595x128xf32>
    %slice3A_170 = vector.extract_strided_slice %mul3A_112 {offsets = [1, 0], sizes = [3595, 128], strides = [1, 1]} : vector<3598x128xf32> to vector<3595x128xf32>
    %sub3A_171 = arith.subf %add3A_169, %slice3A_170 : vector<3595x128xf32>
    %slice3A_172 = vector.extract_strided_slice %mul3A_113 {offsets = [3, 0], sizes = [3595, 128], strides = [1, 1]} : vector<3598x128xf32> to vector<3595x128xf32>
    %add3A_173 = arith.addf %sub3A_163, %slice3A_172 : vector<3595x128xf32>
    %slice3A_174 = vector.extract_strided_slice %mul3A_113 {offsets = [1, 0], sizes = [3595, 128], strides = [1, 1]} : vector<3598x128xf32> to vector<3595x128xf32>
    %sub3A_175 = arith.subf %add3A_173, %slice3A_174 : vector<3595x128xf32>
    %slice3A_176 = vector.extract_strided_slice %mul3A_145 {offsets = [3, 0], sizes = [3595, 128], strides = [1, 1]} : vector<3598x128xf32> to vector<3595x128xf32>
    %add3A_177 = arith.addf %sub3A_167, %slice3A_176 : vector<3595x128xf32>
    %slice3A_178 = vector.extract_strided_slice %mul3A_145 {offsets = [0, 0], sizes = [3595, 128], strides = [1, 1]} : vector<3598x128xf32> to vector<3595x128xf32>
    %sub3A_179 = arith.subf %add3A_177, %slice3A_178 : vector<3595x128xf32>
    %slice3A_180 = vector.extract_strided_slice %mul3A_146 {offsets = [3, 0], sizes = [3595, 128], strides = [1, 1]} : vector<3598x128xf32> to vector<3595x128xf32>
    %add3A_181 = arith.addf %sub3A_171, %slice3A_180 : vector<3595x128xf32>
    %slice3A_182 = vector.extract_strided_slice %mul3A_146 {offsets = [0, 0], sizes = [3595, 128], strides = [1, 1]} : vector<3598x128xf32> to vector<3595x128xf32>
    %sub3A_183 = arith.subf %add3A_181, %slice3A_182 : vector<3595x128xf32>
    %slice3A_184 = vector.extract_strided_slice %mul3A_147 {offsets = [3, 0], sizes = [3595, 128], strides = [1, 1]} : vector<3598x128xf32> to vector<3595x128xf32>
    %add3A_185 = arith.addf %sub3A_175, %slice3A_184 : vector<3595x128xf32>
    %slice3A_186 = vector.extract_strided_slice %mul3A_147 {offsets = [0, 0], sizes = [3595, 128], strides = [1, 1]} : vector<3598x128xf32> to vector<3595x128xf32>
    %sub3A_187 = arith.subf %add3A_185, %slice3A_186 : vector<3595x128xf32>
    %mul3A_188 = arith.mulf %sub3A_179, %sub3A_179 : vector<3595x128xf32>
    %mul3A_189 = arith.mulf %sub3A_183, %sub3A_183 : vector<3595x128xf32>
    %add3A_190 = arith.addf %mul3A_188, %mul3A_189 : vector<3595x128xf32>
    %mul3A_191 = arith.mulf %sub3A_187, %sub3A_187 : vector<3595x128xf32>
    %add3A_192 = arith.addf %add3A_190, %mul3A_191 : vector<3595x128xf32>
    %max3A_193 = arith.constant 1.000000e-16 : f32
    %max3A_194 = vector.broadcast %max3A_193 : f32 to vector<3595x128xf32>
    %max3A_195 = arith.maximumf %add3A_192, %max3A_194 : vector<3595x128xf32>
    %rsqrt3A_196 = math.rsqrt %max3A_195 : vector<3595x128xf32>
    %get3A_197 = arith.constant 0 : index
    %get3A_198 = arith.constant 0 : index
    %get3A_199 = vector.load %arg4[%get3A_197, %get3A_198] : memref<8x128xf32, #tpu.memory_space<vmem>>, vector<1x128xf32>
    %get3A_200 = arith.constant 1 : index
    %get3A_201 = arith.constant 0 : index
    %get3A_202 = vector.load %arg4[%get3A_200, %get3A_201] : memref<8x128xf32, #tpu.memory_space<vmem>>, vector<1x128xf32>
    %get3A_203 = arith.constant 2 : index
    %get3A_204 = arith.constant 0 : index
    %get3A_205 = vector.load %arg4[%get3A_203, %get3A_204] : memref<8x128xf32, #tpu.memory_space<vmem>>, vector<1x128xf32>
    %get3A_206 = arith.constant 3 : index
    %get3A_207 = arith.constant 0 : index
    %get3A_208 = vector.load %arg4[%get3A_206, %get3A_207] : memref<8x128xf32, #tpu.memory_space<vmem>>, vector<1x128xf32>
    %get3A_209 = arith.constant 4 : index
    %get3A_210 = arith.constant 0 : index
    %get3A_211 = vector.load %arg4[%get3A_209, %get3A_210] : memref<8x128xf32, #tpu.memory_space<vmem>>, vector<1x128xf32>
    %get3A_212 = arith.constant 5 : index
    %get3A_213 = arith.constant 0 : index
    %get3A_214 = vector.load %arg4[%get3A_212, %get3A_213] : memref<8x128xf32, #tpu.memory_space<vmem>>, vector<1x128xf32>
    %broadcast_in_dim3A_215 = arith.constant 0.000000e+00 : f32
    %broadcast_in_dim3A_216 = vector.broadcast %broadcast_in_dim3A_215 : f32 to vector<3584x128xf32>
    %broadcast_in_dim3A_217 = arith.constant 0.000000e+00 : f32
    %broadcast_in_dim3A_218 = vector.broadcast %broadcast_in_dim3A_217 : f32 to vector<3584x128xf32>
    %slice3A_219 = vector.extract_strided_slice %select_n3A_16 {offsets = [0, 0], sizes = [3592, 1], strides = [1, 1]} : vector<3595x1xi32> to vector<3592x1xi32>
    %add3A_220 = arith.constant 1 : i32
    %add3A_221 = vector.broadcast %add3A_220 : i32 to vector<3592x1xi32>
    %add3A_222 = arith.addi %slice3A_219, %add3A_221 : vector<3592x1xi32>
    %lt3A_223 = arith.constant 2048 : i32
    %lt3A_224 = vector.broadcast %lt3A_223 : i32 to vector<3592x1xi32>
    %lt3A_225 = arith.cmpi slt, %add3A_222, %lt3A_224 : vector<3592x1xi32>
    %convert_element_type3A_226 = arith.extui %lt3A_225 : vector<3592x1xi1> to vector<3592x1xi32>
    %convert_element_type3A_227 = arith.sitofp %convert_element_type3A_226 : vector<3592x1xi32> to vector<3592x1xf32>
    %slice3A_228 = vector.extract_strided_slice %mul3A_77 {offsets = [3, 0], sizes = [3592, 128], strides = [1, 1]} : vector<3598x128xf32> to vector<3592x128xf32>
    %slice3A_229 = vector.extract_strided_slice %mul3A_78 {offsets = [3, 0], sizes = [3592, 128], strides = [1, 1]} : vector<3598x128xf32> to vector<3592x128xf32>
    %slice3A_230 = vector.extract_strided_slice %mul3A_79 {offsets = [3, 0], sizes = [3592, 128], strides = [1, 1]} : vector<3598x128xf32> to vector<3592x128xf32>
    %slice3A_231 = vector.extract_strided_slice %sub3A_179 {offsets = [0, 0], sizes = [3592, 128], strides = [1, 1]} : vector<3595x128xf32> to vector<3592x128xf32>
    %slice3A_232 = vector.extract_strided_slice %sub3A_183 {offsets = [0, 0], sizes = [3592, 128], strides = [1, 1]} : vector<3595x128xf32> to vector<3592x128xf32>
    %slice3A_233 = vector.extract_strided_slice %sub3A_187 {offsets = [0, 0], sizes = [3592, 128], strides = [1, 1]} : vector<3595x128xf32> to vector<3592x128xf32>
    %slice3A_234 = vector.extract_strided_slice %sub3A_179 {offsets = [1, 0], sizes = [3592, 128], strides = [1, 1]} : vector<3595x128xf32> to vector<3592x128xf32>
    %slice3A_235 = vector.extract_strided_slice %sub3A_183 {offsets = [1, 0], sizes = [3592, 128], strides = [1, 1]} : vector<3595x128xf32> to vector<3592x128xf32>
    %slice3A_236 = vector.extract_strided_slice %sub3A_187 {offsets = [1, 0], sizes = [3592, 128], strides = [1, 1]} : vector<3595x128xf32> to vector<3592x128xf32>
    %mul3A_237 = arith.mulf %slice3A_231, %slice3A_228 : vector<3592x128xf32>
    %mul3A_238 = arith.mulf %slice3A_232, %slice3A_229 : vector<3592x128xf32>
    %add3A_239 = arith.addf %mul3A_237, %mul3A_238 : vector<3592x128xf32>
    %mul3A_240 = arith.mulf %slice3A_233, %slice3A_230 : vector<3592x128xf32>
    %add3A_241 = arith.addf %add3A_239, %mul3A_240 : vector<3592x128xf32>
    %mul3A_242 = arith.mulf %slice3A_234, %slice3A_228 : vector<3592x128xf32>
    %mul3A_243 = arith.mulf %slice3A_235, %slice3A_229 : vector<3592x128xf32>
    %add3A_244 = arith.addf %mul3A_242, %mul3A_243 : vector<3592x128xf32>
    %mul3A_245 = arith.mulf %slice3A_236, %slice3A_230 : vector<3592x128xf32>
    %add3A_246 = arith.addf %add3A_244, %mul3A_245 : vector<3592x128xf32>
    %slice3A_247 = vector.extract_strided_slice %rsqrt3A_196 {offsets = [0, 0], sizes = [3592, 128], strides = [1, 1]} : vector<3595x128xf32> to vector<3592x128xf32>
    %mul3A_248 = arith.mulf %add3A_241, %slice3A_247 : vector<3592x128xf32>
    %min3A = arith.constant 1.000000e+00 : f32
    %min3A_249 = vector.broadcast %min3A : f32 to vector<3592x128xf32>
    %min3A_250 = arith.minimumf %mul3A_248, %min3A_249 : vector<3592x128xf32>
    %max3A_251 = arith.constant -1.000000e+00 : f32
    %max3A_252 = vector.broadcast %max3A_251 : f32 to vector<3592x128xf32>
    %max3A_253 = arith.maximumf %min3A_250, %max3A_252 : vector<3592x128xf32>
    %slice3A_254 = vector.extract_strided_slice %rsqrt3A_196 {offsets = [1, 0], sizes = [3592, 128], strides = [1, 1]} : vector<3595x128xf32> to vector<3592x128xf32>
    %mul3A_255 = arith.mulf %add3A_246, %slice3A_254 : vector<3592x128xf32>
    %sub3A_256 = arith.constant 0.000000e+00 : f32
    %sub3A_257 = vector.broadcast %sub3A_256 : f32 to vector<3592x128xf32>
    %sub3A_258 = arith.subf %sub3A_257, %mul3A_255 : vector<3592x128xf32>
    %min3A_259 = arith.constant 1.000000e+00 : f32
    %min3A_260 = vector.broadcast %min3A_259 : f32 to vector<3592x128xf32>
    %min3A_261 = arith.minimumf %sub3A_258, %min3A_260 : vector<3592x128xf32>
    %max3A_262 = arith.constant -1.000000e+00 : f32
    %max3A_263 = vector.broadcast %max3A_262 : f32 to vector<3592x128xf32>
    %max3A_264 = arith.maximumf %min3A_261, %max3A_263 : vector<3592x128xf32>
    %slice3A_265 = vector.extract_strided_slice %add3A_192 {offsets = [0, 0], sizes = [3592, 128], strides = [1, 1]} : vector<3595x128xf32> to vector<3592x128xf32>
    %mul3A_266 = arith.mulf %add3A_241, %add3A_241 : vector<3592x128xf32>
    %sub3A_267 = arith.subf %slice3A_265, %mul3A_266 : vector<3592x128xf32>
    %slice3A_268 = vector.extract_strided_slice %add3A_192 {offsets = [1, 0], sizes = [3592, 128], strides = [1, 1]} : vector<3595x128xf32> to vector<3592x128xf32>
    %mul3A_269 = arith.mulf %add3A_246, %add3A_246 : vector<3592x128xf32>
    %sub3A_270 = arith.subf %slice3A_268, %mul3A_269 : vector<3592x128xf32>
    %mul3A_271 = arith.mulf %slice3A_231, %slice3A_234 : vector<3592x128xf32>
    %mul3A_272 = arith.mulf %slice3A_232, %slice3A_235 : vector<3592x128xf32>
    %add3A_273 = arith.addf %mul3A_271, %mul3A_272 : vector<3592x128xf32>
    %mul3A_274 = arith.mulf %slice3A_233, %slice3A_236 : vector<3592x128xf32>
    %add3A_275 = arith.addf %add3A_273, %mul3A_274 : vector<3592x128xf32>
    %mul3A_276 = arith.mulf %add3A_241, %add3A_246 : vector<3592x128xf32>
    %sub3A_277 = arith.subf %add3A_275, %mul3A_276 : vector<3592x128xf32>
    %max3A_278 = arith.constant 1.000000e-16 : f32
    %max3A_279 = vector.broadcast %max3A_278 : f32 to vector<3592x128xf32>
    %max3A_280 = arith.maximumf %sub3A_267, %max3A_279 : vector<3592x128xf32>
    %max3A_281 = arith.constant 1.000000e-16 : f32
    %max3A_282 = vector.broadcast %max3A_281 : f32 to vector<3592x128xf32>
    %max3A_283 = arith.maximumf %sub3A_270, %max3A_282 : vector<3592x128xf32>
    %mul3A_284 = arith.mulf %max3A_280, %max3A_283 : vector<3592x128xf32>
    %rsqrt3A_285 = math.rsqrt %mul3A_284 : vector<3592x128xf32>
    %mul3A_286 = arith.mulf %sub3A_277, %rsqrt3A_285 : vector<3592x128xf32>
    %min3A_287 = arith.constant 1.000000e+00 : f32
    %min3A_288 = vector.broadcast %min3A_287 : f32 to vector<3592x128xf32>
    %min3A_289 = arith.minimumf %mul3A_286, %min3A_288 : vector<3592x128xf32>
    %max3A_290 = arith.constant -1.000000e+00 : f32
    %max3A_291 = vector.broadcast %max3A_290 : f32 to vector<3592x128xf32>
    %max3A_292 = arith.maximumf %min3A_289, %max3A_291 : vector<3592x128xf32>
    %mul3A_293 = vector.broadcast %get3A_202 : vector<1x128xf32> to vector<3592x128xf32>
    %mul3A_294 = arith.mulf %max3A_292, %mul3A_293 : vector<3592x128xf32>
    %add3A_295 = vector.broadcast %get3A_205 : vector<1x128xf32> to vector<3592x128xf32>
    %add3A_296 = arith.addf %mul3A_294, %add3A_295 : vector<3592x128xf32>
    %mul3A_297 = vector.broadcast %get3A_211 : vector<1x128xf32> to vector<3592x128xf32>
    %mul3A_298 = arith.mulf %max3A_292, %mul3A_297 : vector<3592x128xf32>
    %add3A_299 = vector.broadcast %get3A_214 : vector<1x128xf32> to vector<3592x128xf32>
    %add3A_300 = arith.addf %mul3A_298, %add3A_299 : vector<3592x128xf32>
    %get3A_301 = arith.constant 504 : index
    %get3A_302 = arith.constant 0 : index
    %get3A_303 = vector.load %arg3[%get3A_301, %get3A_302] : memref<4104x128xf32, #tpu.memory_space<vmem>>, vector<3592x128xf32>
    %mul3A_304 = vector.broadcast %convert_element_type3A_227 : vector<3592x1xf32> to vector<3592x128xf32>
    %mul3A_305 = arith.mulf %get3A_303, %mul3A_304 : vector<3592x128xf32>
    %get3A_306 = arith.constant 505 : index
    %get3A_307 = arith.constant 0 : index
    %get3A_308 = vector.load %arg3[%get3A_306, %get3A_307] : memref<4104x128xf32, #tpu.memory_space<vmem>>, vector<3592x128xf32>
    %mul3A_309 = vector.broadcast %convert_element_type3A_227 : vector<3592x1xf32> to vector<3592x128xf32>
    %mul3A_310 = arith.mulf %get3A_308, %mul3A_309 : vector<3592x128xf32>
    %mul3A_311 = vector.broadcast %get3A_199 : vector<1x128xf32> to vector<3592x128xf32>
    %mul3A_312 = arith.mulf %max3A_253, %mul3A_311 : vector<3592x128xf32>
    %add3A_313 = arith.addf %add3A_296, %mul3A_312 : vector<3592x128xf32>
    %neg3A = arith.constant 0.000000e+00 : f32
    %neg3A_314 = vector.broadcast %neg3A : f32 to vector<3592x128xf32>
    %neg3A_315 = arith.subf %neg3A_314, %add3A_313 : vector<3592x128xf32>
    %exp3A = math.exp %neg3A_315 : vector<3592x128xf32>
    %add3A_316 = arith.constant 1.000000e+00 : f32
    %add3A_317 = vector.broadcast %add3A_316 : f32 to vector<3592x128xf32>
    %add3A_318 = arith.addf %add3A_317, %exp3A : vector<3592x128xf32>
    %div3A = arith.constant 1.000000e+00 : f32
    %div3A_319 = vector.broadcast %div3A : f32 to vector<3592x128xf32>
    %div3A_320 = arith.divf %div3A_319, %add3A_318 : vector<3592x128xf32>
    %mul3A_321 = arith.mulf %div3A_320, %mul3A_310 : vector<3592x128xf32>
    %mul3A_322 = vector.broadcast %get3A_208 : vector<1x128xf32> to vector<3592x128xf32>
    %mul3A_323 = arith.mulf %max3A_253, %mul3A_322 : vector<3592x128xf32>
    %add3A_324 = arith.addf %add3A_300, %mul3A_323 : vector<3592x128xf32>
    %neg3A_325 = arith.constant 0.000000e+00 : f32
    %neg3A_326 = vector.broadcast %neg3A_325 : f32 to vector<3592x128xf32>
    %neg3A_327 = arith.subf %neg3A_326, %add3A_324 : vector<3592x128xf32>
    %exp3A_328 = math.exp %neg3A_327 : vector<3592x128xf32>
    %add3A_329 = arith.constant 1.000000e+00 : f32
    %add3A_330 = vector.broadcast %add3A_329 : f32 to vector<3592x128xf32>
    %add3A_331 = arith.addf %add3A_330, %exp3A_328 : vector<3592x128xf32>
    %div3A_332 = arith.constant 1.000000e+00 : f32
    %div3A_333 = vector.broadcast %div3A_332 : f32 to vector<3592x128xf32>
    %div3A_334 = arith.divf %div3A_333, %add3A_331 : vector<3592x128xf32>
    %mul3A_335 = arith.mulf %div3A_334, %mul3A_310 : vector<3592x128xf32>
    %mul3A_336 = vector.broadcast %get3A_199 : vector<1x128xf32> to vector<3592x128xf32>
    %mul3A_337 = arith.mulf %max3A_264, %mul3A_336 : vector<3592x128xf32>
    %add3A_338 = arith.addf %add3A_296, %mul3A_337 : vector<3592x128xf32>
    %neg3A_339 = arith.constant 0.000000e+00 : f32
    %neg3A_340 = vector.broadcast %neg3A_339 : f32 to vector<3592x128xf32>
    %neg3A_341 = arith.subf %neg3A_340, %add3A_338 : vector<3592x128xf32>
    %exp3A_342 = math.exp %neg3A_341 : vector<3592x128xf32>
    %add3A_343 = arith.constant 1.000000e+00 : f32
    %add3A_344 = vector.broadcast %add3A_343 : f32 to vector<3592x128xf32>
    %add3A_345 = arith.addf %add3A_344, %exp3A_342 : vector<3592x128xf32>
    %div3A_346 = arith.constant 1.000000e+00 : f32
    %div3A_347 = vector.broadcast %div3A_346 : f32 to vector<3592x128xf32>
    %div3A_348 = arith.divf %div3A_347, %add3A_345 : vector<3592x128xf32>
    %mul3A_349 = arith.mulf %div3A_348, %mul3A_305 : vector<3592x128xf32>
    %mul3A_350 = vector.broadcast %get3A_208 : vector<1x128xf32> to vector<3592x128xf32>
    %mul3A_351 = arith.mulf %max3A_264, %mul3A_350 : vector<3592x128xf32>
    %add3A_352 = arith.addf %add3A_300, %mul3A_351 : vector<3592x128xf32>
    %neg3A_353 = arith.constant 0.000000e+00 : f32
    %neg3A_354 = vector.broadcast %neg3A_353 : f32 to vector<3592x128xf32>
    %neg3A_355 = arith.subf %neg3A_354, %add3A_352 : vector<3592x128xf32>
    %exp3A_356 = math.exp %neg3A_355 : vector<3592x128xf32>
    %add3A_357 = arith.constant 1.000000e+00 : f32
    %add3A_358 = vector.broadcast %add3A_357 : f32 to vector<3592x128xf32>
    %add3A_359 = arith.addf %add3A_358, %exp3A_356 : vector<3592x128xf32>
    %div3A_360 = arith.constant 1.000000e+00 : f32
    %div3A_361 = vector.broadcast %div3A_360 : f32 to vector<3592x128xf32>
    %div3A_362 = arith.divf %div3A_361, %add3A_359 : vector<3592x128xf32>
    %mul3A_363 = arith.mulf %div3A_362, %mul3A_305 : vector<3592x128xf32>
    %slice3A_364 = vector.extract_strided_slice %mul3A_321 {offsets = [8, 0], sizes = [3584, 128], strides = [1, 1]} : vector<3592x128xf32> to vector<3584x128xf32>
    %add3A_365 = arith.addf %broadcast_in_dim3A_216, %slice3A_364 : vector<3584x128xf32>
    %slice3A_366 = vector.extract_strided_slice %mul3A_349 {offsets = [7, 0], sizes = [3584, 128], strides = [1, 1]} : vector<3592x128xf32> to vector<3584x128xf32>
    %add3A_367 = arith.addf %add3A_365, %slice3A_366 : vector<3584x128xf32>
    %slice3A_368 = vector.extract_strided_slice %mul3A_335 {offsets = [8, 0], sizes = [3584, 128], strides = [1, 1]} : vector<3592x128xf32> to vector<3584x128xf32>
    %add3A_369 = arith.addf %broadcast_in_dim3A_218, %slice3A_368 : vector<3584x128xf32>
    %slice3A_370 = vector.extract_strided_slice %mul3A_363 {offsets = [7, 0], sizes = [3584, 128], strides = [1, 1]} : vector<3592x128xf32> to vector<3584x128xf32>
    %add3A_371 = arith.addf %add3A_369, %slice3A_370 : vector<3584x128xf32>
    %add3A_372 = arith.constant 2 : i32
    %add3A_373 = vector.broadcast %add3A_372 : i32 to vector<3592x1xi32>
    %add3A_374 = arith.addi %slice3A_219, %add3A_373 : vector<3592x1xi32>
    %lt3A_375 = arith.constant 2048 : i32
    %lt3A_376 = vector.broadcast %lt3A_375 : i32 to vector<3592x1xi32>
    %lt3A_377 = arith.cmpi slt, %add3A_374, %lt3A_376 : vector<3592x1xi32>
    %convert_element_type3A_378 = arith.extui %lt3A_377 : vector<3592x1xi1> to vector<3592x1xi32>
    %convert_element_type3A_379 = arith.sitofp %convert_element_type3A_378 : vector<3592x1xi32> to vector<3592x1xf32>
    %slice3A_380 = vector.extract_strided_slice %mul3A_111 {offsets = [3, 0], sizes = [3592, 128], strides = [1, 1]} : vector<3598x128xf32> to vector<3592x128xf32>
    %slice3A_381 = vector.extract_strided_slice %mul3A_112 {offsets = [3, 0], sizes = [3592, 128], strides = [1, 1]} : vector<3598x128xf32> to vector<3592x128xf32>
    %slice3A_382 = vector.extract_strided_slice %mul3A_113 {offsets = [3, 0], sizes = [3592, 128], strides = [1, 1]} : vector<3598x128xf32> to vector<3592x128xf32>
    %slice3A_383 = vector.extract_strided_slice %sub3A_179 {offsets = [0, 0], sizes = [3592, 128], strides = [1, 1]} : vector<3595x128xf32> to vector<3592x128xf32>
    %slice3A_384 = vector.extract_strided_slice %sub3A_183 {offsets = [0, 0], sizes = [3592, 128], strides = [1, 1]} : vector<3595x128xf32> to vector<3592x128xf32>
    %slice3A_385 = vector.extract_strided_slice %sub3A_187 {offsets = [0, 0], sizes = [3592, 128], strides = [1, 1]} : vector<3595x128xf32> to vector<3592x128xf32>
    %slice3A_386 = vector.extract_strided_slice %sub3A_179 {offsets = [2, 0], sizes = [3592, 128], strides = [1, 1]} : vector<3595x128xf32> to vector<3592x128xf32>
    %slice3A_387 = vector.extract_strided_slice %sub3A_183 {offsets = [2, 0], sizes = [3592, 128], strides = [1, 1]} : vector<3595x128xf32> to vector<3592x128xf32>
    %slice3A_388 = vector.extract_strided_slice %sub3A_187 {offsets = [2, 0], sizes = [3592, 128], strides = [1, 1]} : vector<3595x128xf32> to vector<3592x128xf32>
    %mul3A_389 = arith.mulf %slice3A_383, %slice3A_380 : vector<3592x128xf32>
    %mul3A_390 = arith.mulf %slice3A_384, %slice3A_381 : vector<3592x128xf32>
    %add3A_391 = arith.addf %mul3A_389, %mul3A_390 : vector<3592x128xf32>
    %mul3A_392 = arith.mulf %slice3A_385, %slice3A_382 : vector<3592x128xf32>
    %add3A_393 = arith.addf %add3A_391, %mul3A_392 : vector<3592x128xf32>
    %mul3A_394 = arith.mulf %slice3A_386, %slice3A_380 : vector<3592x128xf32>
    %mul3A_395 = arith.mulf %slice3A_387, %slice3A_381 : vector<3592x128xf32>
    %add3A_396 = arith.addf %mul3A_394, %mul3A_395 : vector<3592x128xf32>
    %mul3A_397 = arith.mulf %slice3A_388, %slice3A_382 : vector<3592x128xf32>
    %add3A_398 = arith.addf %add3A_396, %mul3A_397 : vector<3592x128xf32>
    %slice3A_399 = vector.extract_strided_slice %rsqrt3A_196 {offsets = [0, 0], sizes = [3592, 128], strides = [1, 1]} : vector<3595x128xf32> to vector<3592x128xf32>
    %mul3A_400 = arith.mulf %add3A_393, %slice3A_399 : vector<3592x128xf32>
    %min3A_401 = arith.constant 1.000000e+00 : f32
    %min3A_402 = vector.broadcast %min3A_401 : f32 to vector<3592x128xf32>
    %min3A_403 = arith.minimumf %mul3A_400, %min3A_402 : vector<3592x128xf32>
    %max3A_404 = arith.constant -1.000000e+00 : f32
    %max3A_405 = vector.broadcast %max3A_404 : f32 to vector<3592x128xf32>
    %max3A_406 = arith.maximumf %min3A_403, %max3A_405 : vector<3592x128xf32>
    %slice3A_407 = vector.extract_strided_slice %rsqrt3A_196 {offsets = [2, 0], sizes = [3592, 128], strides = [1, 1]} : vector<3595x128xf32> to vector<3592x128xf32>
    %mul3A_408 = arith.mulf %add3A_398, %slice3A_407 : vector<3592x128xf32>
    %sub3A_409 = arith.constant 0.000000e+00 : f32
    %sub3A_410 = vector.broadcast %sub3A_409 : f32 to vector<3592x128xf32>
    %sub3A_411 = arith.subf %sub3A_410, %mul3A_408 : vector<3592x128xf32>
    %min3A_412 = arith.constant 1.000000e+00 : f32
    %min3A_413 = vector.broadcast %min3A_412 : f32 to vector<3592x128xf32>
    %min3A_414 = arith.minimumf %sub3A_411, %min3A_413 : vector<3592x128xf32>
    %max3A_415 = arith.constant -1.000000e+00 : f32
    %max3A_416 = vector.broadcast %max3A_415 : f32 to vector<3592x128xf32>
    %max3A_417 = arith.maximumf %min3A_414, %max3A_416 : vector<3592x128xf32>
    %slice3A_418 = vector.extract_strided_slice %add3A_192 {offsets = [0, 0], sizes = [3592, 128], strides = [1, 1]} : vector<3595x128xf32> to vector<3592x128xf32>
    %mul3A_419 = arith.mulf %add3A_393, %add3A_393 : vector<3592x128xf32>
    %sub3A_420 = arith.subf %slice3A_418, %mul3A_419 : vector<3592x128xf32>
    %slice3A_421 = vector.extract_strided_slice %add3A_192 {offsets = [2, 0], sizes = [3592, 128], strides = [1, 1]} : vector<3595x128xf32> to vector<3592x128xf32>
    %mul3A_422 = arith.mulf %add3A_398, %add3A_398 : vector<3592x128xf32>
    %sub3A_423 = arith.subf %slice3A_421, %mul3A_422 : vector<3592x128xf32>
    %mul3A_424 = arith.mulf %slice3A_383, %slice3A_386 : vector<3592x128xf32>
    %mul3A_425 = arith.mulf %slice3A_384, %slice3A_387 : vector<3592x128xf32>
    %add3A_426 = arith.addf %mul3A_424, %mul3A_425 : vector<3592x128xf32>
    %mul3A_427 = arith.mulf %slice3A_385, %slice3A_388 : vector<3592x128xf32>
    %add3A_428 = arith.addf %add3A_426, %mul3A_427 : vector<3592x128xf32>
    %mul3A_429 = arith.mulf %add3A_393, %add3A_398 : vector<3592x128xf32>
    %sub3A_430 = arith.subf %add3A_428, %mul3A_429 : vector<3592x128xf32>
    %max3A_431 = arith.constant 1.000000e-16 : f32
    %max3A_432 = vector.broadcast %max3A_431 : f32 to vector<3592x128xf32>
    %max3A_433 = arith.maximumf %sub3A_420, %max3A_432 : vector<3592x128xf32>
    %max3A_434 = arith.constant 1.000000e-16 : f32
    %max3A_435 = vector.broadcast %max3A_434 : f32 to vector<3592x128xf32>
    %max3A_436 = arith.maximumf %sub3A_423, %max3A_435 : vector<3592x128xf32>
    %mul3A_437 = arith.mulf %max3A_433, %max3A_436 : vector<3592x128xf32>
    %rsqrt3A_438 = math.rsqrt %mul3A_437 : vector<3592x128xf32>
    %mul3A_439 = arith.mulf %sub3A_430, %rsqrt3A_438 : vector<3592x128xf32>
    %min3A_440 = arith.constant 1.000000e+00 : f32
    %min3A_441 = vector.broadcast %min3A_440 : f32 to vector<3592x128xf32>
    %min3A_442 = arith.minimumf %mul3A_439, %min3A_441 : vector<3592x128xf32>
    %max3A_443 = arith.constant -1.000000e+00 : f32
    %max3A_444 = vector.broadcast %max3A_443 : f32 to vector<3592x128xf32>
    %max3A_445 = arith.maximumf %min3A_442, %max3A_444 : vector<3592x128xf32>
    %mul3A_446 = vector.broadcast %get3A_202 : vector<1x128xf32> to vector<3592x128xf32>
    %mul3A_447 = arith.mulf %max3A_445, %mul3A_446 : vector<3592x128xf32>
    %add3A_448 = vector.broadcast %get3A_205 : vector<1x128xf32> to vector<3592x128xf32>
    %add3A_449 = arith.addf %mul3A_447, %add3A_448 : vector<3592x128xf32>
    %mul3A_450 = vector.broadcast %get3A_211 : vector<1x128xf32> to vector<3592x128xf32>
    %mul3A_451 = arith.mulf %max3A_445, %mul3A_450 : vector<3592x128xf32>
    %add3A_452 = vector.broadcast %get3A_214 : vector<1x128xf32> to vector<3592x128xf32>
    %add3A_453 = arith.addf %mul3A_451, %add3A_452 : vector<3592x128xf32>
    %get3A_454 = arith.constant 504 : index
    %get3A_455 = arith.constant 0 : index
    %get3A_456 = vector.load %arg3[%get3A_454, %get3A_455] : memref<4104x128xf32, #tpu.memory_space<vmem>>, vector<3592x128xf32>
    %mul3A_457 = vector.broadcast %convert_element_type3A_379 : vector<3592x1xf32> to vector<3592x128xf32>
    %mul3A_458 = arith.mulf %get3A_456, %mul3A_457 : vector<3592x128xf32>
    %get3A_459 = arith.constant 506 : index
    %get3A_460 = arith.constant 0 : index
    %get3A_461 = vector.load %arg3[%get3A_459, %get3A_460] : memref<4104x128xf32, #tpu.memory_space<vmem>>, vector<3592x128xf32>
    %mul3A_462 = vector.broadcast %convert_element_type3A_379 : vector<3592x1xf32> to vector<3592x128xf32>
    %mul3A_463 = arith.mulf %get3A_461, %mul3A_462 : vector<3592x128xf32>
    %mul3A_464 = vector.broadcast %get3A_199 : vector<1x128xf32> to vector<3592x128xf32>
    %mul3A_465 = arith.mulf %max3A_406, %mul3A_464 : vector<3592x128xf32>
    %add3A_466 = arith.addf %add3A_449, %mul3A_465 : vector<3592x128xf32>
    %neg3A_467 = arith.constant 0.000000e+00 : f32
    %neg3A_468 = vector.broadcast %neg3A_467 : f32 to vector<3592x128xf32>
    %neg3A_469 = arith.subf %neg3A_468, %add3A_466 : vector<3592x128xf32>
    %exp3A_470 = math.exp %neg3A_469 : vector<3592x128xf32>
    %add3A_471 = arith.constant 1.000000e+00 : f32
    %add3A_472 = vector.broadcast %add3A_471 : f32 to vector<3592x128xf32>
    %add3A_473 = arith.addf %add3A_472, %exp3A_470 : vector<3592x128xf32>
    %div3A_474 = arith.constant 1.000000e+00 : f32
    %div3A_475 = vector.broadcast %div3A_474 : f32 to vector<3592x128xf32>
    %div3A_476 = arith.divf %div3A_475, %add3A_473 : vector<3592x128xf32>
    %mul3A_477 = arith.mulf %div3A_476, %mul3A_463 : vector<3592x128xf32>
    %mul3A_478 = vector.broadcast %get3A_208 : vector<1x128xf32> to vector<3592x128xf32>
    %mul3A_479 = arith.mulf %max3A_406, %mul3A_478 : vector<3592x128xf32>
    %add3A_480 = arith.addf %add3A_453, %mul3A_479 : vector<3592x128xf32>
    %neg3A_481 = arith.constant 0.000000e+00 : f32
    %neg3A_482 = vector.broadcast %neg3A_481 : f32 to vector<3592x128xf32>
    %neg3A_483 = arith.subf %neg3A_482, %add3A_480 : vector<3592x128xf32>
    %exp3A_484 = math.exp %neg3A_483 : vector<3592x128xf32>
    %add3A_485 = arith.constant 1.000000e+00 : f32
    %add3A_486 = vector.broadcast %add3A_485 : f32 to vector<3592x128xf32>
    %add3A_487 = arith.addf %add3A_486, %exp3A_484 : vector<3592x128xf32>
    %div3A_488 = arith.constant 1.000000e+00 : f32
    %div3A_489 = vector.broadcast %div3A_488 : f32 to vector<3592x128xf32>
    %div3A_490 = arith.divf %div3A_489, %add3A_487 : vector<3592x128xf32>
    %mul3A_491 = arith.mulf %div3A_490, %mul3A_463 : vector<3592x128xf32>
    %mul3A_492 = vector.broadcast %get3A_199 : vector<1x128xf32> to vector<3592x128xf32>
    %mul3A_493 = arith.mulf %max3A_417, %mul3A_492 : vector<3592x128xf32>
    %add3A_494 = arith.addf %add3A_449, %mul3A_493 : vector<3592x128xf32>
    %neg3A_495 = arith.constant 0.000000e+00 : f32
    %neg3A_496 = vector.broadcast %neg3A_495 : f32 to vector<3592x128xf32>
    %neg3A_497 = arith.subf %neg3A_496, %add3A_494 : vector<3592x128xf32>
    %exp3A_498 = math.exp %neg3A_497 : vector<3592x128xf32>
    %add3A_499 = arith.constant 1.000000e+00 : f32
    %add3A_500 = vector.broadcast %add3A_499 : f32 to vector<3592x128xf32>
    %add3A_501 = arith.addf %add3A_500, %exp3A_498 : vector<3592x128xf32>
    %div3A_502 = arith.constant 1.000000e+00 : f32
    %div3A_503 = vector.broadcast %div3A_502 : f32 to vector<3592x128xf32>
    %div3A_504 = arith.divf %div3A_503, %add3A_501 : vector<3592x128xf32>
    %mul3A_505 = arith.mulf %div3A_504, %mul3A_458 : vector<3592x128xf32>
    %mul3A_506 = vector.broadcast %get3A_208 : vector<1x128xf32> to vector<3592x128xf32>
    %mul3A_507 = arith.mulf %max3A_417, %mul3A_506 : vector<3592x128xf32>
    %add3A_508 = arith.addf %add3A_453, %mul3A_507 : vector<3592x128xf32>
    %neg3A_509 = arith.constant 0.000000e+00 : f32
    %neg3A_510 = vector.broadcast %neg3A_509 : f32 to vector<3592x128xf32>
    %neg3A_511 = arith.subf %neg3A_510, %add3A_508 : vector<3592x128xf32>
    %exp3A_512 = math.exp %neg3A_511 : vector<3592x128xf32>
    %add3A_513 = arith.constant 1.000000e+00 : f32
    %add3A_514 = vector.broadcast %add3A_513 : f32 to vector<3592x128xf32>
    %add3A_515 = arith.addf %add3A_514, %exp3A_512 : vector<3592x128xf32>
    %div3A_516 = arith.constant 1.000000e+00 : f32
    %div3A_517 = vector.broadcast %div3A_516 : f32 to vector<3592x128xf32>
    %div3A_518 = arith.divf %div3A_517, %add3A_515 : vector<3592x128xf32>
    %mul3A_519 = arith.mulf %div3A_518, %mul3A_458 : vector<3592x128xf32>
    %slice3A_520 = vector.extract_strided_slice %mul3A_477 {offsets = [8, 0], sizes = [3584, 128], strides = [1, 1]} : vector<3592x128xf32> to vector<3584x128xf32>
    %add3A_521 = arith.addf %add3A_367, %slice3A_520 : vector<3584x128xf32>
    %slice3A_522 = vector.extract_strided_slice %mul3A_505 {offsets = [6, 0], sizes = [3584, 128], strides = [1, 1]} : vector<3592x128xf32> to vector<3584x128xf32>
    %add3A_523 = arith.addf %add3A_521, %slice3A_522 : vector<3584x128xf32>
    %slice3A_524 = vector.extract_strided_slice %mul3A_491 {offsets = [8, 0], sizes = [3584, 128], strides = [1, 1]} : vector<3592x128xf32> to vector<3584x128xf32>
    %add3A_525 = arith.addf %add3A_371, %slice3A_524 : vector<3584x128xf32>
    %slice3A_526 = vector.extract_strided_slice %mul3A_519 {offsets = [6, 0], sizes = [3584, 128], strides = [1, 1]} : vector<3592x128xf32> to vector<3584x128xf32>
    %add3A_527 = arith.addf %add3A_525, %slice3A_526 : vector<3584x128xf32>
    %add3A_528 = arith.constant 3 : i32
    %add3A_529 = vector.broadcast %add3A_528 : i32 to vector<3592x1xi32>
    %add3A_530 = arith.addi %slice3A_219, %add3A_529 : vector<3592x1xi32>
    %lt3A_531 = arith.constant 2048 : i32
    %lt3A_532 = vector.broadcast %lt3A_531 : i32 to vector<3592x1xi32>
    %lt3A_533 = arith.cmpi slt, %add3A_530, %lt3A_532 : vector<3592x1xi32>
    %convert_element_type3A_534 = arith.extui %lt3A_533 : vector<3592x1xi1> to vector<3592x1xi32>
    %convert_element_type3A_535 = arith.sitofp %convert_element_type3A_534 : vector<3592x1xi32> to vector<3592x1xf32>
    %slice3A_536 = vector.extract_strided_slice %mul3A_145 {offsets = [3, 0], sizes = [3592, 128], strides = [1, 1]} : vector<3598x128xf32> to vector<3592x128xf32>
    %slice3A_537 = vector.extract_strided_slice %mul3A_146 {offsets = [3, 0], sizes = [3592, 128], strides = [1, 1]} : vector<3598x128xf32> to vector<3592x128xf32>
    %slice3A_538 = vector.extract_strided_slice %mul3A_147 {offsets = [3, 0], sizes = [3592, 128], strides = [1, 1]} : vector<3598x128xf32> to vector<3592x128xf32>
    %slice3A_539 = vector.extract_strided_slice %sub3A_179 {offsets = [0, 0], sizes = [3592, 128], strides = [1, 1]} : vector<3595x128xf32> to vector<3592x128xf32>
    %slice3A_540 = vector.extract_strided_slice %sub3A_183 {offsets = [0, 0], sizes = [3592, 128], strides = [1, 1]} : vector<3595x128xf32> to vector<3592x128xf32>
    %slice3A_541 = vector.extract_strided_slice %sub3A_187 {offsets = [0, 0], sizes = [3592, 128], strides = [1, 1]} : vector<3595x128xf32> to vector<3592x128xf32>
    %slice3A_542 = vector.extract_strided_slice %sub3A_179 {offsets = [3, 0], sizes = [3592, 128], strides = [1, 1]} : vector<3595x128xf32> to vector<3592x128xf32>
    %slice3A_543 = vector.extract_strided_slice %sub3A_183 {offsets = [3, 0], sizes = [3592, 128], strides = [1, 1]} : vector<3595x128xf32> to vector<3592x128xf32>
    %slice3A_544 = vector.extract_strided_slice %sub3A_187 {offsets = [3, 0], sizes = [3592, 128], strides = [1, 1]} : vector<3595x128xf32> to vector<3592x128xf32>
    %mul3A_545 = arith.mulf %slice3A_539, %slice3A_536 : vector<3592x128xf32>
    %mul3A_546 = arith.mulf %slice3A_540, %slice3A_537 : vector<3592x128xf32>
    %add3A_547 = arith.addf %mul3A_545, %mul3A_546 : vector<3592x128xf32>
    %mul3A_548 = arith.mulf %slice3A_541, %slice3A_538 : vector<3592x128xf32>
    %add3A_549 = arith.addf %add3A_547, %mul3A_548 : vector<3592x128xf32>
    %mul3A_550 = arith.mulf %slice3A_542, %slice3A_536 : vector<3592x128xf32>
    %mul3A_551 = arith.mulf %slice3A_543, %slice3A_537 : vector<3592x128xf32>
    %add3A_552 = arith.addf %mul3A_550, %mul3A_551 : vector<3592x128xf32>
    %mul3A_553 = arith.mulf %slice3A_544, %slice3A_538 : vector<3592x128xf32>
    %add3A_554 = arith.addf %add3A_552, %mul3A_553 : vector<3592x128xf32>
    %slice3A_555 = vector.extract_strided_slice %rsqrt3A_196 {offsets = [0, 0], sizes = [3592, 128], strides = [1, 1]} : vector<3595x128xf32> to vector<3592x128xf32>
    %mul3A_556 = arith.mulf %add3A_549, %slice3A_555 : vector<3592x128xf32>
    %min3A_557 = arith.constant 1.000000e+00 : f32
    %min3A_558 = vector.broadcast %min3A_557 : f32 to vector<3592x128xf32>
    %min3A_559 = arith.minimumf %mul3A_556, %min3A_558 : vector<3592x128xf32>
    %max3A_560 = arith.constant -1.000000e+00 : f32
    %max3A_561 = vector.broadcast %max3A_560 : f32 to vector<3592x128xf32>
    %max3A_562 = arith.maximumf %min3A_559, %max3A_561 : vector<3592x128xf32>
    %slice3A_563 = vector.extract_strided_slice %rsqrt3A_196 {offsets = [3, 0], sizes = [3592, 128], strides = [1, 1]} : vector<3595x128xf32> to vector<3592x128xf32>
    %mul3A_564 = arith.mulf %add3A_554, %slice3A_563 : vector<3592x128xf32>
    %sub3A_565 = arith.constant 0.000000e+00 : f32
    %sub3A_566 = vector.broadcast %sub3A_565 : f32 to vector<3592x128xf32>
    %sub3A_567 = arith.subf %sub3A_566, %mul3A_564 : vector<3592x128xf32>
    %min3A_568 = arith.constant 1.000000e+00 : f32
    %min3A_569 = vector.broadcast %min3A_568 : f32 to vector<3592x128xf32>
    %min3A_570 = arith.minimumf %sub3A_567, %min3A_569 : vector<3592x128xf32>
    %max3A_571 = arith.constant -1.000000e+00 : f32
    %max3A_572 = vector.broadcast %max3A_571 : f32 to vector<3592x128xf32>
    %max3A_573 = arith.maximumf %min3A_570, %max3A_572 : vector<3592x128xf32>
    %slice3A_574 = vector.extract_strided_slice %add3A_192 {offsets = [0, 0], sizes = [3592, 128], strides = [1, 1]} : vector<3595x128xf32> to vector<3592x128xf32>
    %mul3A_575 = arith.mulf %add3A_549, %add3A_549 : vector<3592x128xf32>
    %sub3A_576 = arith.subf %slice3A_574, %mul3A_575 : vector<3592x128xf32>
    %slice3A_577 = vector.extract_strided_slice %add3A_192 {offsets = [3, 0], sizes = [3592, 128], strides = [1, 1]} : vector<3595x128xf32> to vector<3592x128xf32>
    %mul3A_578 = arith.mulf %add3A_554, %add3A_554 : vector<3592x128xf32>
    %sub3A_579 = arith.subf %slice3A_577, %mul3A_578 : vector<3592x128xf32>
    %mul3A_580 = arith.mulf %slice3A_539, %slice3A_542 : vector<3592x128xf32>
    %mul3A_581 = arith.mulf %slice3A_540, %slice3A_543 : vector<3592x128xf32>
    %add3A_582 = arith.addf %mul3A_580, %mul3A_581 : vector<3592x128xf32>
    %mul3A_583 = arith.mulf %slice3A_541, %slice3A_544 : vector<3592x128xf32>
    %add3A_584 = arith.addf %add3A_582, %mul3A_583 : vector<3592x128xf32>
    %mul3A_585 = arith.mulf %add3A_549, %add3A_554 : vector<3592x128xf32>
    %sub3A_586 = arith.subf %add3A_584, %mul3A_585 : vector<3592x128xf32>
    %max3A_587 = arith.constant 1.000000e-16 : f32
    %max3A_588 = vector.broadcast %max3A_587 : f32 to vector<3592x128xf32>
    %max3A_589 = arith.maximumf %sub3A_576, %max3A_588 : vector<3592x128xf32>
    %max3A_590 = arith.constant 1.000000e-16 : f32
    %max3A_591 = vector.broadcast %max3A_590 : f32 to vector<3592x128xf32>
    %max3A_592 = arith.maximumf %sub3A_579, %max3A_591 : vector<3592x128xf32>
    %mul3A_593 = arith.mulf %max3A_589, %max3A_592 : vector<3592x128xf32>
    %rsqrt3A_594 = math.rsqrt %mul3A_593 : vector<3592x128xf32>
    %mul3A_595 = arith.mulf %sub3A_586, %rsqrt3A_594 : vector<3592x128xf32>
    %min3A_596 = arith.constant 1.000000e+00 : f32
    %min3A_597 = vector.broadcast %min3A_596 : f32 to vector<3592x128xf32>
    %min3A_598 = arith.minimumf %mul3A_595, %min3A_597 : vector<3592x128xf32>
    %max3A_599 = arith.constant -1.000000e+00 : f32
    %max3A_600 = vector.broadcast %max3A_599 : f32 to vector<3592x128xf32>
    %max3A_601 = arith.maximumf %min3A_598, %max3A_600 : vector<3592x128xf32>
    %mul3A_602 = vector.broadcast %get3A_202 : vector<1x128xf32> to vector<3592x128xf32>
    %mul3A_603 = arith.mulf %max3A_601, %mul3A_602 : vector<3592x128xf32>
    %add3A_604 = vector.broadcast %get3A_205 : vector<1x128xf32> to vector<3592x128xf32>
    %add3A_605 = arith.addf %mul3A_603, %add3A_604 : vector<3592x128xf32>
    %mul3A_606 = vector.broadcast %get3A_211 : vector<1x128xf32> to vector<3592x128xf32>
    %mul3A_607 = arith.mulf %max3A_601, %mul3A_606 : vector<3592x128xf32>
    %add3A_608 = vector.broadcast %get3A_214 : vector<1x128xf32> to vector<3592x128xf32>
    %add3A_609 = arith.addf %mul3A_607, %add3A_608 : vector<3592x128xf32>
    %get3A_610 = arith.constant 504 : index
    %get3A_611 = arith.constant 0 : index
    %get3A_612 = vector.load %arg3[%get3A_610, %get3A_611] : memref<4104x128xf32, #tpu.memory_space<vmem>>, vector<3592x128xf32>
    %mul3A_613 = vector.broadcast %convert_element_type3A_535 : vector<3592x1xf32> to vector<3592x128xf32>
    %mul3A_614 = arith.mulf %get3A_612, %mul3A_613 : vector<3592x128xf32>
    %get3A_615 = arith.constant 507 : index
    %get3A_616 = arith.constant 0 : index
    %get3A_617 = vector.load %arg3[%get3A_615, %get3A_616] : memref<4104x128xf32, #tpu.memory_space<vmem>>, vector<3592x128xf32>
    %mul3A_618 = vector.broadcast %convert_element_type3A_535 : vector<3592x1xf32> to vector<3592x128xf32>
    %mul3A_619 = arith.mulf %get3A_617, %mul3A_618 : vector<3592x128xf32>
    %mul3A_620 = vector.broadcast %get3A_199 : vector<1x128xf32> to vector<3592x128xf32>
    %mul3A_621 = arith.mulf %max3A_562, %mul3A_620 : vector<3592x128xf32>
    %add3A_622 = arith.addf %add3A_605, %mul3A_621 : vector<3592x128xf32>
    %neg3A_623 = arith.constant 0.000000e+00 : f32
    %neg3A_624 = vector.broadcast %neg3A_623 : f32 to vector<3592x128xf32>
    %neg3A_625 = arith.subf %neg3A_624, %add3A_622 : vector<3592x128xf32>
    %exp3A_626 = math.exp %neg3A_625 : vector<3592x128xf32>
    %add3A_627 = arith.constant 1.000000e+00 : f32
    %add3A_628 = vector.broadcast %add3A_627 : f32 to vector<3592x128xf32>
    %add3A_629 = arith.addf %add3A_628, %exp3A_626 : vector<3592x128xf32>
    %div3A_630 = arith.constant 1.000000e+00 : f32
    %div3A_631 = vector.broadcast %div3A_630 : f32 to vector<3592x128xf32>
    %div3A_632 = arith.divf %div3A_631, %add3A_629 : vector<3592x128xf32>
    %mul3A_633 = arith.mulf %div3A_632, %mul3A_619 : vector<3592x128xf32>
    %mul3A_634 = vector.broadcast %get3A_208 : vector<1x128xf32> to vector<3592x128xf32>
    %mul3A_635 = arith.mulf %max3A_562, %mul3A_634 : vector<3592x128xf32>
    %add3A_636 = arith.addf %add3A_609, %mul3A_635 : vector<3592x128xf32>
    %neg3A_637 = arith.constant 0.000000e+00 : f32
    %neg3A_638 = vector.broadcast %neg3A_637 : f32 to vector<3592x128xf32>
    %neg3A_639 = arith.subf %neg3A_638, %add3A_636 : vector<3592x128xf32>
    %exp3A_640 = math.exp %neg3A_639 : vector<3592x128xf32>
    %add3A_641 = arith.constant 1.000000e+00 : f32
    %add3A_642 = vector.broadcast %add3A_641 : f32 to vector<3592x128xf32>
    %add3A_643 = arith.addf %add3A_642, %exp3A_640 : vector<3592x128xf32>
    %div3A_644 = arith.constant 1.000000e+00 : f32
    %div3A_645 = vector.broadcast %div3A_644 : f32 to vector<3592x128xf32>
    %div3A_646 = arith.divf %div3A_645, %add3A_643 : vector<3592x128xf32>
    %mul3A_647 = arith.mulf %div3A_646, %mul3A_619 : vector<3592x128xf32>
    %mul3A_648 = vector.broadcast %get3A_199 : vector<1x128xf32> to vector<3592x128xf32>
    %mul3A_649 = arith.mulf %max3A_573, %mul3A_648 : vector<3592x128xf32>
    %add3A_650 = arith.addf %add3A_605, %mul3A_649 : vector<3592x128xf32>
    %neg3A_651 = arith.constant 0.000000e+00 : f32
    %neg3A_652 = vector.broadcast %neg3A_651 : f32 to vector<3592x128xf32>
    %neg3A_653 = arith.subf %neg3A_652, %add3A_650 : vector<3592x128xf32>
    %exp3A_654 = math.exp %neg3A_653 : vector<3592x128xf32>
    %add3A_655 = arith.constant 1.000000e+00 : f32
    %add3A_656 = vector.broadcast %add3A_655 : f32 to vector<3592x128xf32>
    %add3A_657 = arith.addf %add3A_656, %exp3A_654 : vector<3592x128xf32>
    %div3A_658 = arith.constant 1.000000e+00 : f32
    %div3A_659 = vector.broadcast %div3A_658 : f32 to vector<3592x128xf32>
    %div3A_660 = arith.divf %div3A_659, %add3A_657 : vector<3592x128xf32>
    %mul3A_661 = arith.mulf %div3A_660, %mul3A_614 : vector<3592x128xf32>
    %mul3A_662 = vector.broadcast %get3A_208 : vector<1x128xf32> to vector<3592x128xf32>
    %mul3A_663 = arith.mulf %max3A_573, %mul3A_662 : vector<3592x128xf32>
    %add3A_664 = arith.addf %add3A_609, %mul3A_663 : vector<3592x128xf32>
    %neg3A_665 = arith.constant 0.000000e+00 : f32
    %neg3A_666 = vector.broadcast %neg3A_665 : f32 to vector<3592x128xf32>
    %neg3A_667 = arith.subf %neg3A_666, %add3A_664 : vector<3592x128xf32>
    %exp3A_668 = math.exp %neg3A_667 : vector<3592x128xf32>
    %add3A_669 = arith.constant 1.000000e+00 : f32
    %add3A_670 = vector.broadcast %add3A_669 : f32 to vector<3592x128xf32>
    %add3A_671 = arith.addf %add3A_670, %exp3A_668 : vector<3592x128xf32>
    %div3A_672 = arith.constant 1.000000e+00 : f32
    %div3A_673 = vector.broadcast %div3A_672 : f32 to vector<3592x128xf32>
    %div3A_674 = arith.divf %div3A_673, %add3A_671 : vector<3592x128xf32>
    %mul3A_675 = arith.mulf %div3A_674, %mul3A_614 : vector<3592x128xf32>
    %slice3A_676 = vector.extract_strided_slice %mul3A_633 {offsets = [8, 0], sizes = [3584, 128], strides = [1, 1]} : vector<3592x128xf32> to vector<3584x128xf32>
    %add3A_677 = arith.addf %add3A_523, %slice3A_676 : vector<3584x128xf32>
    %slice3A_678 = vector.extract_strided_slice %mul3A_661 {offsets = [5, 0], sizes = [3584, 128], strides = [1, 1]} : vector<3592x128xf32> to vector<3584x128xf32>
    %add3A_679 = arith.addf %add3A_677, %slice3A_678 : vector<3584x128xf32>
    %slice3A_680 = vector.extract_strided_slice %mul3A_647 {offsets = [8, 0], sizes = [3584, 128], strides = [1, 1]} : vector<3592x128xf32> to vector<3584x128xf32>
    %add3A_681 = arith.addf %add3A_527, %slice3A_680 : vector<3584x128xf32>
    %slice3A_682 = vector.extract_strided_slice %mul3A_675 {offsets = [5, 0], sizes = [3584, 128], strides = [1, 1]} : vector<3592x128xf32> to vector<3584x128xf32>
    %add3A_683 = arith.addf %add3A_681, %slice3A_682 : vector<3584x128xf32>
    %swap3A = arith.constant 0 : index
    %swap3A_684 = arith.constant 0 : index
    %swap3A_685 = vector.load %arg5[%swap3A, %swap3A_684] : memref<3584x128xf32, #tpu.memory_space<vmem>>, vector<3584x128xf32>
    tpu.vector_store %arg5[%swap3A, %swap3A_684], %add3A_679 {strides = array<i32>} : memref<3584x128xf32, #tpu.memory_space<vmem>>, vector<3584x128xf32>,
    %swap3A_686 = arith.constant 0 : index
    %swap3A_687 = arith.constant 0 : index
    %swap3A_688 = vector.load %arg6[%swap3A_686, %swap3A_687] : memref<3584x128xf32, #tpu.memory_space<vmem>>, vector<3584x128xf32>
    tpu.vector_store %arg6[%swap3A_686, %swap3A_687], %add3A_683 {strides = array<i32>} : memref<3584x128xf32, #tpu.memory_space<vmem>>, vector<3584x128xf32>,
    return
  }
}

</mosaic_0001>

<sc_bundles>
// kernel: kernel.4.cloned.1.call-start
scs
__scs_entry_jumppad:
0x0: {  	(pc) =	sbr.rel $0x88, $3  }
0x1: {  	(tag) =	ssettag $0x0;
	lr =	simm.s32 $0x1  }
0x2: {  	[smem:$0x3F99] =	sst lr;
	_ =	strace $0xD0000000  }
0x3: {  	_ = 	snop  }
0x4: {  	_ = 	snop  }
0x5: {  	_ = 	snop  }
0x6: {  	_ = 	snop  }
0x7: {  	_ = 	snop  }
__scs_overlays_trampoline_lowered:
0x8: {  	[smem:$0x3FA8] =	sst s0  }
0x9: {  	[smem:$0x3FA9] =	sst s1  }
0xa: {  	[smem:$0x3FAA] =	sst s2  }
0xb: {  	[smem:$0x3FAB] =	sst s3  }
0xc: {  	[smem:$0x3FAC] =	sst s4  }
0xd: {  	[smem:$0x3FAD] =	sst s5  }
0xe: {  	[smem:$0x3FAE] =	sst s6  }
0xf: {  	[smem:$0x3FAF] =	sst s7  }
0x10: {  	[smem:$0x3FB0] =	sst s8  }
0x11: {  	[smem:$0x3FB1] =	sst s9;
	s0 =	simm.s32 @!p0 $0x0  }
0x12: {  	s1 =	sld [smem:$0x3F97];
	s0 =	simm.s32 @p0 $0x1  }
0x13: {  	[smem:$0x3FB2] =	sst s0;
	s0 =	simm.s32 @!p1 $0x0  }
0x14: {  	s2 =	sld [smem:$0x3F96];
	s0 =	simm.s32 @p1 $0x1  }
0x15: {  	[smem:$0x3FB3] =	sst s0;
	s0 =	simm.s32 @!p2 $0x0  }
0x16: {  	s3 =	sld [smem:$0x3FDB];
	s0 =	simm.s32 @p2 $0x1  }
0x17: {  	s4 =	simm.s32 $0x1BF5;
	[smem:$0x3FB5] =	sst s0  }
0x18: {  	s0 =	sld [smem:$0x3F98];
	_ =	swait.ge [sflag:s4], $0x0  }
0x19: {  	s7 =	sld [smem:$0x3F99]  }
0x1a: {  	s8 =	sadd.s32 $0xFFFFE003, lr  }
0x1b: {  	s9 =	sadd.s32 $0xFFFFFEF7, lr;
	s5 =	simm.s32 $0xFFFFFFFF;
	p2 =	slt.u32 s8, $0xFFFFF086  }
0x1c: {  	p1 =	slt.u32 s9, $0xF7A;
	s5 =	simm.s32 @!p2 $0x0  }
0x1d: {  	s5 =	simm.s32 @p1 $0x1;
	p0 =	seq.s32 s7, s2  }
0x1e: {  	s7 =	smul.u32 @!p0 $0xF7A, s2;
	p2 =	seq.s32 @!p0 s5, $0x0  }
0x1f: {  	s9 =	smul.u32 $0xF7A, s1;
	s8 =	simm.s32 @!p0 $0x1BF5;
	p2 =	por !p2, p0  }
0x20: {  	[sflag:s8] =	ssyncset.s32 @!p0 $0xFFFFF086;
	s6 =	sadd.s32 @!p0 s3, s7;
	s7 =	simm.s32 @!p0 $0x108  }
0x21: {  	s3 =	sadd.s32 s3, s9;
	s6 =	sadd.s32 @!p0 $0x88, s6;
	s7 =	simm.s32 @p2 $0x1082  }
0x22: {  	[simem:s7], [sflag:s8] =	dma.local @!p0 [hbm:s6], $0xF7A  }
0x23: {  	s9 =	sor.u32 $0xD0000000, s2;
	s6 =	simm.s32 $0x108;
	_ =	swait.ge @!p0 [sflag:s8], $0x0  }
0x24: {  	s3 =	sadd.s32 $0x88, s3;
	s6 =	simm.s32 @!p1 $0x1082;
	[sflag:s4] =	ssyncset.s32 $0xFFFFF086  }
0x25: {  	[simem:s6], [sflag:s4] =	dma.local [hbm:s3], $0xF7A  }
0x26: {  	[smem:$0x3F99] =	sst s1;
	(tag) =	ssettag s2;
	_ =	strace s9  }
0x27: {  	s1 =	sld [smem:$0x3FA9]  }
0x28: {  	s2 =	sld [smem:$0x3FAA]  }
0x29: {  	s4 =	sld [smem:$0x3FAC]  }
0x2a: {  	p0 =	seq.s32 s5, $0x0;
	s5 =	sld [smem:$0x3FAD]  }
0x2b: {  	s6 =	sld [smem:$0x3FAE]  }
0x2c: {  	s7 =	sld [smem:$0x3FAF]  }
0x2d: {  	s3 =	simm.s32 $0x108;
	s8 =	sld [smem:$0x3FB0]  }
0x2e: {  	s3 =	simm.s32 @!p0 $0x1082;
	s9 =	sld [smem:$0x3FB1]  }
0x2f: {  	lr =	sadd.s32 s0, s3;
	s0 =	sld [smem:$0x3FA8]  }
0x30: {  	s3 =	sld [smem:$0x3FAB]  }
0x31: {  	[smem:$0x3FB4] =	sst s10  }
0x32: {  	s10 =	sld [smem:$0x3FB2];
	_ =	sdelay $0x3  }
0x33: {  	p0 =	seq.s32 s10, $0x1;
	s10 =	sld [smem:$0x3FB4];
	_ =	sdelay $0x3  }
0x34: {  	[smem:$0x3FB4] =	sst s10  }
0x35: {  	s10 =	sld [smem:$0x3FB3];
	_ =	sdelay $0x3  }
0x36: {  	p1 =	seq.s32 s10, $0x1;
	s10 =	sld [smem:$0x3FB4];
	_ =	sdelay $0x3  }
0x37: {  	[smem:$0x3FB4] =	sst s10  }
0x38: {  	s10 =	sld [smem:$0x3FB5]  }
0x39: {  	_ = 	snop;
	(pc) =	sbr.ind lr, $3  }
0x3a: {  	_ = 	snop  }
0x3b: {  	_ = 	snop  }
0x3c: {  	p2 =	seq.s32 s10, $0x1;
	s10 =	sld [smem:$0x3FB4]  }
0x3d: {  	_ =	shalt  }
0x3e: {  	_ =	shalt  }
0x3f: {  	_ =	shalt  }
0x40: {  	_ =	shalt  }
0x41: {  	_ =	shalt  }
0x42: {  	_ =	shalt  }
0x43: {  	_ =	shalt  }
0x44: {  	_ =	shalt  }
0x45: {  	_ =	shalt  }
0x46: {  	_ =	shalt  }
0x47: {  	_ =	shalt  }
0x48: {  	_ =	shalt  }
0x49: {  	_ =	shalt  }
0x4a: {  	_ =	shalt  }
0x4b: {  	_ =	shalt  }
0x4c: {  	_ =	shalt  }
0x4d: {  	_ =	shalt  }
0x4e: {  	_ =	shalt  }
0x4f: {  	_ =	shalt  }
0x50: {  	_ =	shalt  }
0x51: {  	_ =	shalt  }
0x52: {  	_ =	shalt  }
0x53: {  	_ =	shalt  }
0x54: {  	_ =	shalt  }
0x55: {  	_ =	shalt  }
0x56: {  	_ =	shalt  }
0x57: {  	_ =	shalt  }
0x58: {  	_ =	shalt  }
0x59: {  	_ =	shalt  }
0x5a: {  	_ =	shalt  }
0x5b: {  	_ =	shalt  }
0x5c: {  	_ =	shalt  }
0x5d: {  	_ =	shalt  }
0x5e: {  	_ =	shalt  }
0x5f: {  	_ =	shalt  }
0x60: {  	_ =	shalt  }
0x61: {  	_ =	shalt  }
0x62: {  	_ =	shalt  }
0x63: {  	_ =	shalt  }
0x64: {  	_ =	shalt  }
0x65: {  	_ =	shalt  }
0x66: {  	_ =	shalt  }
0x67: {  	_ =	shalt  }
0x68: {  	_ =	shalt  }
0x69: {  	_ =	shalt  }
0x6a: {  	_ =	shalt  }
0x6b: {  	_ =	shalt  }
0x6c: {  	_ =	shalt  }
0x6d: {  	_ =	shalt  }
0x6e: {  	_ =	shalt  }
0x6f: {  	_ =	shalt  }
0x70: {  	_ =	shalt  }
0x71: {  	_ =	shalt  }
0x72: {  	_ =	shalt  }
0x73: {  	_ =	shalt  }
0x74: {  	_ =	shalt  }
0x75: {  	_ =	shalt  }
0x76: {  	_ =	shalt  }
0x77: {  	_ =	shalt  }
0x78: {  	_ =	shalt  }
0x79: {  	_ =	shalt  }
0x7a: {  	_ =	shalt  }
0x7b: {  	_ =	shalt  }
0x7c: {  	_ =	shalt  }
0x7d: {  	_ =	shalt  }
0x7e: {  	_ =	shalt  }
0x7f: {  	_ =	shalt  }
0x80: {  	_ =	shalt  }
0x81: {  	_ =	shalt  }
0x82: {  	_ =	shalt  }
0x83: {  	_ =	shalt  }
0x84: {  	_ =	shalt  }
0x85: {  	_ =	shalt  }
0x86: {  	_ =	shalt  }
0x87: {  	_ =	shalt  }
.Lfunc_end0:
.L_simem_size_0:
called_computation_lowered:
.L_overlay_start_0:
0x88: {  	s2 =	sld [smem:$0x3FD9]  }
0x89: {  	s3 =	sld [smem:$0x3FFE];
	_ =	sdelay $0x1  }
0x8a: {  	s1 =	srdreg.scid  }
0x8b: {  	s0 =	sand.u32 $0x1, s1  }
0x8c: {  	s14 =	sshll.u32 s0, $0xA;
	s2 =	sadd.s32 s3, s2  }
0x8d: {  	s2 =	sadd.s32 s2, s14  }
0x8e: {  	[smem:$0x3FC0] =	sst s2  }
0x8f: {  	_ = 	snop  }
0x90: {  	s2 =	sld [smem:$0x3FD0];
	_ =	sdelay $0x2  }
0x91: {  	s15 =	simm.s32 $0xA;
	s4 =	simm.s32 $0x10  }
0x92: {  	[smem:s4], [sflag:s15] =	dma.local [hbm:s2], $0x1  }
0x93: {  	_ =	swait.eq [sflag:s15], $0x1  }
0x94: {  	[sflag:s15] =	ssyncset.done $0x0  }
0x95: {  	s16 =	sld [smem:$0x10];
	[sflag:s15] =	ssyncadd.s32 $0xFFFFFFFF  }
0x96: {  	s17 =	sld [smem:$0x11];
	(tm) =	ssettm $0x1  }
0x97: {  	s18 =	sld [smem:$0x3FFB];
	_ =	sdelay $0x3  }
0x98: {  	_ =	strace s18  }
0x99: {  	s4 =	sld [smem:$0x3FFC];
	_ =	sdelay $0x3  }
0x9a: {  	_ =	strace s4  }
0x9b: {  	s4 =	sld [smem:$0x3FFD];
	_ =	sdelay $0x3  }
0x9c: {  	_ =	strace s4  }
0x9d: {  	_ =	strace $0x8FFFFFFF  }
0x9e: {  	s19 =	sld [smem:$0x3FDB];
	_ =	sdelay $0x1  }
0x9f: {  	s5 =	simm.s32 $_scs_section_size  }
0xa0: {  	s6 =	simm.s32 $_size__tile_overlayer_lowered;
	s7 =	simm.s32 $_tile_overlayer_lowered  }
0xa1: {  	s22 =	simm.s32 $0x1BFF;
	s21 =	sshll.u32 s7, $0x1;
	s4 =	sadd.s32 s5, s19  }
0xa2: {  	s8 =	simm.s32 $0x0;
	s20 =	sshll.u32 s6, $0x1;
	s6 =	sadd.s32 s21, s4  }
0xa3: {  	[timem:s8], [sflag:s22] =	dma.local [hbm:s6], s20  }
0xa4: {  	_ =	swait.ge [sflag:s22], s20  }
0xa5: {  	s5 =	ssub.s32 $0x0, s20;
	[sflag:s22] =	ssyncset.done $0x0  }
0xa6: {  	[sflag:s22] =	ssyncadd.s32 s5;
	_ =	sdelay $0x1  }
0xa7: {  	s23 =	simm.s32 $0x1B8B  }
0xa8: {  	_ =	swait.ge [sflag:s23], $0x1  }
0xa9: {  	[sflag:s23] =	ssyncset.done $0x0  }
0xaa: {  	s25 =	simm.s32 $0x1B8E;
	s24 =	sld [smem:$0x3FFE];
	[sflag:s23] =	ssyncadd.s32 $0xFFFFFFFF  }
0xab: {  	s26 =	simm.s32 $execute0_lowered;
	[smem:$0x3FD2] =	sst s25  }
0xac: {  	s6 =	sshll.u32 s26, $0x1;
	_ =	strace $0x80000046;
	[dreg:$0x1] =	wrdreg $0xFFFFFFFF  }
0xad: {  	s28 =	simm.s32 $_size_execute0_lowered;
	s4 =	sadd.s32 s4, s6;
	[dreg:$0x0] =	wrdreg $0x0  }
0xae: {  	s6 =	sshll.u32 s28, $0x1;
	[dreg:$0x2] =	wrdreg s4  }
0xaf: {  	[dreg:$0x3] =	wrdreg s6  }
0xb0: {  	[dreg:$0x4] =	wrdreg $0xC0  }
0xb1: {  	_ =	task [dreg:s8], $0x5FFFF  }
0xb2: {  	[dreg:$0x1] =	wrdreg $0xFFFFFFFF  }
0xb3: {  	[dreg:$0x0] =	wrdreg $0x60  }
0xb4: {  	[dreg:$0x2] =	wrdreg s17  }
0xb5: {  	[dreg:$0x3] =	wrdreg s16  }
0xb6: {  	[dreg:$0x4] =	wrdreg s24  }
0xb7: {  	[dreg:$0x5] =	wrdreg $0x9  }
0xb8: {  	_ =	task.clear_ibuf [dreg:s8], $0x6FFFF;
	_ =	strace $0x90000046  }
0xb9: {  	s29 =	simm.s32 $0x9;
	_ =	strace $0x80000048  }
0xba: {  	_ =	swait.ge [sflag:s29], $0x1  }
0xbb: {  	[sflag:s29] =	ssyncadd.s32 $0xFFFFFFFF  }
0xbc: {  	_ =	strace $0x90000048  }
0xbd: {  	_ =	sfence  }
0xbe: {  	s30 =	sld [smem:$0x0];
	_ =	sdelay $0x2  }
0xbf: {  	s31 =	sshll.u32 s1, $0xD;
	s1 =	sshrl.u32 s1, $0x2  }
0xc0: {  	s3 =	sand.u32 $0x4000, s31;
	s1 =	sadd.s32 s1, s30  }
0xc1: {  	s0 =	sor.u32 s3, s0;
	s1 =	sshll.u32 s1, $0x11  }
0xc2: {  	s0 =	sor.u32 s1, s0  }
0xc3: {  	s0 =	sadd.s32 $0x8F2B, s0  }
0xc4: {  	[sflag:s0] =	ssyncadd.remote.s32 $0x1  }
0xc5: {  	_ =	sfence.sel $0xFFFF  }
0xc6: {  	[dreg:$0x0] =	wrdreg $0xFFFFFFFF;
	(pc) =	sbr.abs _section_cstart, $3  }
0xc7: {  	[dreg:$0x1] =	wrdreg $0xFFFFFFFF  }
0xc8: {  	_ =	task.clear_ibuf [dreg:s8], $0x2FFFF;
	_ =	strace $0x9FFFFFFF  }
0xc9: {  	(tm) =	ssettm $0x7FFFFFFF  }
tec
execute0_lowered:
.L_overlay_start_1:
0x0: {  	(tag) =	ssettag $0x1  }
0x1: {  	s0 =	rddreg [dreg:$0x0];
	s1 =	srdreg.scid  }
0x2: {  	s6 =	rddreg [dreg:$0x1];
	s2 =	stileid.u32  }
0x3: {  	s5 =	rddreg [dreg:$0x2];
	s20 =	simm.s32 $0x1;
	s24 =	simm.s32 $0x0  }
0x4: {  	s1 =	sand.u32 $0x1, s1;
	s3 =	sshll.u32 s2, $0x5;
	s2 =	simm.s32 $0x0  }
0x5: {  	s30 =	sadd.s32 $0x2000, s5;
	s4 =	sshll.u32 s1, $0x4;
	[smem:$0x7FF] =	sst s2  }
0x6: {  	s1 =	ssub.s32 $0x2, s1;
	s3 =	sor.u32 s4, s3;
	_ =	strace $0x80000047  }
0x7: {  	[dreg:$0x4] =	wrdreg s30;
	s31 =	sshrl.u32 s1, $0x1;
	s9 =	smax.u32 s3, $0x8  }
0x8: {  	s8 =	sshll.u32 s3, $0x4;
	s1 =	ssub.s32 s1, s31;
	s7 =	sadd.s32 $0xFFFFFFF8, s9  }
0x9: {  	s11 =	sadd.s32 s8, s5;
	s9 =	ssub.s32 s3, s9;
	s10 =	smul.u32 $0x30, s7  }
0xa: {  	s7 =	sshll.u32 s7, $0x4;
	s8 =	sadd.s32 $0x2200, s11;
	s14 =	sor.u32 $0x7, s9  }
0xb: {  	s15 =	sor.u32 $0x6, s9;
	s5 =	sor.u32 $0x2, s9;
	s17 =	sor.u32 $0x4, s9  }
0xc: {  	s4 =	sor.u32 $0x3, s9;
	s6 =	sadd.s32 s6, s7;
	s7 =	sadd.s32 $0xFFFFFFFD, s3  }
0xd: {  	s0 =	sadd.s32 s0, s10;
	s10 =	sadd.s32 $0x4200, s11;
	s11 =	smax.u32 s1, $0x1  }
0xe: {  	s1 =	sor.u32 $0x5, s9;
	[dreg:$0x5] =	wrdreg s0;
	s0 =	sadd.s32 $0x8, s9  }
.LBB2_1:
0xf: {  	s12 =	rddreg [dreg:$0x4];
	s13 =	simm.s32 $0x9000  }
0x10: {  	[tilespmem:s13], [sflag:$0x1] =	stream.linear.gather [hbm4b:s12+s2], $0x400, $0x38;
	[tilespmem:$0x9400] =	vst v63  }
0x11: {  	_ =	swait.ge [sflag:s20], $0x400  }
0x12: {  	[sflag:s20] =	ssyncset.done $0x0  }
0x13: {  	s26 =	rddreg [dreg:$0x5];
	[sflag:s20] =	ssyncadd.s32 $0xFFFFFC00  }
0x14: {  	[tilespmem:s2], [sflag:$0x1] =	stream.linear.gather [hbm4b:s26+s2], $0x3000, $0x38;
	[tilespmem:$0x9400] =	vst v63  }
0x15: {  	_ =	swait.ge [sflag:s20], $0x3000  }
0x16: {  	s29 =	simm.s32 $0x3000;
	s25 =	simm.s32 $0x4000;
	[sflag:s20] =	ssyncset.done $0x0  }
0x17: {  	s18 =	smov.u32 s4;
	s28 =	smov.u32 s17;
	[sflag:s20] =	ssyncadd.s32 $0xFFFFD000  }
0x18: {  	[tilespmem:s29], [sflag:$0x1] =	stream.linear.gather [hbm4b:s6+s2], $0x1000, $0x38;
	[tilespmem:$0x9400] =	vst v63  }
0x19: {  	s16 =	smov.u32 s5;
	s30 =	smov.u32 s15;
	_ =	swait.ge [sflag:s20], $0x1000  }
0x1a: {  	s31 =	smov.u32 s14;
	s19 =	simm.s32 $0x0;
	[sflag:s20] =	ssyncset.done $0x0  }
0x1b: {  	s13 =	smov.u32 s1;
	s12 =	smov.u32 s0;
	[sflag:s20] =	ssyncadd.s32 $0xFFFFF000  }
.LBB2_2:
0x1c: {  	p0 =	sgt.s32 s13, $0x0;
	s21 =	smov.u32 s13  }
0x1d: {  	s22 =	smov.u32 s30;
	s23 =	smov.u32 s28;
	s21 =	simm.s32 @!p0 $0x0  }
0x1e: {  	s26 =	smov.u32 s18;
	p0 =	sgt.s32 s30, $0x0;
	s21 =	smin.u32 s21, $0x1F  }
0x1f: {  	s22 =	simm.s32 @!p0 $0x0;
	p0 =	sgt.s32 s28, $0x0;
	s21 =	smul.u32 $0x600, s21  }
0x20: {  	s29 =	smov.u32 s16;
	s22 =	smin.u32 s22, $0x1F;
	s23 =	simm.s32 @!p0 $0x0  }
0x21: {  	p0 =	sgt.s32 s18, $0x0;
	s22 =	smul.u32 $0x600, s22;
	s21 =	sshrl.u32 s21, $0x2  }
0x22: {  	s26 =	simm.s32 @!p0 $0x0;
	p0 =	sgt.s32 s16, $0x0;
	s21 =	sadd.s32 $0x100, s21  }
0x23: {  	s23 =	smin.u32 s23, $0x1F;
	s29 =	simm.s32 @!p0 $0x0;
	s22 =	sshrl.u32 s22, $0x2;
	v0 =	vmov s21  }
0x24: {  	s23 =	smul.u32 $0x600, s23;
	s29 =	smin.u32 s29, $0x1F;
	v1 =	vmov s22  }
0x25: {  	s21 =	smul.u32 $0x600, s29  }
0x26: {  	s23 =	sshrl.u32 s23, $0x2  }
0x27: {  	s26 =	smin.u32 s26, $0x1F;
	v2 =	vmov s23;
	s23 =	sshrl.u32 s21, $0x2;
	s21 =	simm.s32 $0x0  }
0x28: {  	s26 =	smul.u32 $0x600, s26;
	v8 =	vld.idx.msk [tilespmem:v0+s21+$0x0 ss:$0x1], $0xffff  }
0x29: {  	v7 =	vld.idx.msk [tilespmem:v1+s21+$0x80 ss:$0x1], $0xffff  }
0x2a: {  	s26 =	sshrl.u32 s26, $0x2;
	v21 =	vld.idx.msk [tilespmem:v0+s21+$0xFFFFFF00 ss:$0x1], $0xffff  }
0x2b: {  	s29 =	sadd.s32 $0x100, s26;
	v24 =	vld.idx.msk [tilespmem:v0+s21+$0xFFFFFF80 ss:$0x1], $0xffff  }
0x2c: {  	v3 =	vmov s29;
	v17 =	vld.idx.msk [tilespmem:v1+s21+$0x100 ss:$0x1], $0xffff  }
0x2d: {  	s22 =	sadd.s32 $0x100, s23;
	v22 =	vld.idx.msk [tilespmem:v1+s21+$0x0 ss:$0x1], $0xffff  }
0x2e: {  	p0 =	sgt.s32 s31, $0x0;
	v4 =	vmov s22;
	s22 =	smov.u32 s31;
	v11 =	vld.idx.msk [tilespmem:v2+s21+$0x80 ss:$0x1], $0xffff  }
0x2f: {  	s22 =	simm.s32 @!p0 $0x0;
	v6 =	vld.idx.msk [tilespmem:v2+s21+$0x0 ss:$0x1], $0xffff  }
0x30: {  	s22 =	smin.u32 s22, $0x1F;
	v23 =	vld.idx.msk [tilespmem:v2+s21+$0x100 ss:$0x1], $0xffff  }
0x31: {  	s23 =	smov.u32 s12;
	p0 =	sgt.s32 s12, $0x0;
	s22 =	smul.u32 $0x600, s22;
	v10 =	vld.idx.msk [tilespmem:v3+s21+$0xFFFFFF80 ss:$0x1], $0xffff  }
0x32: {  	s23 =	simm.s32 @!p0 $0x0;
	v9 =	vld.idx.msk [tilespmem:v3+s21+$0xFFFFFF00 ss:$0x1], $0xffff  }
0x33: {  	s23 =	smin.u32 s23, $0x1F;
	v12 =	vld.idx.msk [tilespmem:v4+s21+$0xFFFFFF00 ss:$0x1], $0xffff;
	s22 =	sshrl.u32 s22, $0x2  }
0x34: {  	s23 =	smul.u32 $0x600, s23;
	v13 =	vld.idx.msk [tilespmem:v4+s21+$0x0 ss:$0x1], $0xffff;
	v5 =	vmov s22;
	v18 =	vsub.f32 v17, v8  }
0x35: {  	v20 =	vld.idx.msk [tilespmem:v3+s21+$0x0 ss:$0x1], $0xffff;
	v14 =	vsub.f32 v6, v21;
	v15 =	vsub.f32 v11, v24  }
0x36: {  	v19 =	vld.idx.msk [tilespmem:v4+s21+$0xFFFFFF80 ss:$0x1], $0xffff;
	s26 =	sshrl.u32 s23, $0x2;
	v11 =	vsub.f32 v22, v21;
	v23 =	vsub.f32 v23, v8  }
0x37: {  	v6 =	vmov s26;
	v9 =	vsub.f32 v9, v21;
	v10 =	vsub.f32 v10, v24  }
0x38: {  	v50 =	vmul.f32 v14, v14;
	v32 =	vmul.f32 v15, v15;
	v16 =	vsub.f32 v12, v21  }
0x39: {  	v33 =	vmul.f32 v11, v11;
	v12 =	vsub.f32 v13, v8;
	v13 =	vsub.f32 v7, v24;
	v26 =	vld.idx.msk [tilespmem:v5+s21+$0x80 ss:$0x1], $0xffff  }
0x3a: {  	v30 =	vsub.f32 v20, v8;
	v25 =	vmul.f32 v9, v9;
	v28 =	vld.idx.msk [tilespmem:v5+s21+$0x0 ss:$0x1], $0xffff;
	v17 =	vmul.f32 v10, v10  }
0x3b: {  	v35 =	vmul.f32 v23, v23;
	v19 =	vsub.f32 v19, v24;
	v54 =	vld.idx.msk [tilespmem:v5+s21+$0x100 ss:$0x1], $0xffff;
	v29 =	vmul.f32 v13, v13  }
0x3c: {  	v49 =	vmul.f32 v30, v30;
	v36 =	vld.idx.msk [tilespmem:v6+s21+$0x0 ss:$0x1], $0xffff;
	v48 =	vadd.f32 v17, v25;
	v25 =	vadd.f32 v32, v50  }
0x3d: {  	v31 =	vmul.f32 v18, v18;
	v7 =	vmul.f32 v16, v16;
	v34 =	vld.idx.msk [tilespmem:v6+s21+$0x80 ss:$0x1], $0xffff;
	v52 =	vadd.f32 v29, v33  }
0x3e: {  	v51 =	vmul.f32 v19, v19;
	v63 =	vld.idx.msk [tilespmem:v6+s21+$0x100 ss:$0x1], $0xffff;
	v22 =	vadd.f32 v49, v48;
	v25 =	vadd.f32 v35, v25  }
0x3f: {  	v17 =	vsub.f32 v26, v24;
	v20 =	vsub.f32 v28, v21  }
0x40: {  	v27 =	vmul.f32 v12, v12;
	v26 =	vadd.f32 v51, v7;
	v28 =	vadd.f32 v31, v52  }
0x41: {  	v32 =	vsub.f32 v54, v8;
	v55 =	vmax.f32 v22, $1.000000020e-16;
	v22 =	vsub.f32 v36, v21  }
0x42: {  	v21 =	vsub.f32 v34, v24;
	v25 =	vmax.f32 v25, $1.000000020e-16;
	v53 =	vmul.f32 v17, v17  }
0x43: {  	v44 =	vsub.f32 v63, v8;
	v56 =	vmul.f32 v20, v20;
	v57 =	vmul.f32 $5.000000000e-01, v55  }
0x44: {  	v26 =	vadd.f32 v27, v26;
	v28 =	vmax.f32 v28, $1.000000020e-16;
	v59 =	vshra.s32 v55, $0x1  }
0x45: {  	v37 =	vshra.s32 v25, $0x1;
	v25 =	vmul.f32 $5.000000000e-01, v25;
	v38 =	vmul.f32 v32, v32  }
0x46: {  	v60 =	vshra.s32 v28, $0x1;
	v24 =	vsub.s32 $0x5F3759DF, v59;
	v34 =	vmul.f32 v21, v21  }
0x47: {  	v37 =	vsub.s32 $0x5F3759DF, v37;
	v28 =	vmul.f32 $5.000000000e-01, v28;
	v40 =	vmul.f32 v22, v22  }
0x48: {  	v48 =	vmul.f32 v44, v44;
	v58 =	vadd.f32 v53, v56;
	v26 =	vmax.f32 v26, $1.000000020e-16  }
0x49: {  	v29 =	vsub.s32 $0x5F3759DF, v60;
	v61 =	vmul.f32 v24, v57;
	v39 =	vmul.f32 v37, v25  }
0x4a: {  	v62 =	vmul.f32 $5.000000000e-01, v26;
	v26 =	vshra.s32 v26, $0x1;
	v41 =	vmul.f32 v29, v28  }
0x4b: {  	v34 =	vadd.f32 v34, v40;
	v33 =	vmul.f32 v24, v61;
	v27 =	vadd.f32 v38, v58  }
0x4c: {  	v26 =	vsub.s32 $0x5F3759DF, v26;
	v43 =	vmul.f32 v37, v39;
	v8 =	vmul.f32 v29, v41  }
0x4d: {  	v47 =	vmul.f32 v26, v62;
	v33 =	vsub.f32 $1.500000000e+00, v33;
	v27 =	vmax.f32 v27, $1.000000020e-16  }
0x4e: {  	v45 =	vsub.f32 $1.500000000e+00, v43;
	v46 =	vmul.f32 $5.000000000e-01, v27;
	v8 =	vsub.f32 $1.500000000e+00, v8  }
0x4f: {  	s23 =	sadd.s32 s19, s7;
	v27 =	vshra.s32 v27, $0x1;
	v49 =	vmul.f32 v26, v47;
	v24 =	vmul.f32 v24, v33  }
0x50: {  	s22 =	simm.f32 $1.000000000e+00;
	p0 =	slt.u32 s23, $0x800;
	v36 =	vmul.f32 v37, v45;
	v27 =	vsub.s32 $0x5F3759DF, v27;
	v8 =	vmul.f32 v29, v8  }
0x51: {  	s29 =	sadd.s32 $0xFFFFFFFE, s23;
	s22 =	simm.s32 @!p0 $0x0;
	v52 =	vsub.f32 $1.500000000e+00, v49;
	v53 =	vmul.f32 v27, v46;
	v31 =	vmul.f32 v24, v57  }
0x52: {  	p0 =	slt.u32 s29, $0x800;
	s26 =	smov.u32 s22;
	v25 =	vmul.f32 v36, v25;
	v28 =	vmul.f32 v8, v28  }
0x53: {  	s26 =	simm.s32 @!p0 $0x0;
	v51 =	vadd.f32 v48, v34;
	v26 =	vmul.f32 v26, v52;
	v55 =	vmul.f32 v27, v53  }
0x54: {  	v7 =	vmov s26;
	v31 =	vmul.f32 v31, v24;
	v25 =	vmul.f32 v25, v36  }
0x55: {  	v54 =	vmax.f32 v51, $1.000000020e-16;
	v28 =	vmul.f32 v28, v8;
	v34 =	vmul.f32 v26, v62  }
0x56: {  	v35 =	vsub.f32 $1.500000000e+00, v55;
	v50 =	vsub.f32 $1.500000000e+00, v31;
	v31 =	vshra.s32 v54, $0x1  }
0x57: {  	s29 =	sadd.s32 $0x1, s23;
	v29 =	vmul.f32 $5.000000000e-01, v54;
	v25 =	vsub.f32 $1.500000000e+00, v25;
	v31 =	vsub.s32 $0x5F3759DF, v31  }
0x58: {  	p0 =	slt.u32 s29, $0x800;
	s26 =	smov.u32 s22;
	v28 =	vsub.f32 $1.500000000e+00, v28;
	v34 =	vmul.f32 v34, v26;
	v27 =	vmul.f32 v27, v35  }
0x59: {  	s26 =	simm.s32 @!p0 $0x0;
	v24 =	vmul.f32 v50, v24;
	v56 =	vmul.f32 v31, v29  }
0x5a: {  	v25 =	vmul.f32 v25, v36;
	v28 =	vmul.f32 v28, v8;
	v8 =	vmov s26  }
0x5b: {  	s29 =	sadd.s32 $0xFFFFFFFD, s23;
	v34 =	vsub.f32 $1.500000000e+00, v34;
	v35 =	vmul.f32 v27, v46;
	v24 =	vmul.f32 v24, v7  }
0x5c: {  	p0 =	slt.u32 s29, $0x800;
	s29 =	sadd.s32 $0xFFFFFFFF, s23;
	s26 =	smov.u32 s22;
	v57 =	vmul.f32 v31, v56;
	v28 =	vmul.f32 v28, v8  }
0x5d: {  	s26 =	simm.s32 @!p0 $0x0;
	p0 =	slt.u32 s29, $0x800;
	s29 =	smov.u32 s22;
	v26 =	vmul.f32 v34, v26;
	v35 =	vmul.f32 v35, v27  }
0x5e: {  	s29 =	simm.s32 @!p0 $0x0;
	v58 =	vmul.f32 v24, v9;
	v30 =	vmul.f32 v24, v30  }
0x5f: {  	v9 =	vmov s26;
	v24 =	vmul.f32 v24, v10;
	v10 =	vmov s29  }
0x60: {  	v36 =	vsub.f32 $1.500000000e+00, v57;
	v26 =	vmul.f32 v26, v9;
	v25 =	vmul.f32 v25, v10  }
0x61: {  	v59 =	vmul.f32 v28, v11;
	v18 =	vmul.f32 v28, v18  }
0x62: {  	s23 =	sadd.s32 $0x2, s23;
	v13 =	vmul.f32 v28, v13;
	v31 =	vmul.f32 v31, v36  }
0x63: {  	p0 =	slt.u32 s23, $0x800;
	v11 =	vmov s22;
	v23 =	vmul.f32 v25, v23;
	v16 =	vmul.f32 v26, v16  }
0x64: {  	s22 =	simm.s32 @!p0 $0x0;
	v35 =	vsub.f32 $1.500000000e+00, v35;
	v60 =	vmul.f32 v26, v12;
	v29 =	vmul.f32 v31, v29  }
0x65: {  	v12 =	vmov s22;
	v19 =	vmul.f32 v26, v19;
	v16 =	vadd.f32 $0.0e+00, v16  }
0x66: {  	v27 =	vmul.f32 v35, v27;
	v61 =	vadd.f32 $0.0e+00, v60;
	v29 =	vmul.f32 v29, v31  }
0x67: {  	v14 =	vmul.f32 v25, v14;
	v19 =	vadd.f32 $0.0e+00, v19;
	v16 =	vadd.f32 v58, v16  }
0x68: {  	v27 =	vmul.f32 v27, v12;
	v26 =	vadd.f32 v30, v61;
	v29 =	vsub.f32 $1.500000000e+00, v29  }
0x69: {  	v15 =	vmul.f32 v25, v15;
	v19 =	vadd.f32 v24, v19;
	v14 =	vadd.f32 v14, v16  }
0x6a: {  	v20 =	vmul.f32 v27, v20;
	v23 =	vadd.f32 v23, v26;
	v62 =	vmul.f32 v29, v31  }
0x6b: {  	v17 =	vmul.f32 v27, v17;
	v15 =	vadd.f32 v15, v19;
	v14 =	vadd.f32 v59, v14  }
0x6c: {  	v19 =	vmul.f32 v27, v32;
	v18 =	vadd.f32 v18, v23;
	v16 =	vmul.f32 v62, v11  }
0x6d: {  	v15 =	vadd.f32 v13, v15;
	v13 =	vmov s25;
	v14 =	vadd.f32 v20, v14  }
0x6e: {  	v18 =	vadd.f32 v19, v18;
	v22 =	vmul.f32 v16, v22;
	v63 =	vmul.f32 v16, v44  }
0x6f: {  	v17 =	vadd.f32 v17, v15;
	v16 =	vmul.f32 v16, v21  }
0x70: {  	s22 =	simm.s32 $0x40;
	v15 =	vadd.f32 v22, v14;
	v14 =	vadd.f32 v63, v18  }
.LBB2_3:
0x71: {  	p0 =	sne.s32 s22, $0x1C0;
	v16 =	vadd.f32 v16, v17;
	s23 =	smov.u32 s22;
	s22 =	sadd.s32 $0x40, s22  }
0x72: {  	[tilespmem:v13+s21+$0x0 ss:$0x1] =	vst.idx.msk $0xffff, v15  }
0x73: {  	v15 =	vmul.f32 v15, v15;
	[tilespmem:v13+s21+$0x80 ss:$0x1] =	vst.idx.msk $0xffff, v16;
	v16 =	vmul.f32 v16, v16  }
0x74: {  	[tilespmem:v13+s21+$0x100 ss:$0x1] =	vst.idx.msk $0xffff, v14  }
0x75: {  	v14 =	vmul.f32 v14, v14;
	v15 =	vadd.f32 v16, v15;
	_ =	sdelay $0x1  }
0x76: {  	v14 =	vadd.f32 v15, v14;
	_ =	sdelay $0x1  }
0x77: {  	v15 =	vmax.f32 v14, $1.000000020e-16  }
0x78: {  	v16 =	vshra.s32 v15, $0x1;
	v15 =	vmul.f32 $5.000000000e-01, v15  }
0x79: {  	v16 =	vsub.s32 $0x5F3759DF, v16  }
0x7a: {  	v17 =	vmul.f32 v16, v15;
	_ =	sdelay $0x1  }
0x7b: {  	v17 =	vmul.f32 v16, v17;
	_ =	sdelay $0x1  }
0x7c: {  	v17 =	vsub.f32 $1.500000000e+00, v17;
	_ =	sdelay $0x1  }
0x7d: {  	v16 =	vmul.f32 v16, v17;
	_ =	sdelay $0x1  }
0x7e: {  	v15 =	vmul.f32 v16, v15;
	_ =	sdelay $0x1  }
0x7f: {  	v15 =	vmul.f32 v15, v16;
	_ =	sdelay $0x1  }
0x80: {  	v15 =	vsub.f32 $1.500000000e+00, v15;
	_ =	sdelay $0x1  }
0x81: {  	v15 =	vmul.f32 v15, v16;
	_ =	sdelay $0x1  }
0x82: {  	[tilespmem:v13+s21+$0x180 ss:$0x1] =	vst.idx.msk $0xffff, v15  }
0x83: {  	[tilespmem:v13+s21+$0x200 ss:$0x1] =	vst.idx.msk $0xffff, v14;
	s21 =	sshra.s32 s23, $0x2  }
0x84: {  	v31 =	vld.idx.msk [tilespmem:v0+s21+$0x0 ss:$0x1], $0xffff  }
0x85: {  	v17 =	vld.idx.msk [tilespmem:v2+s21+$0x100 ss:$0x1], $0xffff  }
0x86: {  	v15 =	vld.idx.msk [tilespmem:v1+s21+$0x80 ss:$0x1], $0xffff  }
0x87: {  	v20 =	vld.idx.msk [tilespmem:v2+s21+$0x80 ss:$0x1], $0xffff  }
0x88: {  	v18 =	vld.idx.msk [tilespmem:v3+s21+$0xFFFFFF80 ss:$0x1], $0xffff  }
0x89: {  	v14 =	vld.idx.msk [tilespmem:v2+s21+$0x0 ss:$0x1], $0xffff  }
0x8a: {  	v16 =	vld.idx.msk [tilespmem:v3+s21+$0xFFFFFF00 ss:$0x1], $0xffff  }
0x8b: {  	v19 =	vld.idx.msk [tilespmem:v4+s21+$0xFFFFFF00 ss:$0x1], $0xffff  }
0x8c: {  	v26 =	vld.idx.msk [tilespmem:v0+s21+$0xFFFFFF00 ss:$0x1], $0xffff  }
0x8d: {  	v27 =	vld.idx.msk [tilespmem:v0+s21+$0xFFFFFF80 ss:$0x1], $0xffff  }
0x8e: {  	v21 =	vld.idx.msk [tilespmem:v4+s21+$0x0 ss:$0x1], $0xffff  }
0x8f: {  	v22 =	vld.idx.msk [tilespmem:v1+s21+$0x100 ss:$0x1], $0xffff  }
0x90: {  	v28 =	vld.idx.msk [tilespmem:v4+s21+$0xFFFFFF80 ss:$0x1], $0xffff  }
0x91: {  	v29 =	vld.idx.msk [tilespmem:v3+s21+$0x0 ss:$0x1], $0xffff  }
0x92: {  	v24 =	vsub.f32 v16, v26;
	v14 =	vsub.f32 v14, v26;
	v32 =	vld.idx.msk [tilespmem:v1+s21+$0x0 ss:$0x1], $0xffff  }
0x93: {  	v16 =	vsub.f32 v19, v26;
	v23 =	vsub.f32 v18, v27  }
0x94: {  	v18 =	vsub.f32 v15, v27;
	v19 =	vsub.f32 v21, v31;
	v33 =	vmul.f32 v24, v24;
	v34 =	vld.idx.msk [tilespmem:v5+s21+$0x80 ss:$0x1], $0xffff  }
0x95: {  	v15 =	vsub.f32 v20, v27;
	v35 =	vmul.f32 v16, v16;
	v22 =	vsub.f32 v22, v31;
	v20 =	vld.idx.msk [tilespmem:v5+s21+$0x0 ss:$0x1], $0xffff  }
0x96: {  	v25 =	vsub.f32 v17, v31;
	v37 =	vmul.f32 v18, v18;
	v36 =	vmul.f32 v19, v19  }
0x97: {  	v17 =	vmul.f32 v23, v23;
	v30 =	vsub.f32 v29, v31;
	v38 =	vmul.f32 v22, v22  }
0x98: {  	v21 =	vsub.f32 v28, v27;
	v28 =	vmul.f32 v25, v25;
	v29 =	vsub.f32 v32, v26  }
0x99: {  	v39 =	vmul.f32 v14, v14;
	v32 =	vadd.f32 v17, v33;
	v33 =	vmul.f32 v30, v30;
	v40 =	vld.idx.msk [tilespmem:v6+s21+$0x80 ss:$0x1], $0xffff  }
0x9a: {  	v41 =	vmul.f32 v15, v15;
	v42 =	vmul.f32 v29, v29;
	v17 =	vsub.f32 v34, v27;
	v34 =	vld.idx.msk [tilespmem:v6+s21+$0x0 ss:$0x1], $0xffff  }
0x9b: {  	v43 =	vmul.f32 v21, v21;
	v32 =	vadd.f32 v33, v32;
	v20 =	vsub.f32 v20, v26  }
0x9c: {  	v33 =	vadd.f32 v41, v39;
	v37 =	vadd.f32 v37, v42;
	v41 =	vmul.f32 v17, v17;
	v39 =	vld.idx.msk [tilespmem:v5+s21+$0x100 ss:$0x1], $0xffff  }
0x9d: {  	v35 =	vadd.f32 v43, v35;
	v32 =	vmax.f32 v32, $1.000000020e-16;
	v42 =	vmul.f32 v20, v20  }
0x9e: {  	v33 =	vadd.f32 v28, v33;
	v43 =	vmul.f32 $5.000000000e-01, v32;
	v28 =	vadd.f32 v38, v37  }
0x9f: {  	v35 =	vadd.f32 v36, v35;
	v36 =	vadd.f32 v41, v42  }
0xa0: {  	v27 =	vsub.f32 v40, v27;
	v37 =	vmax.f32 v28, $1.000000020e-16;
	v26 =	vsub.f32 v34, v26  }
0xa1: {  	v34 =	vmax.f32 v35, $1.000000020e-16;
	v28 =	vshra.s32 v32, $0x1;
	v32 =	vshra.s32 v37, $0x1  }
0xa2: {  	v35 =	vsub.s32 $0x5F3759DF, v28;
	v32 =	vsub.s32 $0x5F3759DF, v32;
	v28 =	vsub.f32 v39, v31  }
0xa3: {  	v33 =	vmax.f32 v33, $1.000000020e-16;
	v40 =	vmul.f32 v27, v27;
	v38 =	vmul.f32 v35, v43;
	v39 =	vld.idx.msk [tilespmem:v6+s21+$0x100 ss:$0x1], $0xffff  }
0xa4: {  	v42 =	vshra.s32 v33, $0x1;
	v33 =	vmul.f32 $5.000000000e-01, v33;
	v41 =	vmul.f32 $5.000000000e-01, v34  }
0xa5: {  	v42 =	vsub.s32 $0x5F3759DF, v42;
	v38 =	vmul.f32 v35, v38;
	v44 =	vmul.f32 v28, v28  }
0xa6: {  	v34 =	vshra.s32 v34, $0x1;
	v37 =	vmul.f32 $5.000000000e-01, v37;
	v45 =	vmul.f32 v42, v33  }
0xa7: {  	v34 =	vsub.s32 $0x5F3759DF, v34;
	v46 =	vmul.f32 v26, v26;
	v38 =	vsub.f32 $1.500000000e+00, v38  }
0xa8: {  	v47 =	vmul.f32 v32, v37;
	v45 =	vmul.f32 v42, v45;
	v36 =	vadd.f32 v44, v36  }
0xa9: {  	v35 =	vmul.f32 v35, v38;
	v31 =	vsub.f32 v39, v31  }
0xaa: {  	v38 =	vmul.f32 v32, v47;
	v36 =	vmax.f32 v36, $1.000000020e-16;
	v39 =	vadd.f32 v40, v46  }
0xab: {  	v44 =	vmul.f32 $5.000000000e-01, v36;
	v40 =	vmul.f32 v35, v43;
	v43 =	vsub.f32 $1.500000000e+00, v45  }
0xac: {  	v45 =	vmul.f32 v34, v41;
	v38 =	vsub.f32 $1.500000000e+00, v38;
	v46 =	vmul.f32 v31, v31  }
0xad: {  	v36 =	vshra.s32 v36, $0x1;
	v40 =	vmul.f32 v40, v35;
	v42 =	vmul.f32 v42, v43  }
0xae: {  	v36 =	vsub.s32 $0x5F3759DF, v36;
	v43 =	vmul.f32 v34, v45;
	v32 =	vmul.f32 v32, v38  }
0xaf: {  	v39 =	vadd.f32 v46, v39;
	v38 =	vsub.f32 $1.500000000e+00, v40;
	v33 =	vmul.f32 v42, v33  }
0xb0: {  	v40 =	vsub.f32 $1.500000000e+00, v43;
	v37 =	vmul.f32 v32, v37;
	v43 =	vmul.f32 v36, v44  }
0xb1: {  	v35 =	vmul.f32 v38, v35;
	v38 =	vmax.f32 v39, $1.000000020e-16  }
0xb2: {  	v34 =	vmul.f32 v34, v40;
	v37 =	vmul.f32 v37, v32;
	v39 =	vshra.s32 v38, $0x1  }
0xb3: {  	v33 =	vmul.f32 v33, v42;
	v38 =	vmul.f32 $5.000000000e-01, v38;
	v39 =	vsub.s32 $0x5F3759DF, v39  }
0xb4: {  	v40 =	vmul.f32 v34, v41;
	v35 =	vmul.f32 v35, v7;
	v37 =	vsub.f32 $1.500000000e+00, v37  }
0xb5: {  	v33 =	vsub.f32 $1.500000000e+00, v33;
	v41 =	vmul.f32 v36, v43;
	v43 =	vmul.f32 v39, v38  }
0xb6: {  	v40 =	vmul.f32 v40, v34;
	v32 =	vmul.f32 v37, v32  }
0xb7: {  	v33 =	vmul.f32 v33, v42;
	v37 =	vsub.f32 $1.500000000e+00, v41;
	v41 =	vmul.f32 v39, v43  }
0xb8: {  	v24 =	vmul.f32 v35, v24;
	v40 =	vsub.f32 $1.500000000e+00, v40;
	v32 =	vmul.f32 v32, v8  }
0xb9: {  	v30 =	vmul.f32 v35, v30;
	v41 =	vsub.f32 $1.500000000e+00, v41  }
0xba: {  	v23 =	vmul.f32 v35, v23;
	v34 =	vmul.f32 v40, v34  }
0xbb: {  	v35 =	vmul.f32 v36, v37;
	v36 =	vmul.f32 v39, v41  }
0xbc: {  	v33 =	vmul.f32 v33, v10;
	v34 =	vmul.f32 v34, v9  }
0xbd: {  	v29 =	vmul.f32 v32, v29;
	v37 =	vmul.f32 v35, v44  }
0xbe: {  	v25 =	vmul.f32 v33, v25;
	v38 =	vmul.f32 v36, v38  }
0xbf: {  	v22 =	vmul.f32 v32, v22;
	v19 =	vmul.f32 v34, v19  }
0xc0: {  	v18 =	vmul.f32 v32, v18;
	v32 =	vmul.f32 v37, v35  }
0xc1: {  	v37 =	vmul.f32 v38, v36;
	v19 =	vadd.f32 $0.0e+00, v19  }
0xc2: {  	v14 =	vmul.f32 v33, v14;
	v16 =	vmul.f32 v34, v16;
	v32 =	vsub.f32 $1.500000000e+00, v32  }
0xc3: {  	v21 =	vmul.f32 v34, v21;
	v19 =	vadd.f32 v30, v19;
	v30 =	vsub.f32 $1.500000000e+00, v37  }
0xc4: {  	v16 =	vadd.f32 $0.0e+00, v16;
	v32 =	vmul.f32 v32, v35  }
0xc5: {  	v15 =	vmul.f32 v33, v15;
	v21 =	vadd.f32 $0.0e+00, v21;
	v30 =	vmul.f32 v30, v36  }
0xc6: {  	v16 =	vadd.f32 v24, v16;
	v24 =	vmul.f32 v32, v12;
	v19 =	vadd.f32 v25, v19  }
0xc7: {  	v21 =	vadd.f32 v23, v21;
	v23 =	vmul.f32 v30, v11  }
0xc8: {  	v14 =	vadd.f32 v14, v16;
	v20 =	vmul.f32 v24, v20;
	v17 =	vmul.f32 v24, v17  }
0xc9: {  	v15 =	vadd.f32 v15, v21;
	v21 =	vmul.f32 v23, v26;
	v16 =	vmul.f32 v23, v27  }
.Ltmp0:
0xca: {  	v14 =	vadd.f32 v29, v14;
	v19 =	vadd.f32 v22, v19;
	v22 =	vmul.f32 v24, v28;
	(pc) =	sbr.rel @p0 .LBB2_3-.Ltmp0, $4  }
0xcb: {  	v15 =	vadd.f32 v18, v15;
	v18 =	vmul.f32 v23, v31  }
0xcc: {  	v14 =	vadd.f32 v20, v14;
	v19 =	vadd.f32 v22, v19  }
0xcd: {  	v17 =	vadd.f32 v17, v15  }
0xce: {  	v15 =	vadd.f32 v21, v14;
	v14 =	vadd.f32 v18, v19  }
0xcf: {  	v0 =	vadd.f32 v16, v17;
	_ =	sdelay $0x1  }
0xd0: {  	v1 =	vmul.f32 v15, v15;
	v2 =	vmul.f32 v0, v0;
	_ =	sdelay $0x1  }
0xd1: {  	v62 =	vmul.f32 v14, v14;
	v1 =	vadd.f32 v2, v1;
	_ =	sdelay $0x1  }
0xd2: {  	v1 =	vadd.f32 v1, v62;
	_ =	sdelay $0x1  }
0xd3: {  	v2 =	vmax.f32 v1, $1.000000020e-16  }
0xd4: {  	v3 =	vshra.s32 v2, $0x1;
	v2 =	vmul.f32 $5.000000000e-01, v2  }
0xd5: {  	v3 =	vsub.s32 $0x5F3759DF, v3  }
0xd6: {  	v4 =	vmul.f32 v3, v2;
	_ =	sdelay $0x1  }
0xd7: {  	v4 =	vmul.f32 v3, v4;
	_ =	sdelay $0x1  }
0xd8: {  	v4 =	vsub.f32 $1.500000000e+00, v4;
	_ =	sdelay $0x1  }
0xd9: {  	v3 =	vmul.f32 v3, v4;
	_ =	sdelay $0x1  }
0xda: {  	v2 =	vmul.f32 v3, v2;
	_ =	sdelay $0x1  }
0xdb: {  	v2 =	vmul.f32 v2, v3  }
0xdc: {  	s19 =	sadd.s32 $0x1, s19  }
0xdd: {  	p0 =	sne.s32 s19, $0x16;
	v2 =	vsub.f32 $1.500000000e+00, v2  }
.Ltmp1:
0xde: {  	[tilespmem:v13+s21+$0x0 ss:$0x1] =	vst.idx.msk $0xffff, v15;
	(pc) =	sbr.rel @p0 .LBB2_2-.Ltmp1, $4  }
0xdf: {  	[tilespmem:v13+s21+$0x100 ss:$0x1] =	vst.idx.msk $0xffff, v14;
	v63 =	vmul.f32 v2, v3  }
0xe0: {  	s25 =	sadd.s32 $0x280, s25;
	s12 =	sadd.s32 $0x1, s12;
	[tilespmem:v13+s21+$0x80 ss:$0x1] =	vst.idx.msk $0xffff, v0  }
0xe1: {  	s13 =	sadd.s32 $0x1, s13;
	s31 =	sadd.s32 $0x1, s31;
	s30 =	sadd.s32 $0x1, s30;
	[tilespmem:v13+s21+$0x180 ss:$0x1] =	vst.idx.msk $0xffff, v63  }
0xe2: {  	s16 =	sadd.s32 $0x1, s16;
	s28 =	sadd.s32 $0x1, s28;
	s18 =	sadd.s32 $0x1, s18;
	[tilespmem:v13+s21+$0x200 ss:$0x1] =	vst.idx.msk $0xffff, v1  }
0xe3: {  	s12 =	simm.s32 $0x0  }
0xe4: {  	s13 =	simm.s32 $0x8400;
	s19 =	simm.s32 $0x7800;
	s21 =	simm.s32 $0x4500  }
.LBB2_6:
0xe5: {  	s16 =	sshll.u32 s12, $0x4  }
0xe6: {  	v0 =	vld [tilespmem:s16+$0x9000]  }
0xe7: {  	v1 =	vld [tilespmem:s16+$0x9080]  }
0xe8: {  	v2 =	vld [tilespmem:s16+$0x9100]  }
0xe9: {  	v8 =	vimm.f32 $0.0e+00;
	v10 =	vimm.f32 $0.0e+00;
	v3 =	vld [tilespmem:s16+$0x9180]  }
0xea: {  	v9 =	vimm.f32 $0.0e+00;
	s29 =	smov.u32 s21;
	v11 =	vimm.f32 $0.0e+00;
	v12 =	vimm.f32 $0.0e+00;
	s18 =	sadd.s32 $0x3000, s16;
	v5 =	vld [tilespmem:s16+$0x9200]  }
0xeb: {  	s25 =	smov.u32 s19;
	s26 =	smov.u32 s13;
	v13 =	vimm.f32 $0.0e+00;
	s28 =	simm.s32 $0x0;
	v4 =	vmov s16;
	v7 =	vld [tilespmem:s16+$0x9280];
	v6 =	vmov s18  }
.LBB2_7:
0xec: {  	s23 =	sadd.s32 s28, s9  }
0xed: {  	s16 =	sadd.s32 $0x5, s23  }
0xee: {  	s22 =	sadd.s32 $0xFFFFFFFD, s23;
	p0 =	sgt.s32 s16, $0x0  }
0xef: {  	s18 =	smov.u32 s22;
	s16 =	simm.s32 @!p0 $0x0;
	p0 =	sgt.s32 s22, $0xFFFFFFF7  }
0xf0: {  	s30 =	smin.u32 s16, $0x1F;
	s18 =	simm.s32 @!p0 $0xFFFFFFF7  }
0xf1: {  	s16 =	smul.u32 $0x600, s30;
	s18 =	sadd.s32 $0x9, s18  }
0xf2: {  	s31 =	smin.u32 s18, $0x1F  }
0xf3: {  	s16 =	sshrl.u32 s16, $0x2;
	s18 =	smul.u32 $0x600, s31  }
0xf4: {  	v21 =	vld.idx.msk [tilespmem:v4+s16+$0x0 ss:$0x1], $0xffff  }
0xf5: {  	v22 =	vld.idx.msk [tilespmem:v4+s16+$0x80 ss:$0x1], $0xffff;
	s18 =	sshrl.u32 s18, $0x2  }
0xf6: {  	v14 =	vld.idx.msk [tilespmem:v4+s18+$0x0 ss:$0x1], $0xffff  }
0xf7: {  	v15 =	vld.idx.msk [tilespmem:v4+s18+$0x80 ss:$0x1], $0xffff  }
0xf8: {  	v23 =	vld.idx.msk [tilespmem:v4+s16+$0x100 ss:$0x1], $0xffff  }
0xf9: {  	v16 =	vld.idx.msk [tilespmem:v4+s18+$0x100 ss:$0x1], $0xffff;
	_ =	sdelay $0x2  }
0xfa: {  	v17 =	vsub.f32 v14, v21;
	v18 =	vsub.f32 v15, v22;
	_ =	sdelay $0x1  }
0xfb: {  	v19 =	vsub.f32 v16, v23;
	v14 =	vmul.f32 v17, v17;
	v15 =	vmul.f32 v18, v18;
	_ =	sdelay $0x1  }
0xfc: {  	v14 =	vadd.f32 v15, v14;
	v15 =	vmul.f32 v19, v19;
	_ =	sdelay $0x1  }
0xfd: {  	v14 =	vadd.f32 v15, v14;
	_ =	sdelay $0x1  }
0xfe: {  	v14 =	vmax.f32 v14, $1.000000020e-16  }
0xff: {  	v15 =	vshra.s32 v14, $0x1;
	v20 =	vmul.f32 $5.000000000e-01, v14  }
0x100: {  	v32 =	vsub.s32 $0x5F3759DF, v15  }
0x101: {  	v14 =	vmul.f32 v32, v20;
	_ =	sdelay $0x1  }
0x102: {  	v25 =	vld [tilespmem:s29+$0xFFFFFD80];
	v15 =	vmul.f32 v32, v14  }
0x103: {  	v14 =	vld [tilespmem:s29+$0xFFFFFB00]  }
0x104: {  	v24 =	vsub.f32 $1.500000000e+00, v15;
	v15 =	vld [tilespmem:s29+$0xFFFFFB80]  }
0x105: {  	v26 =	vld [tilespmem:s29+$0xFFFFFE00]  }
0x106: {  	v16 =	vld [tilespmem:s29+$0xFFFFFC00];
	v24 =	vmul.f32 v32, v24  }
0x107: {  	v27 =	vld [tilespmem:s29+$0xFFFFFE80]  }
0x108: {  	v28 =	vmul.f32 v17, v14;
	v20 =	vmul.f32 v24, v20  }
0x109: {  	v17 =	vmul.f32 v25, v17;
	v29 =	vmul.f32 v18, v15  }
0x10a: {  	v18 =	vmul.f32 v26, v18;
	v20 =	vmul.f32 v20, v24  }
0x10b: {  	v33 =	vmul.f32 v19, v16;
	v28 =	vadd.f32 v29, v28  }
0x10c: {  	v19 =	vmul.f32 v27, v19;
	v17 =	vadd.f32 v18, v17;
	v20 =	vsub.f32 $1.500000000e+00, v20;
	_ =	sdelay $0x1  }
0x10d: {  	v35 =	vld [tilespmem:s29+$0xFFFFFF80];
	v34 =	vadd.f32 v33, v28;
	v17 =	vadd.f32 v19, v17;
	v20 =	vmul.f32 v20, v24  }
0x10e: {  	v18 =	vld [tilespmem:s29+$0xFFFFFD00]  }
0x10f: {  	v24 =	vmul.f32 v20, v34;
	v20 =	vmul.f32 v20, v17;
	_ =	sdelay $0x1  }
0x110: {  	v36 =	vmul.f32 v24, v24;
	v37 =	vmul.f32 v20, v20;
	_ =	sdelay $0x1  }
0x111: {  	v17 =	vsub.f32 v18, v36;
	v19 =	vsub.f32 v35, v37;
	_ =	sdelay $0x1  }
0x112: {  	v17 =	vmax.f32 v17, $1.000000020e-16;
	v19 =	vmax.f32 v19, $1.000000020e-16  }
0x113: {  	v17 =	vmul.f32 v19, v17;
	_ =	sdelay $0x1  }
0x114: {  	p0 =	sgt.s32 s22, $0xFFFFFFF6;
	v19 =	vshra.s32 v17, $0x1;
	v17 =	vmul.f32 $5.000000000e-01, v17  }
0x115: {  	s22 =	simm.s32 @!p0 $0xFFFFFFF6;
	v19 =	vsub.s32 $0x5F3759DF, v19  }
0x116: {  	s22 =	sadd.s32 $0xA, s22;
	v38 =	vmul.f32 v19, v17  }
0x117: {  	s22 =	smin.u32 s22, $0x1F  }
0x118: {  	s16 =	smul.u32 $0x600, s22;
	v28 =	vmul.f32 v19, v38;
	_ =	sdelay $0x1  }
0x119: {  	s16 =	sshrl.u32 s16, $0x2;
	v28 =	vsub.f32 $1.500000000e+00, v28  }
0x11a: {  	v39 =	vld.idx.msk [tilespmem:v4+s16+$0x0 ss:$0x1], $0xffff  }
0x11b: {  	v41 =	vld.idx.msk [tilespmem:v4+s16+$0x80 ss:$0x1], $0xffff;
	v19 =	vmul.f32 v19, v28  }
0x11c: {  	v25 =	vmul.f32 v25, v14  }
0x11d: {  	v30 =	vld.idx.msk [tilespmem:v4+s16+$0x100 ss:$0x1], $0xffff;
	v26 =	vmul.f32 v26, v15;
	v17 =	vmul.f32 v19, v17;
	_ =	sdelay $0x1  }
0x11e: {  	v40 =	vmul.f32 v27, v16;
	v25 =	vadd.f32 v26, v25;
	v17 =	vmul.f32 v17, v19  }
0x11f: {  	v44 =	vsub.f32 v39, v21;
	v27 =	vsub.f32 v41, v22  }
0x120: {  	v25 =	vadd.f32 v40, v25;
	v42 =	vmul.f32 v20, v24;
	v43 =	vsub.f32 $1.500000000e+00, v17  }
0x121: {  	v45 =	vsub.f32 v30, v23;
	v46 =	vmul.f32 v27, v27;
	v17 =	vld [tilespmem:s29+$0xFFFFFC80]  }
0x122: {  	v25 =	vsub.f32 v25, v42;
	v28 =	vmul.f32 v44, v44;
	v19 =	vmul.f32 v43, v19;
	_ =	sdelay $0x1  }
0x123: {  	v47 =	vmul.f32 v45, v45;
	v28 =	vadd.f32 v46, v28;
	v19 =	vmul.f32 v19, v25;
	_ =	sdelay $0x1  }
0x124: {  	v28 =	vadd.f32 v47, v28;
	v24 =	vmul.f32 v24, v17;
	v19 =	vmin.f32 v19, $1.000000000e+00  }
0x125: {  	v19 =	vmax.f32 v19, $-1.000000000e+00  }
0x126: {  	v28 =	vmax.f32 v28, $1.000000020e-16;
	v24 =	vmin.f32 v24, $1.000000000e+00;
	v48 =	vmul.f32 v19, v1  }
0x127: {  	v31 =	vshra.s32 v28, $0x1;
	v24 =	vmax.f32 v24, $-1.000000000e+00  }
0x128: {  	v28 =	vmul.f32 $5.000000000e-01, v28;
	v50 =	vmul.f32 v24, v0;
	v49 =	vadd.f32 v48, v2  }
0x129: {  	v31 =	vsub.s32 $0x5F3759DF, v31  }
0x12a: {  	v32 =	vld [tilespmem:s29+$0xFFFFFF00];
	v33 =	vmul.f32 v31, v28;
	v30 =	vadd.f32 v49, v50;
	_ =	sdelay $0x1  }
0x12b: {  	v33 =	vmul.f32 v31, v33;
	v30 =	vsub.f32 $0.0e+00, v30;
	_ =	sdelay $0x1  }
0x12c: {  	v53 =	vld [tilespmem:s29+$0x0];
	v51 =	vsub.f32 $1.500000000e+00, v33;
	v30 =	vmul.f32 $1.442695020e+00, v30  }
0x12d: {  	v20 =	vmul.f32 v20, v32  }
0x12e: {  	v54 =	vld [tilespmem:s29+$0x80];
	v52 =	vmul.f32 v31, v51;
	(erf) = vpow2.f32 v30  }
0x12f: {  	v20 =	vsub.f32 $0.0e+00, v20  }
0x130: {  	v55 =	vld [tilespmem:s29+$0x100];
	v28 =	vmul.f32 v52, v28  }
0x131: {  	v26 =	vmul.f32 v53, v44;
	v35 =	vmul.f32 v44, v14;
	v20 =	vmin.f32 v20, $1.000000000e+00  }
0x132: {  	v36 =	vmul.f32 v27, v15;
	v20 =	vmax.f32 v20, $-1.000000000e+00;
	v28 =	vmul.f32 v28, v52  }
0x133: {  	v27 =	vmul.f32 v54, v27;
	v34 =	vmul.f32 v20, v0  }
0x134: {  	v58 =	vmul.f32 v45, v16;
	v56 =	vadd.f32 v36, v35;
	v28 =	vsub.f32 $1.500000000e+00, v28  }
0x135: {  	v26 =	vadd.f32 v27, v26;
	v25 =	vmul.f32 v55, v45;
	v29 =	vadd.f32 v49, v34  }
0x136: {  	v60 =	vadd.f32 v58, v56;
	v28 =	vmul.f32 v28, v52  }
0x137: {  	v25 =	vadd.f32 v25, v26;
	v29 =	vsub.f32 $0.0e+00, v29;
	v57 =	vpop (erf)  }
0x138: {  	v62 =	vld [tilespmem:s29+$0x200];
	v63 =	vmul.f32 v28, v60;
	v59 =	vadd.f32 $1.000000000e+00, v57  }
0x139: {  	v61 =	vmul.f32 $1.442695020e+00, v29;
	v25 =	vmul.f32 v28, v25  }
0x13a: {  	v36 =	vmul.f32 v63, v63;
	(erf) = vrcp.f32 v59  }
0x13b: {  	v28 =	vmul.f32 v25, v25;
	(erf) = vpow2.f32 v61;
	_ =	sdelay $0x1  }
0x13c: {  	v26 =	vsub.f32 v18, v36;
	v27 =	vsub.f32 v62, v28  }
0x13d: {  	v19 =	vmul.f32 v19, v5  }
0x13e: {  	v39 =	vmax.f32 v26, $1.000000020e-16;
	v40 =	vmax.f32 v27, $1.000000020e-16  }
0x13f: {  	v38 =	vmul.f32 v24, v3;
	v37 =	vadd.f32 v19, v7;
	v24 =	vmul.f32 v40, v39  }
0x140: {  	s16 =	sadd.s32 $0x8, s23  }
0x141: {  	p0 =	sgt.s32 s16, $0x0;
	v41 =	vadd.f32 v37, v38;
	v42 =	vshra.s32 v24, $0x1;
	v24 =	vmul.f32 $5.000000000e-01, v24  }
0x142: {  	s16 =	simm.s32 @!p0 $0x0;
	v27 =	vsub.s32 $0x5F3759DF, v42;
	v19 =	vpop (erf)  }
0x143: {  	s23 =	smin.u32 s16, $0x1F;
	v26 =	vsub.f32 $0.0e+00, v41;
	v44 =	vmul.f32 v27, v24;
	v43 =	vpop (erf)  }
0x144: {  	s16 =	smul.u32 $0x600, s23;
	v30 =	vadd.f32 $1.000000000e+00, v43  }
0x145: {  	v26 =	vmul.f32 $1.442695020e+00, v26;
	v45 =	vmul.f32 v27, v44  }
0x146: {  	s16 =	sshrl.u32 s16, $0x2;
	(erf) = vrcp.f32 v30  }
0x147: {  	v50 =	vld.idx.msk [tilespmem:v4+s16+$0x0 ss:$0x1], $0xffff;
	v46 =	vsub.f32 $1.500000000e+00, v45;
	(erf) = vpow2.f32 v26;
	_ =	sdelay $0x1  }
0x148: {  	v26 =	vmul.f32 v27, v46  }
0x149: {  	v47 =	vmul.f32 v53, v14  }
0x14a: {  	v48 =	vmul.f32 v54, v15;
	v52 =	vld.idx.msk [tilespmem:v4+s16+$0x80 ss:$0x1], $0xffff;
	v24 =	vmul.f32 v26, v24  }
0x14b: {  	v49 =	vmul.f32 v20, v3;
	v56 =	vsub.f32 v50, v21  }
0x14c: {  	v51 =	vmul.f32 v55, v16;
	v55 =	vld.idx.msk [tilespmem:v4+s16+$0x100 ss:$0x1], $0xffff;
	v27 =	vadd.f32 v48, v47;
	v24 =	vmul.f32 v24, v26  }
0x14d: {  	v58 =	vmul.f32 v56, v56;
	v28 =	vadd.f32 v37, v49  }
0x14e: {  	v54 =	vmul.f32 v25, v63;
	v27 =	vadd.f32 v51, v27;
	v24 =	vsub.f32 $1.500000000e+00, v24;
	v20 =	vpop (erf)  }
0x14f: {  	v60 =	vmul.f32 v63, v17;
	v22 =	vsub.f32 v52, v22;
	v28 =	vsub.f32 $0.0e+00, v28;
	v53 =	vpop (erf)  }
0x150: {  	v27 =	vsub.f32 v27, v54;
	v24 =	vmul.f32 v24, v26;
	v31 =	vadd.f32 $1.000000000e+00, v53  }
0x151: {  	v23 =	vsub.f32 v55, v23;
	v57 =	vmul.f32 $1.442695020e+00, v28;
	v59 =	vmul.f32 v22, v22  }
0x152: {  	v24 =	vmul.f32 v24, v27;
	(erf) = vrcp.f32 v31  }
0x153: {  	v61 =	vmul.f32 v23, v23;
	v27 =	vadd.f32 v59, v58;
	(erf) = vpow2.f32 v57  }
0x154: {  	v24 =	vmin.f32 v24, $1.000000000e+00  }
0x155: {  	v21 =	vmin.f32 v60, $1.000000000e+00;
	v27 =	vadd.f32 v61, v27;
	v24 =	vmax.f32 v24, $-1.000000000e+00  }
0x156: {  	v63 =	vmax.f32 v21, $-1.000000000e+00;
	v62 =	vmul.f32 v24, v1  }
0x157: {  	v21 =	vmul.f32 v63, v0;
	v27 =	vmax.f32 v27, $1.000000020e-16  }
0x158: {  	v38 =	vshra.s32 v27, $0x1;
	v27 =	vmul.f32 $5.000000000e-01, v27;
	v29 =	vadd.f32 v62, v2  }
0x159: {  	v30 =	vsub.s32 $0x5F3759DF, v38  }
0x15a: {  	v39 =	vld [tilespmem:s29+$0x180];
	v41 =	vmul.f32 v30, v27;
	v40 =	vadd.f32 v29, v21  }
0x15b: {  	v21 =	vpop (erf)  }
0x15c: {  	v33 =	vmul.f32 v30, v41;
	v32 =	vsub.f32 $0.0e+00, v40;
	v42 =	vpop (erf)  }
0x15d: {  	v34 =	vadd.f32 $1.000000000e+00, v42  }
0x15e: {  	v45 =	vld [tilespmem:s29+$0x300];
	v43 =	vsub.f32 $1.500000000e+00, v33;
	v32 =	vmul.f32 $1.442695020e+00, v32  }
0x15f: {  	v25 =	vmul.f32 v25, v39;
	(erf) = vrcp.f32 v34  }
0x160: {  	v44 =	vld [tilespmem:s29+$0x280];
	v30 =	vmul.f32 v30, v43;
	(erf) = vpow2.f32 v32  }
0x161: {  	v25 =	vsub.f32 $0.0e+00, v25  }
0x162: {  	v46 =	vld [tilespmem:s29+$0x380];
	v27 =	vmul.f32 v30, v27  }
0x163: {  	v49 =	vmul.f32 v22, v15;
	v25 =	vmin.f32 v25, $1.000000000e+00;
	v50 =	vmul.f32 v45, v22  }
0x164: {  	v25 =	vmax.f32 v25, $-1.000000000e+00;
	v48 =	vmul.f32 v56, v14;
	v27 =	vmul.f32 v27, v30  }
0x165: {  	v47 =	vmul.f32 v25, v0;
	v26 =	vmul.f32 v44, v56  }
0x166: {  	v37 =	vmul.f32 v23, v16;
	v35 =	vadd.f32 v49, v48;
	v27 =	vsub.f32 $1.500000000e+00, v27  }
0x167: {  	v23 =	vmul.f32 v46, v23;
	v26 =	vadd.f32 v50, v26;
	v29 =	vadd.f32 v29, v47  }
0x168: {  	v53 =	vadd.f32 v37, v35;
	v27 =	vmul.f32 v27, v30;
	v22 =	vpop (erf)  }
0x169: {  	v23 =	vadd.f32 v23, v26;
	v29 =	vsub.f32 $0.0e+00, v29;
	v51 =	vpop (erf)  }
0x16a: {  	v55 =	vld [tilespmem:s29+$0x480];
	v30 =	vmul.f32 v27, v53;
	v52 =	vadd.f32 $1.000000000e+00, v51  }
0x16b: {  	v54 =	vmul.f32 $1.442695020e+00, v29;
	v23 =	vmul.f32 v27, v23  }
0x16c: {  	v56 =	vmul.f32 v30, v30;
	(erf) = vrcp.f32 v52  }
0x16d: {  	v27 =	vmul.f32 v23, v23;
	(erf) = vpow2.f32 v54;
	_ =	sdelay $0x1  }
0x16e: {  	v18 =	vsub.f32 v18, v56;
	v57 =	vsub.f32 v55, v27  }
0x16f: {  	v24 =	vmul.f32 v24, v5  }
0x170: {  	v18 =	vmax.f32 v18, $1.000000020e-16;
	v26 =	vmax.f32 v57, $1.000000020e-16  }
0x171: {  	v58 =	vmul.f32 v63, v3;
	v24 =	vadd.f32 v24, v7;
	v18 =	vmul.f32 v26, v18;
	_ =	sdelay $0x1  }
0x172: {  	v59 =	vadd.f32 v24, v58;
	v60 =	vshra.s32 v18, $0x1;
	v18 =	vmul.f32 $5.000000000e-01, v18  }
0x173: {  	v27 =	vsub.s32 $0x5F3759DF, v60;
	v61 =	vpop (erf)  }
0x174: {  	v26 =	vsub.f32 $0.0e+00, v59;
	v63 =	vmul.f32 v27, v18;
	v62 =	vpop (erf)  }
0x175: {  	v29 =	vadd.f32 $1.000000000e+00, v62  }
0x176: {  	v26 =	vmul.f32 $1.442695020e+00, v26;
	v34 =	vmul.f32 v27, v63  }
0x177: {  	(erf) = vrcp.f32 v29  }
0x178: {  	v29 =	vsub.f32 $1.500000000e+00, v34;
	(erf) = vpow2.f32 v26;
	_ =	sdelay $0x1  }
0x179: {  	v26 =	vmul.f32 v27, v29  }
0x17a: {  	v15 =	vmul.f32 v45, v15  }
0x17b: {  	v14 =	vmul.f32 v44, v14;
	v18 =	vmul.f32 v26, v18  }
0x17c: {  	v25 =	vmul.f32 v25, v3  }
0x17d: {  	v14 =	vadd.f32 v15, v14;
	v15 =	vmul.f32 v46, v16;
	v32 =	vmul.f32 v18, v26  }
0x17e: {  	v33 =	vadd.f32 v24, v25  }
0x17f: {  	v14 =	vadd.f32 v15, v14;
	v15 =	vmul.f32 v23, v30;
	v16 =	vsub.f32 $1.500000000e+00, v32;
	v34 =	vpop (erf)  }
0x180: {  	v18 =	vsub.f32 $0.0e+00, v33;
	v35 =	vpop (erf)  }
0x181: {  	v14 =	vsub.f32 v14, v15;
	v15 =	vmul.f32 v16, v26;
	v25 =	vadd.f32 $1.000000000e+00, v35  }
0x182: {  	v36 =	vmul.f32 $1.442695020e+00, v18  }
0x183: {  	v14 =	vmul.f32 v15, v14;
	(erf) = vrcp.f32 v25  }
0x184: {  	(erf) = vpow2.f32 v36  }
0x185: {  	v15 =	vmul.f32 v30, v17;
	v14 =	vmin.f32 v14, $1.000000000e+00  }
0x186: {  	v14 =	vmax.f32 v14, $-1.000000000e+00  }
0x187: {  	v15 =	vmin.f32 v15, $1.000000000e+00;
	v37 =	vmul.f32 v14, v1  }
0x188: {  	v15 =	vmax.f32 v15, $-1.000000000e+00  }
0x189: {  	v38 =	vmul.f32 v15, v0;
	v16 =	vadd.f32 v37, v2;
	_ =	sdelay $0x1  }
0x18a: {  	v39 =	vld [tilespmem:s29+$0x400];
	v17 =	vadd.f32 v16, v38  }
0x18b: {  	v25 =	vpop (erf)  }
0x18c: {  	v17 =	vsub.f32 $0.0e+00, v17;
	v40 =	vpop (erf)  }
0x18d: {  	v26 =	vadd.f32 $1.000000000e+00, v40  }
0x18e: {  	v17 =	vmul.f32 $1.442695020e+00, v17  }
0x18f: {  	v18 =	vmul.f32 v23, v39;
	(erf) = vrcp.f32 v26  }
0x190: {  	(erf) = vpow2.f32 v17  }
0x191: {  	v41 =	vsub.f32 $0.0e+00, v18;
	_ =	sdelay $0x1  }
0x192: {  	v17 =	vmin.f32 v41, $1.000000000e+00  }
0x193: {  	v17 =	vmax.f32 v17, $-1.000000000e+00  }
0x194: {  	v42 =	vmul.f32 v17, v0;
	_ =	sdelay $0x1  }
0x195: {  	v16 =	vadd.f32 v16, v42  }
0x196: {  	v43 =	vpop (erf)  }
0x197: {  	v16 =	vsub.f32 $0.0e+00, v16;
	v44 =	vpop (erf)  }
0x198: {  	v23 =	vadd.f32 $1.000000000e+00, v44  }
0x199: {  	v16 =	vmul.f32 $1.442695020e+00, v16  }
0x19a: {  	(erf) = vrcp.f32 v23  }
0x19b: {  	(erf) = vpow2.f32 v16;
	_ =	sdelay $0x2  }
0x19c: {  	v14 =	vmul.f32 v14, v5;
	_ =	sdelay $0x1  }
0x19d: {  	v15 =	vmul.f32 v15, v3;
	v14 =	vadd.f32 v14, v7;
	_ =	sdelay $0x1  }
0x19e: {  	v15 =	vadd.f32 v14, v15  }
0x19f: {  	v45 =	vpop (erf)  }
0x1a0: {  	v15 =	vsub.f32 $0.0e+00, v15;
	v46 =	vpop (erf)  }
0x1a1: {  	v23 =	vadd.f32 $1.000000000e+00, v46  }
0x1a2: {  	v15 =	vmul.f32 $1.442695020e+00, v15  }
0x1a3: {  	(erf) = vrcp.f32 v23  }
0x1a4: {  	(erf) = vpow2.f32 v15;
	_ =	sdelay $0x3  }
0x1a5: {  	v15 =	vmul.f32 v17, v3;
	_ =	sdelay $0x2  }
0x1a6: {  	v14 =	vadd.f32 v14, v15  }
0x1a7: {  	v15 =	vpop (erf)  }
0x1a8: {  	v14 =	vsub.f32 $0.0e+00, v14;
	v47 =	vpop (erf)  }
0x1a9: {  	v17 =	vadd.f32 $1.000000000e+00, v47  }
0x1aa: {  	v14 =	vmul.f32 $1.442695020e+00, v14  }
0x1ab: {  	(erf) = vrcp.f32 v17  }
0x1ac: {  	(erf) = vpow2.f32 v14;
	_ =	sdelay $0x4  }
0x1ad: {  	s31 =	sshll.u32 s31, $0x7  }
0x1ae: {  	v14 =	vld.idx.msk [tilespmem:v6+s31+$0x0 ss:$0x1], $0xffff  }
0x1af: {  	s18 =	sadd.s32 s28, s3;
	s31 =	sshll.u32 s22, $0x7  }
0x1b0: {  	s16 =	sadd.s32 $0xFFFFFFFD, s18;
	v48 =	vld.idx.msk [tilespmem:v6+s31+$0x0 ss:$0x1], $0xffff;
	v49 =	vpop (erf)  }
0x1b1: {  	s23 =	sshll.u32 s23, $0x7;
	p0 =	slt.u32 s16, $0x7FF;
	s22 =	simm.f32 $1.000000000e+00;
	v50 =	vpop (erf)  }
0x1b2: {  	v51 =	vld.idx.msk [tilespmem:v6+s23+$0x0 ss:$0x1], $0xffff;
	s22 =	simm.s32 @!p0 $0x0;
	v26 =	vadd.f32 $1.000000000e+00, v50  }
0x1b3: {  	s18 =	simm.f32 $1.000000000e+00;
	p0 =	slt.u32 s16, $0x7FE;
	v14 =	vmul.f32 s22, v14  }
0x1b4: {  	s31 =	sshll.u32 s30, $0x7;
	s18 =	simm.s32 @!p0 $0x0;
	(erf) = vrcp.f32 v26  }
0x1b5: {  	v52 =	vld.idx.msk [tilespmem:v6+s31+$0x0 ss:$0x1], $0xffff;
	p0 =	sgt.s32 s16, $0xFFFFFFFF;
	s16 =	simm.f32 $1.000000000e+00;
	v17 =	vmul.f32 s18, v48;
	v19 =	vmul.f32 v19, v14  }
0x1b6: {  	s16 =	simm.s32 @!p0 $0x0;
	v14 =	vmul.f32 v21, v14  }
0x1b7: {  	v54 =	vmul.f32 s16, v51;
	v53 =	vmul.f32 v61, v17;
	v19 =	vadd.f32 $0.0e+00, v19  }
0x1b8: {  	v17 =	vmul.f32 v25, v17;
	v14 =	vadd.f32 $0.0e+00, v14  }
0x1b9: {  	v16 =	vmul.f32 v45, v54;
	v19 =	vadd.f32 v53, v19  }
0x1ba: {  	v55 =	vmul.f32 s22, v52;
	v56 =	vmul.f32 v49, v54;
	v14 =	vadd.f32 v17, v14  }
0x1bb: {  	p0 =	sne.s32 s28, $0x12;
	v57 =	vmul.f32 s18, v52;
	v59 =	vmul.f32 s16, v52;
	v16 =	vadd.f32 v16, v19  }
.Ltmp2:
0x1bc: {  	v58 =	vmul.f32 v20, v55;
	v60 =	vmul.f32 v22, v55;
	v14 =	vadd.f32 v56, v14;
	(pc) =	sbr.rel @p0 .LBB2_7-.Ltmp2, $4  }
0x1bd: {  	v61 =	vmul.f32 v34, v57;
	v62 =	vmul.f32 v43, v57;
	v13 =	vadd.f32 v16, v13;
	v63 =	vpop (erf)  }
0x1be: {  	v15 =	vmul.f32 v15, v59;
	v14 =	vadd.f32 v14, v12;
	v18 =	vmul.f32 v63, v59  }
0x1bf: {  	s29 =	sadd.s32 $0x280, s29;
	v12 =	vadd.f32 v60, v9;
	v9 =	vadd.f32 v62, v8;
	[tilespmem:s25+$0x0] =	vst v13  }
0x1c0: {  	s28 =	sadd.s32 $0x1, s28;
	v13 =	vadd.f32 v58, v11;
	v11 =	vadd.f32 v61, v10;
	s25 =	sadd.s32 $0x80, s25;
	v10 =	vmovc v15;
	[tilespmem:s26+$0x0] =	vst v14;
	s26 =	sadd.s32 $0x80, s26;
	v8 =	vmov v18  }
0x1c1: {  	s12 =	sadd.s32 $0x1, s12  }
0x1c2: {  	p0 =	sne.s32 s12, $0x8  }
.Ltmp3:
0x1c3: {  	_ = 	snop;
	(pc) =	sbr.rel @p0 .LBB2_6-.Ltmp3, $2  }
0x1c4: {  	_ =	sdelay $0x2  }
0x1c5: {  	s13 =	sadd.s32 $0x10, s13;
	s19 =	sadd.s32 $0x10, s19;
	s21 =	sadd.s32 $0x10, s21  }
0x1c6: {  	s12 =	simm.s32 $0x7980  }
0x1c7: {  	[hbm4b:s8+s2] =	stream.linear.scatter [tilespmem:s12], [sflag:$0x1], $0x800, $0x38;
	[tilespmem:$0x9400] =	vst v63  }
0x1c8: {  	s24 =	sadd.s32 $0x1, s24;
	_ =	swait.ge [sflag:s20], $0x800  }
0x1c9: {  	p0 =	sne.s32 s24, s11;
	[sflag:s20] =	ssyncset.done $0x0  }
.Ltmp4:
0x1ca: {  	s31 =	simm.s32 $0x8580;
	[sflag:s20] =	ssyncadd.s32 $0xFFFFF800;
	(pc) =	sbr.rel @p0 .LBB2_1-.Ltmp4, $4  }
0x1cb: {  	[hbm4b:s10+s2] =	stream.linear.scatter [tilespmem:s31], [sflag:$0x1], $0x800, $0x38;
	[tilespmem:$0x9400] =	vst v63  }
0x1cc: {  	_ =	swait.ge [sflag:s20], $0x800  }
0x1cd: {  	[sflag:s20] =	ssyncset.done $0x0  }
0x1ce: {  	[sflag:s20] =	ssyncadd.s32 $0xFFFFF800  }
0x1cf: {  	_ =	sfence.sel $0x180000  }
0x1d0: {  	[bflag:$0x0] =	sbarrier.arrive $0xFFFF  }
0x1d1: {  	_ =	strace $0x90000047  }
0x1d2: {  	s0 =	stileid.u32;
	[bflag:$0x2] =	sbarrier.arrive $0xFFFF  }
0x1d3: {  	p0 =	sne.s32 s0, $0x0;
	s0 =	rddreg [dreg:$0x3]  }
0x1d4: {  	s0 =	sadd.s32 @!p0 $0x100000, s0  }
0x1d5: {  	[sflag:s0] =	ssyncadd.tile.s32 @!p0 $0x1;
	_ =	shalt  }
.Lfunc_end2:
_tile_overlayer_lowered:
.L_overlay_start_2:
0x1d6: {  	(tag) =	ssettag $0x2  }
0x1d7: {  	s0 =	rddreg [dreg:$0x0];
	s2 =	stileid.u32  }
0x1d8: {  	s1 =	rddreg [dreg:$0x1];
	p0 =	sne.s32 s2, $0x0  }
0x1d9: {  	s3 =	rddreg [dreg:$0x2];
	[bflag:$0x3] =	sbarrier.arrive $0xFFFF;
	s2 =	simm.s32 @!p0 $0x1C01  }
0x1da: {  	[timem:s3], [sflag:s2] =	dma.local @!p0 [hbm:s0], s1  }
0x1db: {  	s0 =	simm.s32 @!p0 $0x1  }
0x1dc: {  	_ =	swait.ge @!p0 [sflag:s0], s1  }
0x1dd: {  	s1 =	ssub.s32 @!p0 $0x0, s1;
	[sflag:s0] =	ssyncset.done @!p0 $0x0  }
0x1de: {  	[sflag:s0] =	ssyncadd.s32 @!p0 s1  }
0x1df: {  	[bflag:$0x3] =	sbarrier.arrive $0xFFFF  }
0x1e0: {  	_ =	shalt  }

</sc_bundles>
